<compile_context>
chip_gen: v7x
topology: tpu7x:2x2x1
jax: 0.10.2.dev20260603
libtpu: 0.0.44.dev20260713+nightly
codegen_flags: <defaults>
</compile_context>

<pallas_src>
import jax
import jax.numpy as jnp
from jax import lax
from jax.experimental import pallas as pl
from jax.experimental.pallas import tpu as pltpu
from jax.experimental.pallas import tpu_sc as plsc

N = 10000
E = 320000
D = 128
NC = 2
NS = 16
NW = NC * NS
EPW = E // NW
CH = 80
NCHUNK = EPW // CH
LN = 16
HA = 48
HB = CH - HA


def _pre_body(x_ref, wg_ref, al_ref, ar_ref, z_ref, el_ref, er_ref, m_ref):
    z = lax.dot_general(x_ref[...], wg_ref[...], (((1,), (1,)), ((), ())),
                        preferred_element_type=jnp.float32,
                        precision=lax.Precision.HIGHEST)
    z_ref[...] = z
    el = jnp.sum(z * al_ref[...][None, :], axis=1)
    er = jnp.sum(z * ar_ref[...][None, :], axis=1)
    el_ref[...] = el
    er_ref[...] = er
    m = jnp.max(el) + jnp.max(er)
    m = jnp.where(m >= 0.0, m, 0.2 * m)
    m_ref[...] = jnp.full((LN,), m, jnp.float32)


def _post_body(ph_ref, pd_ref, b_ref, wl_ref, o_ref):
    hu = ph_ref[0] + ph_ref[1]
    den = pd_ref[0, :, 0:1] + pd_ref[1, :, 0:1]
    h = hu / (den + 1e-9) + b_ref[...][None, :]
    h = jnp.where(h >= 0.0, h, 0.01 * h)
    o_ref[...] = lax.dot_general(h, wl_ref[...], (((1,), (1,)), ((), ())),
                                 preferred_element_type=jnp.float32,
                                 precision=lax.Precision.HIGHEST)


def _edge_body(z_hbm, el_hbm, er_hbm, sd_hbm, m_hbm,
               outh_hbm, outd_hbm,
               el_v, er_v, m_v, sdA, sdB, zA1, zA2, zrowB,
               wA1, wA2, wrowB, dA1, dA2, dstB, w_v,
               acch_sh, accd_sh, gsemA, gsemB, hA1sem, hA2sem,
               dA1sem, dA2sem, hsemB, dsemB, isem):
    cid = lax.axis_index("c")
    sid = lax.axis_index("s")
    wid = cid * NS + sid

    pltpu.sync_copy(el_hbm, el_v)
    pltpu.sync_copy(er_hbm, er_v)
    pltpu.sync_copy(m_hbm, m_v)
    mvec = m_v[...]
    lane = lax.iota(jnp.int32, LN)
    zero16 = jnp.zeros((LN,), jnp.float32)

    @pl.loop(0, HA)
    def _zeroA(j):
        for c in range(D // LN):
            zA1[j, pl.ds(c * LN, LN)] = zero16
        wA1[j, :] = zero16
        wA2[j, :] = zero16

    @pl.loop(0, HB)
    def _zeroB(j):
        for c in range(D // LN):
            zrowB[j, pl.ds(c * LN, LN)] = zero16
        wrowB[j, :] = zero16

    @pl.loop(sid, N // CH, step=NS)
    def _zcopy(g):
        pltpu.sync_copy(zA1, acch_sh.at[pl.ds(g * CH, HA)])
        pltpu.sync_copy(zrowB, acch_sh.at[pl.ds(g * CH + HA, HB)])
        pltpu.sync_copy(wA1, accd_sh.at[pl.ds(g * CH, HA)])
        pltpu.sync_copy(wrowB, accd_sh.at[pl.ds(g * CH + HA, HB)])

    plsc.subcore_barrier()

    cbase = wid * NCHUNK

    def scale_rows(zrow, nrows, wof):
        @plsc.parallel_loop(0, nrows, unroll=2)
        def _scale(j):
            wv = jnp.full((LN,), w_v[pl.ds(wof + j, LN)][0], jnp.float32)
            for c in range(D // LN):
                zrow[j, pl.ds(c * LN, LN)] = zrow[j, pl.ds(c * LN, LN)] * wv

    zcol = jnp.zeros((LN,), jnp.int32)

    def chunk_body(ci, sdP, sdQ, zaP, waP, daP, hsemP, dsemP,
                   zaQ, waQ, daQ, hsemQ, dsemQ, prev_pred, has_next):
        if has_next:
            pltpu.async_copy(sd_hbm.at[cbase + ci + 1], sdQ, isem)

        for g in range(CH // LN):
            si = sdP[0, pl.ds(g * LN, LN)]
            di = sdP[1, pl.ds(g * LN, LN)]
            s = plsc.load_gather(el_v, [si]) + plsc.load_gather(er_v, [di])
            e = jnp.where(s >= 0.0, s, 0.2 * s)
            w_v[pl.ds(g * LN, LN)] = jnp.exp(e - mvec)

        def drain_prev_b():
            pltpu.make_async_copy(zrowB, acch_sh.at[dstB], hsemB).wait()
            pltpu.make_async_copy(wrowB, accd_sh.at[dstB], dsemB).wait()

        if prev_pred is None:
            drain_prev_b()
        else:
            pl.when(prev_pred)(drain_prev_b)

        for g in range(HA // LN):
            daP[pl.ds(g * LN, LN)] = sdP[1, pl.ds(g * LN, LN)]
            plsc.store_scatter(waP, [lane + g * LN, zcol],
                               w_v[pl.ds(g * LN, LN)])
        for g in range(HB // LN):
            dstB[pl.ds(g * LN, LN)] = sdP[1, pl.ds(HA + g * LN, LN)]
            plsc.store_scatter(wrowB, [lane + g * LN, zcol],
                               w_v[pl.ds(HA + g * LN, LN)])

        pltpu.async_copy(z_hbm.at[sdP.at[0, pl.ds(HA, HB)]], zrowB, gsemB)
        pltpu.make_async_copy(z_hbm.at[sdP.at[0, pl.ds(0, HA)]],
                              zaP, gsemA).wait()

        scale_rows(zaP, HA, 0)
        pltpu.async_copy(zaP, acch_sh.at[daP], hsemP, add=True)
        pltpu.async_copy(waP, accd_sh.at[daP], dsemP, add=True)

        pltpu.make_async_copy(z_hbm.at[sdP.at[0, pl.ds(HA, HB)]],
                              zrowB, gsemB).wait()
        scale_rows(zrowB, HB, HA)

        def drain_prev_a():
            pltpu.make_async_copy(zaQ, acch_sh.at[daQ], hsemQ).wait()
            pltpu.make_async_copy(waQ, accd_sh.at[daQ], dsemQ).wait()

        if prev_pred is None:
            drain_prev_a()
        else:
            pl.when(prev_pred)(drain_prev_a)
        if has_next:
            pltpu.make_async_copy(sd_hbm.at[cbase + ci + 1], sdQ, isem).wait()
            pltpu.async_copy(z_hbm.at[sdQ.at[0, pl.ds(0, HA)]], zaQ, gsemA)

        pltpu.async_copy(zrowB, acch_sh.at[dstB], hsemB, add=True)
        pltpu.async_copy(wrowB, accd_sh.at[dstB], dsemB, add=True)

    pltpu.sync_copy(sd_hbm.at[cbase], sdA)
    pltpu.async_copy(z_hbm.at[sdA.at[0, pl.ds(0, HA)]], zA1, gsemA)

    @pl.loop(0, NCHUNK // 2)
    def _pair(k):
        chunk_body(2 * k, sdA, sdB, zA1, wA1, dA1, hA1sem, dA1sem,
                   zA2, wA2, dA2, hA2sem, dA2sem, k > 0, True)
        chunk_body(2 * k + 1, sdB, sdA, zA2, wA2, dA2, hA2sem, dA2sem,
                   zA1, wA1, dA1, hA1sem, dA1sem, None, True)

    chunk_body(NCHUNK - 1, sdA, sdB, zA1, wA1, dA1, hA1sem, dA1sem,
               zA2, wA2, dA2, hA2sem, dA2sem, None, False)
    pltpu.make_async_copy(zA1, acch_sh.at[dA1], hA1sem).wait()
    pltpu.make_async_copy(wA1, accd_sh.at[dA1], dA1sem).wait()
    pltpu.make_async_copy(zrowB, acch_sh.at[dstB], hsemB).wait()
    pltpu.make_async_copy(wrowB, accd_sh.at[dstB], dsemB).wait()

    plsc.subcore_barrier()

    @pl.loop(sid, N // CH, step=NS)
    def _out(g):
        pltpu.sync_copy(acch_sh.at[pl.ds(g * CH, CH)],
                        outh_hbm.at[cid, pl.ds(g * CH, CH)])
        pltpu.sync_copy(accd_sh.at[pl.ds(g * CH, CH)],
                        outd_hbm.at[cid, pl.ds(g * CH, CH)])


def kernel(x, edge_index, W_gat, attn_l, attn_r, bias_gat, W_lin):
    ei = edge_index.astype(jnp.int32)
    sd = ei.reshape(2, E // CH, CH).transpose(1, 0, 2)

    z, el, er, m = pl.pallas_call(
        _pre_body,
        out_shape=[
            jax.ShapeDtypeStruct((N, D), jnp.float32),
            jax.ShapeDtypeStruct((N,), jnp.float32),
            jax.ShapeDtypeStruct((N,), jnp.float32),
            jax.ShapeDtypeStruct((LN,), jnp.float32),
        ],
    )(x, W_gat, attn_l, attn_r)

    mesh = plsc.VectorSubcoreMesh(core_axis_name="c", subcore_axis_name="s",
                                  num_cores=NC, num_subcores=NS)
    edge_kernel = pl.kernel(
        _edge_body,
        out_type=[
            jax.ShapeDtypeStruct((NC, N, D), jnp.float32),
            jax.ShapeDtypeStruct((NC, N, LN), jnp.float32),
        ],
        mesh=mesh,
        compiler_params=pltpu.CompilerParams(use_tc_tiling_on_sc=False,
                                             needs_layout_passes=False),
        scratch_types=[
            pltpu.VMEM((N,), jnp.float32),
            pltpu.VMEM((N,), jnp.float32),
            pltpu.VMEM((LN,), jnp.float32),
            pltpu.VMEM((2, CH), jnp.int32),
            pltpu.VMEM((2, CH), jnp.int32),
            pltpu.VMEM((HA, D), jnp.float32),
            pltpu.VMEM((HA, D), jnp.float32),
            pltpu.VMEM((HB, D), jnp.float32),
            pltpu.VMEM((HA, LN), jnp.float32),
            pltpu.VMEM((HA, LN), jnp.float32),
            pltpu.VMEM((HB, LN), jnp.float32),
            pltpu.VMEM((HA,), jnp.int32),
            pltpu.VMEM((HA,), jnp.int32),
            pltpu.VMEM((HB,), jnp.int32),
            pltpu.VMEM((CH + LN,), jnp.float32),
            pltpu.VMEM_SHARED((N, D), jnp.float32),
            pltpu.VMEM_SHARED((N, LN), jnp.float32),
            pltpu.SemaphoreType.DMA,
            pltpu.SemaphoreType.DMA,
            pltpu.SemaphoreType.DMA,
            pltpu.SemaphoreType.DMA,
            pltpu.SemaphoreType.DMA,
            pltpu.SemaphoreType.DMA,
            pltpu.SemaphoreType.DMA,
            pltpu.SemaphoreType.DMA,
            pltpu.SemaphoreType.DMA,
        ],
    )
    parts_h, parts_d = edge_kernel(z, el, er, sd, m)

    out = pl.pallas_call(
        _post_body,
        out_shape=jax.ShapeDtypeStruct((N, D), jnp.float32),
    )(parts_h, parts_d, bias_gat, W_lin)
    return out

# --- scband reference (transcript-rebuilt; emitter-appended) ---
"""Pipeline reference for scband-denoising-27092653703705 (READ-ONLY COPY).

The authoritative reference and input builder live on the scoring server;
editing this copy changes nothing except your own understanding.
"""

import jax, jax.numpy as jnp
import numpy as np

N_NODES = 10000
N_EDGES = 320000
D_IN = 128
D_HID = 128
D_OUT = 128


def setup_inputs(seed: int = 0) -> dict:
    key = jax.random.key(seed)
    k1, k2, k3, k4, k5, k6, k7 = jax.random.split(key, 7)
    x = jax.random.normal(k1, (N_NODES, D_IN), dtype=jnp.float32)
    edge_index = jax.random.randint(k2, (2, N_EDGES), 0, N_NODES, dtype=jnp.int64)
    # GATConv params (single head): fc weight, attn_l, attn_r, bias
    W_gat = jax.random.normal(k3, (D_HID, D_IN), dtype=jnp.float32) * (1.0 / np.sqrt(D_IN))
    attn_l = jax.random.normal(k4, (D_HID,), dtype=jnp.float32) * 0.1
    attn_r = jax.random.normal(k5, (D_HID,), dtype=jnp.float32) * 0.1
    bias_gat = jnp.zeros((D_HID,), dtype=jnp.float32)
    # encoder_linear (no bias), xavier-normal-ish init
    W_lin = jax.random.normal(k6, (D_OUT, D_HID), dtype=jnp.float32) * np.sqrt(2.0 / (D_HID + D_OUT))
    return {"x": x, "edge_index": edge_index, "W_gat": W_gat, "attn_l": attn_l,
            "attn_r": attn_r, "bias_gat": bias_gat, "W_lin": W_lin}


def reference(x, edge_index, W_gat, attn_l, attn_r, bias_gat, W_lin):
    src = edge_index[0]
    dst = edge_index[1]
    n = x.shape[0]
    # GATConv single head
    z = x @ W_gat.T  # [N, D_HID]
    el = jnp.sum(z * attn_l, axis=-1)  # [N]
    er = jnp.sum(z * attn_r, axis=-1)  # [N]
    e = jax.nn.leaky_relu(el[src] + er[dst], negative_slope=0.2)  # [E]
    # edge softmax over destination nodes
    emax = jax.ops.segment_max(e, dst, num_segments=n)  # [N]
    ee = jnp.exp(e - emax[dst])
    denom = jax.ops.segment_sum(ee, dst, num_segments=n)  # [N]
    alpha = ee / (denom[dst] + 1e-9)  # [E]
    # weighted message aggregation (scatter-add over dst)
    msg = z[src] * alpha[:, None]  # [E, D_HID]
    h = jax.ops.segment_sum(msg, dst, num_segments=n)  # [N, D_HID]
    h = h + bias_gat
    # module activation: nn.LeakyReLU() default slope 0.01, then squeeze (no-op for single head)
    h = jax.nn.leaky_relu(h, negative_slope=0.01)
    # encoder_linear, bias=False
    out = h @ W_lin.T
    return out

if __name__ == "__main__":
    import jax
    _d = setup_inputs()
    print(jax.jit(kernel)(*tuple(_d.values())))

</pallas_src>

<mosaic_0001>
#map = affine_map<(d0, d1) -> (0, 0)>
#map1 = affine_map<(d0, d1) -> (0)>
#map2 = affine_map<(d0, d1) -> (0, 0, 0)>
module attributes {stable_mosaic.version = 14 : i64} {
  func.func @_edge_body(%arg0: i32, %arg1: i32, %arg2: memref<10000x128xf32, #tpu.memory_space<hbm>>, %arg3: memref<10000xf32, #tpu.memory_space<hbm>>, %arg4: memref<10000xf32, #tpu.memory_space<hbm>>, %arg5: memref<4000x2x80xi32, #tpu.memory_space<hbm>>, %arg6: memref<16xf32, #tpu.memory_space<hbm>>, %arg7: memref<2x10000x128xf32, #tpu.memory_space<hbm>>, %arg8: memref<2x10000x16xf32, #tpu.memory_space<hbm>>, %arg9: memref<10000xf32, #tpu.memory_space<vmem>>, %arg10: memref<10000xf32, #tpu.memory_space<vmem>>, %arg11: memref<16xf32, #tpu.memory_space<vmem>>, %arg12: memref<2x80xi32, #tpu.memory_space<vmem>>, %arg13: memref<2x80xi32, #tpu.memory_space<vmem>>, %arg14: memref<48x128xf32, #tpu.memory_space<vmem>>, %arg15: memref<48x128xf32, #tpu.memory_space<vmem>>, %arg16: memref<32x128xf32, #tpu.memory_space<vmem>>, %arg17: memref<48x16xf32, #tpu.memory_space<vmem>>, %arg18: memref<48x16xf32, #tpu.memory_space<vmem>>, %arg19: memref<32x16xf32, #tpu.memory_space<vmem>>, %arg20: memref<48xi32, #tpu.memory_space<vmem>>, %arg21: memref<48xi32, #tpu.memory_space<vmem>>, %arg22: memref<32xi32, #tpu.memory_space<vmem>>, %arg23: memref<96xf32, #tpu.memory_space<vmem>>, %arg24: memref<10000x128xf32, #tpu.memory_space<vmem_shared>>, %arg25: memref<10000x16xf32, #tpu.memory_space<vmem_shared>>, %arg26: memref<!tpu.dma_semaphore, #tpu.memory_space<semaphore_mem>>, %arg27: memref<!tpu.dma_semaphore, #tpu.memory_space<semaphore_mem>>, %arg28: memref<!tpu.dma_semaphore, #tpu.memory_space<semaphore_mem>>, %arg29: memref<!tpu.dma_semaphore, #tpu.memory_space<semaphore_mem>>, %arg30: memref<!tpu.dma_semaphore, #tpu.memory_space<semaphore_mem>>, %arg31: memref<!tpu.dma_semaphore, #tpu.memory_space<semaphore_mem>>, %arg32: memref<!tpu.dma_semaphore, #tpu.memory_space<semaphore_mem>>, %arg33: memref<!tpu.dma_semaphore, #tpu.memory_space<semaphore_mem>>, %arg34: memref<!tpu.dma_semaphore, #tpu.memory_space<semaphore_mem>>) attributes {dimension_semantics = [#tpu.dimension_semantics<core_parallel>, #tpu.dimension_semantics<subcore_parallel>], iteration_bounds = array<i64: 2, 16>, scalar_prefetch = 0 : i64, scratch_operands = 26 : i64, tpu.core_type = #tpu.core_type<sc_vector_subcore>, window_params = [{transform_indices = #map}, {transform_indices = #map1}, {transform_indices = #map1}, {transform_indices = #map2}, {transform_indices = #map1}, {transform_indices = #map2}, {transform_indices = #map2}]} {
    %mul3A = arith.constant 16 : i32
    %mul3A_0 = arith.muli %arg0, %mul3A : i32
    %add3A = arith.addi %mul3A_0, %arg1 : i32
    "tpu.region"() ({
      %run_scoped3A = tpu.sem_alloc : memref<!tpu.dma_semaphore, #tpu.memory_space<semaphore_mem>>
      tpu.enqueue_dma source(%arg3 : memref<10000xf32, #tpu.memory_space<hbm>>) target(%arg9 : memref<10000xf32, #tpu.memory_space<vmem>>) target_semaphore(%run_scoped3A : memref<!tpu.dma_semaphore, #tpu.memory_space<semaphore_mem>>)
      tpu.wait_dma2 semaphore(%run_scoped3A : memref<!tpu.dma_semaphore, #tpu.memory_space<semaphore_mem>>) src(%arg3 : memref<10000xf32, #tpu.memory_space<hbm>>) dst(%arg9 : memref<10000xf32, #tpu.memory_space<vmem>>)
      tpu.yield
    }) : () -> ()
    "tpu.region"() ({
      %run_scoped3A = tpu.sem_alloc : memref<!tpu.dma_semaphore, #tpu.memory_space<semaphore_mem>>
      tpu.enqueue_dma source(%arg4 : memref<10000xf32, #tpu.memory_space<hbm>>) target(%arg10 : memref<10000xf32, #tpu.memory_space<vmem>>) target_semaphore(%run_scoped3A : memref<!tpu.dma_semaphore, #tpu.memory_space<semaphore_mem>>)
      tpu.wait_dma2 semaphore(%run_scoped3A : memref<!tpu.dma_semaphore, #tpu.memory_space<semaphore_mem>>) src(%arg4 : memref<10000xf32, #tpu.memory_space<hbm>>) dst(%arg10 : memref<10000xf32, #tpu.memory_space<vmem>>)
      tpu.yield
    }) : () -> ()
    "tpu.region"() ({
      %run_scoped3A = tpu.sem_alloc : memref<!tpu.dma_semaphore, #tpu.memory_space<semaphore_mem>>
      tpu.enqueue_dma source(%arg6 : memref<16xf32, #tpu.memory_space<hbm>>) target(%arg11 : memref<16xf32, #tpu.memory_space<vmem>>) target_semaphore(%run_scoped3A : memref<!tpu.dma_semaphore, #tpu.memory_space<semaphore_mem>>)
      tpu.wait_dma2 semaphore(%run_scoped3A : memref<!tpu.dma_semaphore, #tpu.memory_space<semaphore_mem>>) src(%arg6 : memref<16xf32, #tpu.memory_space<hbm>>) dst(%arg11 : memref<16xf32, #tpu.memory_space<vmem>>)
      tpu.yield
    }) : () -> ()
    %get3A = arith.constant 0 : index
    %get3A_1 = tpu.vector_load %arg11[%get3A] {strides = array<i32>} : memref<16xf32, #tpu.memory_space<vmem>>, vector<16xf32>,
    %iota3A = tpu.iota {dimensions = array<i32: 0>} : vector<16xi32>
    %broadcast_in_dim3A = arith.constant 0.000000e+00 : f32
    %broadcast_in_dim3A_2 = vector.broadcast %broadcast_in_dim3A : f32 to vector<16xf32>
    %scan3A = arith.constant 0 : i32
    %scan3A_3 = arith.constant 48 : i32
    %scan3A_4 = arith.addi %scan3A, %scan3A_3 : i32
    %scan3A_5 = arith.constant 1 : i32
    scf.for %scan3A_282 = %scan3A to %scan3A_4 step %scan3A_5  : i32 {
      %mul3A_283 = arith.constant 1 : i32
      %mul3A_284 = arith.muli %scan3A_282, %mul3A_283 : i32
      %add3A_285 = arith.constant 0 : i32
      %add3A_286 = arith.addi %add3A_285, %mul3A_284 : i32
      %swap3A_287 = arith.index_cast %add3A_286 : i32 to index
      %swap3A_288 = arith.constant 0 : index
      %swap3A_289 = tpu.vector_load %arg14[%swap3A_287, %swap3A_288] {strides = array<i32>} : memref<48x128xf32, #tpu.memory_space<vmem>>, vector<16xf32>,
      tpu.vector_store %arg14[%swap3A_287, %swap3A_288], %broadcast_in_dim3A_2 {strides = array<i32>} : memref<48x128xf32, #tpu.memory_space<vmem>>, vector<16xf32>,
      %swap3A_290 = arith.index_cast %add3A_286 : i32 to index
      %swap3A_291 = arith.constant 16 : index
      %swap3A_292 = tpu.vector_load %arg14[%swap3A_290, %swap3A_291] {strides = array<i32>} : memref<48x128xf32, #tpu.memory_space<vmem>>, vector<16xf32>,
      tpu.vector_store %arg14[%swap3A_290, %swap3A_291], %broadcast_in_dim3A_2 {strides = array<i32>} : memref<48x128xf32, #tpu.memory_space<vmem>>, vector<16xf32>,
      %swap3A_293 = arith.index_cast %add3A_286 : i32 to index
      %swap3A_294 = arith.constant 32 : index
      %swap3A_295 = tpu.vector_load %arg14[%swap3A_293, %swap3A_294] {strides = array<i32>} : memref<48x128xf32, #tpu.memory_space<vmem>>, vector<16xf32>,
      tpu.vector_store %arg14[%swap3A_293, %swap3A_294], %broadcast_in_dim3A_2 {strides = array<i32>} : memref<48x128xf32, #tpu.memory_space<vmem>>, vector<16xf32>,
      %swap3A_296 = arith.index_cast %add3A_286 : i32 to index
      %swap3A_297 = arith.constant 48 : index
      %swap3A_298 = tpu.vector_load %arg14[%swap3A_296, %swap3A_297] {strides = array<i32>} : memref<48x128xf32, #tpu.memory_space<vmem>>, vector<16xf32>,
      tpu.vector_store %arg14[%swap3A_296, %swap3A_297], %broadcast_in_dim3A_2 {strides = array<i32>} : memref<48x128xf32, #tpu.memory_space<vmem>>, vector<16xf32>,
      %swap3A_299 = arith.index_cast %add3A_286 : i32 to index
      %swap3A_300 = arith.constant 64 : index
      %swap3A_301 = tpu.vector_load %arg14[%swap3A_299, %swap3A_300] {strides = array<i32>} : memref<48x128xf32, #tpu.memory_space<vmem>>, vector<16xf32>,
      tpu.vector_store %arg14[%swap3A_299, %swap3A_300], %broadcast_in_dim3A_2 {strides = array<i32>} : memref<48x128xf32, #tpu.memory_space<vmem>>, vector<16xf32>,
      %swap3A_302 = arith.index_cast %add3A_286 : i32 to index
      %swap3A_303 = arith.constant 80 : index
      %swap3A_304 = tpu.vector_load %arg14[%swap3A_302, %swap3A_303] {strides = array<i32>} : memref<48x128xf32, #tpu.memory_space<vmem>>, vector<16xf32>,
      tpu.vector_store %arg14[%swap3A_302, %swap3A_303], %broadcast_in_dim3A_2 {strides = array<i32>} : memref<48x128xf32, #tpu.memory_space<vmem>>, vector<16xf32>,
      %swap3A_305 = arith.index_cast %add3A_286 : i32 to index
      %swap3A_306 = arith.constant 96 : index
      %swap3A_307 = tpu.vector_load %arg14[%swap3A_305, %swap3A_306] {strides = array<i32>} : memref<48x128xf32, #tpu.memory_space<vmem>>, vector<16xf32>,
      tpu.vector_store %arg14[%swap3A_305, %swap3A_306], %broadcast_in_dim3A_2 {strides = array<i32>} : memref<48x128xf32, #tpu.memory_space<vmem>>, vector<16xf32>,
      %swap3A_308 = arith.index_cast %add3A_286 : i32 to index
      %swap3A_309 = arith.constant 112 : index
      %swap3A_310 = tpu.vector_load %arg14[%swap3A_308, %swap3A_309] {strides = array<i32>} : memref<48x128xf32, #tpu.memory_space<vmem>>, vector<16xf32>,
      tpu.vector_store %arg14[%swap3A_308, %swap3A_309], %broadcast_in_dim3A_2 {strides = array<i32>} : memref<48x128xf32, #tpu.memory_space<vmem>>, vector<16xf32>,
      %swap3A_311 = arith.index_cast %add3A_286 : i32 to index
      %swap3A_312 = arith.constant 0 : index
      %swap3A_313 = tpu.vector_load %arg17[%swap3A_311, %swap3A_312] {strides = array<i32>} : memref<48x16xf32, #tpu.memory_space<vmem>>, vector<16xf32>,
      tpu.vector_store %arg17[%swap3A_311, %swap3A_312], %broadcast_in_dim3A_2 {strides = array<i32>} : memref<48x16xf32, #tpu.memory_space<vmem>>, vector<16xf32>,
      %swap3A_314 = arith.index_cast %add3A_286 : i32 to index
      %swap3A_315 = arith.constant 0 : index
      %swap3A_316 = tpu.vector_load %arg18[%swap3A_314, %swap3A_315] {strides = array<i32>} : memref<48x16xf32, #tpu.memory_space<vmem>>, vector<16xf32>,
      tpu.vector_store %arg18[%swap3A_314, %swap3A_315], %broadcast_in_dim3A_2 {strides = array<i32>} : memref<48x16xf32, #tpu.memory_space<vmem>>, vector<16xf32>,
    }
    %scan3A_6 = arith.constant 48 : i32
    %scan3A_7 = arith.constant 0 : i32
    %scan3A_8 = arith.constant 32 : i32
    %scan3A_9 = arith.addi %scan3A_7, %scan3A_8 : i32
    %scan3A_10 = arith.constant 1 : i32
    scf.for %scan3A_282 = %scan3A_7 to %scan3A_9 step %scan3A_10  : i32 {
      %mul3A_283 = arith.constant 1 : i32
      %mul3A_284 = arith.muli %scan3A_282, %mul3A_283 : i32
      %add3A_285 = arith.constant 0 : i32
      %add3A_286 = arith.addi %add3A_285, %mul3A_284 : i32
      %swap3A_287 = arith.index_cast %add3A_286 : i32 to index
      %swap3A_288 = arith.constant 0 : index
      %swap3A_289 = tpu.vector_load %arg16[%swap3A_287, %swap3A_288] {strides = array<i32>} : memref<32x128xf32, #tpu.memory_space<vmem>>, vector<16xf32>,
      tpu.vector_store %arg16[%swap3A_287, %swap3A_288], %broadcast_in_dim3A_2 {strides = array<i32>} : memref<32x128xf32, #tpu.memory_space<vmem>>, vector<16xf32>,
      %swap3A_290 = arith.index_cast %add3A_286 : i32 to index
      %swap3A_291 = arith.constant 16 : index
      %swap3A_292 = tpu.vector_load %arg16[%swap3A_290, %swap3A_291] {strides = array<i32>} : memref<32x128xf32, #tpu.memory_space<vmem>>, vector<16xf32>,
      tpu.vector_store %arg16[%swap3A_290, %swap3A_291], %broadcast_in_dim3A_2 {strides = array<i32>} : memref<32x128xf32, #tpu.memory_space<vmem>>, vector<16xf32>,
      %swap3A_293 = arith.index_cast %add3A_286 : i32 to index
      %swap3A_294 = arith.constant 32 : index
      %swap3A_295 = tpu.vector_load %arg16[%swap3A_293, %swap3A_294] {strides = array<i32>} : memref<32x128xf32, #tpu.memory_space<vmem>>, vector<16xf32>,
      tpu.vector_store %arg16[%swap3A_293, %swap3A_294], %broadcast_in_dim3A_2 {strides = array<i32>} : memref<32x128xf32, #tpu.memory_space<vmem>>, vector<16xf32>,
      %swap3A_296 = arith.index_cast %add3A_286 : i32 to index
      %swap3A_297 = arith.constant 48 : index
      %swap3A_298 = tpu.vector_load %arg16[%swap3A_296, %swap3A_297] {strides = array<i32>} : memref<32x128xf32, #tpu.memory_space<vmem>>, vector<16xf32>,
      tpu.vector_store %arg16[%swap3A_296, %swap3A_297], %broadcast_in_dim3A_2 {strides = array<i32>} : memref<32x128xf32, #tpu.memory_space<vmem>>, vector<16xf32>,
      %swap3A_299 = arith.index_cast %add3A_286 : i32 to index
      %swap3A_300 = arith.constant 64 : index
      %swap3A_301 = tpu.vector_load %arg16[%swap3A_299, %swap3A_300] {strides = array<i32>} : memref<32x128xf32, #tpu.memory_space<vmem>>, vector<16xf32>,
      tpu.vector_store %arg16[%swap3A_299, %swap3A_300], %broadcast_in_dim3A_2 {strides = array<i32>} : memref<32x128xf32, #tpu.memory_space<vmem>>, vector<16xf32>,
      %swap3A_302 = arith.index_cast %add3A_286 : i32 to index
      %swap3A_303 = arith.constant 80 : index
      %swap3A_304 = tpu.vector_load %arg16[%swap3A_302, %swap3A_303] {strides = array<i32>} : memref<32x128xf32, #tpu.memory_space<vmem>>, vector<16xf32>,
      tpu.vector_store %arg16[%swap3A_302, %swap3A_303], %broadcast_in_dim3A_2 {strides = array<i32>} : memref<32x128xf32, #tpu.memory_space<vmem>>, vector<16xf32>,
      %swap3A_305 = arith.index_cast %add3A_286 : i32 to index
      %swap3A_306 = arith.constant 96 : index
      %swap3A_307 = tpu.vector_load %arg16[%swap3A_305, %swap3A_306] {strides = array<i32>} : memref<32x128xf32, #tpu.memory_space<vmem>>, vector<16xf32>,
      tpu.vector_store %arg16[%swap3A_305, %swap3A_306], %broadcast_in_dim3A_2 {strides = array<i32>} : memref<32x128xf32, #tpu.memory_space<vmem>>, vector<16xf32>,
      %swap3A_308 = arith.index_cast %add3A_286 : i32 to index
      %swap3A_309 = arith.constant 112 : index
      %swap3A_310 = tpu.vector_load %arg16[%swap3A_308, %swap3A_309] {strides = array<i32>} : memref<32x128xf32, #tpu.memory_space<vmem>>, vector<16xf32>,
      tpu.vector_store %arg16[%swap3A_308, %swap3A_309], %broadcast_in_dim3A_2 {strides = array<i32>} : memref<32x128xf32, #tpu.memory_space<vmem>>, vector<16xf32>,
      %swap3A_311 = arith.index_cast %add3A_286 : i32 to index
      %swap3A_312 = arith.constant 0 : index
      %swap3A_313 = tpu.vector_load %arg19[%swap3A_311, %swap3A_312] {strides = array<i32>} : memref<32x16xf32, #tpu.memory_space<vmem>>, vector<16xf32>,
      tpu.vector_store %arg19[%swap3A_311, %swap3A_312], %broadcast_in_dim3A_2 {strides = array<i32>} : memref<32x16xf32, #tpu.memory_space<vmem>>, vector<16xf32>,
    }
    %scan3A_11 = arith.constant 32 : i32
    %sub3A = arith.constant 125 : i32
    %sub3A_12 = arith.subi %sub3A, %arg1 : i32
    %sub3A_13 = arith.constant 16 : i32
    %sub3A_14 = arith.constant 1 : i32
    %sub3A_15 = arith.subi %sub3A_13, %sub3A_14 : i32
    %add3A_16 = arith.addi %sub3A_12, %sub3A_15 : i32
    %div3A = arith.constant 16 : i32
    %div3A_17 = arith.divsi %add3A_16, %div3A : i32
    %while3A = arith.constant 16 : i32
    %while3A_18 = arith.constant 0 : i32
    %while3A_19 = arith.subi %div3A_17, %while3A_18 : i32
    %while3A_20 = arith.addi %while3A_18, %while3A_19 : i32
    %while3A_21 = arith.constant 1 : i32
    %while3A_22 = arith.divsi %while3A_19, %while3A_21 : i32
    %while3A_23 = arith.muli %while3A_22, %while3A_21 : i32
    %while3A_24 = arith.addi %while3A_18, %while3A_23 : i32
    %while3A_25 = arith.constant 1 : i32
    scf.for %while3A_282 = %while3A_18 to %while3A_24 step %while3A_25  : i32 {
      %mul3A_283 = arith.muli %while3A_282, %while3A : i32
      %add3A_284 = arith.addi %arg1, %mul3A_283 : i32
      %mul3A_285 = arith.constant 80 : i32
      %mul3A_286 = arith.muli %add3A_284, %mul3A_285 : i32
      "tpu.region"() ({
        %run_scoped3A = tpu.sem_alloc : memref<!tpu.dma_semaphore, #tpu.memory_space<semaphore_mem>>
        %dma_start3A_297 = arith.constant 0 : i32
        %dma_start3A_298 = tpu.memref_slice %arg24[%mul3A_286, %dma_start3A_297] : memref<10000x128xf32, #tpu.memory_space<vmem_shared>> -> memref<48x128xf32, #tpu.memory_space<vmem_shared>>
        %dma_start3A_299 = arith.constant 0 : i32
        %dma_start3A_300 = tpu.memref_slice %arg24[%mul3A_286, %dma_start3A_299] : memref<10000x128xf32, #tpu.memory_space<vmem_shared>> -> memref<48x128xf32, #tpu.memory_space<vmem_shared>>
        tpu.enqueue_dma source(%arg14 : memref<48x128xf32, #tpu.memory_space<vmem>>) target(%dma_start3A_300 : memref<48x128xf32, #tpu.memory_space<vmem_shared>>) target_semaphore(%run_scoped3A : memref<!tpu.dma_semaphore, #tpu.memory_space<semaphore_mem>>)
        %dma_wait3A_301 = arith.constant 0 : i32
        %dma_wait3A_302 = tpu.memref_slice %arg24[%mul3A_286, %dma_wait3A_301] : memref<10000x128xf32, #tpu.memory_space<vmem_shared>> -> memref<48x128xf32, #tpu.memory_space<vmem_shared>>
        %dma_wait3A_303 = arith.constant 0 : i32
        %dma_wait3A_304 = tpu.memref_slice %arg24[%mul3A_286, %dma_wait3A_303] : memref<10000x128xf32, #tpu.memory_space<vmem_shared>> -> memref<48x128xf32, #tpu.memory_space<vmem_shared>>
        tpu.wait_dma2 semaphore(%run_scoped3A : memref<!tpu.dma_semaphore, #tpu.memory_space<semaphore_mem>>) src(%arg14 : memref<48x128xf32, #tpu.memory_space<vmem>>) dst(%dma_wait3A_304 : memref<48x128xf32, #tpu.memory_space<vmem_shared>>)
        tpu.yield
      }) : () -> ()
      %mul3A_287 = arith.constant 80 : i32
      %mul3A_288 = arith.muli %add3A_284, %mul3A_287 : i32
      %add3A_289 = arith.constant 48 : i32
      %add3A_290 = arith.addi %mul3A_288, %add3A_289 : i32
      "tpu.region"() ({
        %run_scoped3A = tpu.sem_alloc : memref<!tpu.dma_semaphore, #tpu.memory_space<semaphore_mem>>
        %dma_start3A_297 = arith.constant 0 : i32
        %dma_start3A_298 = tpu.memref_slice %arg24[%add3A_290, %dma_start3A_297] : memref<10000x128xf32, #tpu.memory_space<vmem_shared>> -> memref<32x128xf32, #tpu.memory_space<vmem_shared>>
        %dma_start3A_299 = arith.constant 0 : i32
        %dma_start3A_300 = tpu.memref_slice %arg24[%add3A_290, %dma_start3A_299] : memref<10000x128xf32, #tpu.memory_space<vmem_shared>> -> memref<32x128xf32, #tpu.memory_space<vmem_shared>>
        tpu.enqueue_dma source(%arg16 : memref<32x128xf32, #tpu.memory_space<vmem>>) target(%dma_start3A_300 : memref<32x128xf32, #tpu.memory_space<vmem_shared>>) target_semaphore(%run_scoped3A : memref<!tpu.dma_semaphore, #tpu.memory_space<semaphore_mem>>)
        %dma_wait3A_301 = arith.constant 0 : i32
        %dma_wait3A_302 = tpu.memref_slice %arg24[%add3A_290, %dma_wait3A_301] : memref<10000x128xf32, #tpu.memory_space<vmem_shared>> -> memref<32x128xf32, #tpu.memory_space<vmem_shared>>
        %dma_wait3A_303 = arith.constant 0 : i32
        %dma_wait3A_304 = tpu.memref_slice %arg24[%add3A_290, %dma_wait3A_303] : memref<10000x128xf32, #tpu.memory_space<vmem_shared>> -> memref<32x128xf32, #tpu.memory_space<vmem_shared>>
        tpu.wait_dma2 semaphore(%run_scoped3A : memref<!tpu.dma_semaphore, #tpu.memory_space<semaphore_mem>>) src(%arg16 : memref<32x128xf32, #tpu.memory_space<vmem>>) dst(%dma_wait3A_304 : memref<32x128xf32, #tpu.memory_space<vmem_shared>>)
        tpu.yield
      }) : () -> ()
      %mul3A_291 = arith.constant 80 : i32
      %mul3A_292 = arith.muli %add3A_284, %mul3A_291 : i32
      "tpu.region"() ({
        %run_scoped3A = tpu.sem_alloc : memref<!tpu.dma_semaphore, #tpu.memory_space<semaphore_mem>>
        %dma_start3A_297 = arith.constant 0 : i32
        %dma_start3A_298 = tpu.memref_slice %arg25[%mul3A_292, %dma_start3A_297] : memref<10000x16xf32, #tpu.memory_space<vmem_shared>> -> memref<48x16xf32, #tpu.memory_space<vmem_shared>>
        %dma_start3A_299 = arith.constant 0 : i32
        %dma_start3A_300 = tpu.memref_slice %arg25[%mul3A_292, %dma_start3A_299] : memref<10000x16xf32, #tpu.memory_space<vmem_shared>> -> memref<48x16xf32, #tpu.memory_space<vmem_shared>>
        tpu.enqueue_dma source(%arg17 : memref<48x16xf32, #tpu.memory_space<vmem>>) target(%dma_start3A_300 : memref<48x16xf32, #tpu.memory_space<vmem_shared>>) target_semaphore(%run_scoped3A : memref<!tpu.dma_semaphore, #tpu.memory_space<semaphore_mem>>)
        %dma_wait3A_301 = arith.constant 0 : i32
        %dma_wait3A_302 = tpu.memref_slice %arg25[%mul3A_292, %dma_wait3A_301] : memref<10000x16xf32, #tpu.memory_space<vmem_shared>> -> memref<48x16xf32, #tpu.memory_space<vmem_shared>>
        %dma_wait3A_303 = arith.constant 0 : i32
        %dma_wait3A_304 = tpu.memref_slice %arg25[%mul3A_292, %dma_wait3A_303] : memref<10000x16xf32, #tpu.memory_space<vmem_shared>> -> memref<48x16xf32, #tpu.memory_space<vmem_shared>>
        tpu.wait_dma2 semaphore(%run_scoped3A : memref<!tpu.dma_semaphore, #tpu.memory_space<semaphore_mem>>) src(%arg17 : memref<48x16xf32, #tpu.memory_space<vmem>>) dst(%dma_wait3A_304 : memref<48x16xf32, #tpu.memory_space<vmem_shared>>)
        tpu.yield
      }) : () -> ()
      %mul3A_293 = arith.constant 80 : i32
      %mul3A_294 = arith.muli %add3A_284, %mul3A_293 : i32
      %add3A_295 = arith.constant 48 : i32
      %add3A_296 = arith.addi %mul3A_294, %add3A_295 : i32
      "tpu.region"() ({
        %run_scoped3A = tpu.sem_alloc : memref<!tpu.dma_semaphore, #tpu.memory_space<semaphore_mem>>
        %dma_start3A_297 = arith.constant 0 : i32
        %dma_start3A_298 = tpu.memref_slice %arg25[%add3A_296, %dma_start3A_297] : memref<10000x16xf32, #tpu.memory_space<vmem_shared>> -> memref<32x16xf32, #tpu.memory_space<vmem_shared>>
        %dma_start3A_299 = arith.constant 0 : i32
        %dma_start3A_300 = tpu.memref_slice %arg25[%add3A_296, %dma_start3A_299] : memref<10000x16xf32, #tpu.memory_space<vmem_shared>> -> memref<32x16xf32, #tpu.memory_space<vmem_shared>>
        tpu.enqueue_dma source(%arg19 : memref<32x16xf32, #tpu.memory_space<vmem>>) target(%dma_start3A_300 : memref<32x16xf32, #tpu.memory_space<vmem_shared>>) target_semaphore(%run_scoped3A : memref<!tpu.dma_semaphore, #tpu.memory_space<semaphore_mem>>)
        %dma_wait3A_301 = arith.constant 0 : i32
        %dma_wait3A_302 = tpu.memref_slice %arg25[%add3A_296, %dma_wait3A_301] : memref<10000x16xf32, #tpu.memory_space<vmem_shared>> -> memref<32x16xf32, #tpu.memory_space<vmem_shared>>
        %dma_wait3A_303 = arith.constant 0 : i32
        %dma_wait3A_304 = tpu.memref_slice %arg25[%add3A_296, %dma_wait3A_303] : memref<10000x16xf32, #tpu.memory_space<vmem_shared>> -> memref<32x16xf32, #tpu.memory_space<vmem_shared>>
        tpu.wait_dma2 semaphore(%run_scoped3A : memref<!tpu.dma_semaphore, #tpu.memory_space<semaphore_mem>>) src(%arg19 : memref<32x16xf32, #tpu.memory_space<vmem>>) dst(%dma_wait3A_304 : memref<32x16xf32, #tpu.memory_space<vmem_shared>>)
        tpu.yield
      }) : () -> ()
    }
    %while3A_26 = arith.constant 1 : i32
    scf.for %while3A_282 = %while3A_24 to %while3A_20 step %while3A_26  : i32 {
      %mul3A_283 = arith.muli %while3A_282, %while3A : i32
      %add3A_284 = arith.addi %arg1, %mul3A_283 : i32
      %mul3A_285 = arith.constant 80 : i32
      %mul3A_286 = arith.muli %add3A_284, %mul3A_285 : i32
      "tpu.region"() ({
        %run_scoped3A = tpu.sem_alloc : memref<!tpu.dma_semaphore, #tpu.memory_space<semaphore_mem>>
        %dma_start3A_297 = arith.constant 0 : i32
        %dma_start3A_298 = tpu.memref_slice %arg24[%mul3A_286, %dma_start3A_297] : memref<10000x128xf32, #tpu.memory_space<vmem_shared>> -> memref<48x128xf32, #tpu.memory_space<vmem_shared>>
        %dma_start3A_299 = arith.constant 0 : i32
        %dma_start3A_300 = tpu.memref_slice %arg24[%mul3A_286, %dma_start3A_299] : memref<10000x128xf32, #tpu.memory_space<vmem_shared>> -> memref<48x128xf32, #tpu.memory_space<vmem_shared>>
        tpu.enqueue_dma source(%arg14 : memref<48x128xf32, #tpu.memory_space<vmem>>) target(%dma_start3A_300 : memref<48x128xf32, #tpu.memory_space<vmem_shared>>) target_semaphore(%run_scoped3A : memref<!tpu.dma_semaphore, #tpu.memory_space<semaphore_mem>>)
        %dma_wait3A_301 = arith.constant 0 : i32
        %dma_wait3A_302 = tpu.memref_slice %arg24[%mul3A_286, %dma_wait3A_301] : memref<10000x128xf32, #tpu.memory_space<vmem_shared>> -> memref<48x128xf32, #tpu.memory_space<vmem_shared>>
        %dma_wait3A_303 = arith.constant 0 : i32
        %dma_wait3A_304 = tpu.memref_slice %arg24[%mul3A_286, %dma_wait3A_303] : memref<10000x128xf32, #tpu.memory_space<vmem_shared>> -> memref<48x128xf32, #tpu.memory_space<vmem_shared>>
        tpu.wait_dma2 semaphore(%run_scoped3A : memref<!tpu.dma_semaphore, #tpu.memory_space<semaphore_mem>>) src(%arg14 : memref<48x128xf32, #tpu.memory_space<vmem>>) dst(%dma_wait3A_304 : memref<48x128xf32, #tpu.memory_space<vmem_shared>>)
        tpu.yield
      }) : () -> ()
      %mul3A_287 = arith.constant 80 : i32
      %mul3A_288 = arith.muli %add3A_284, %mul3A_287 : i32
      %add3A_289 = arith.constant 48 : i32
      %add3A_290 = arith.addi %mul3A_288, %add3A_289 : i32
      "tpu.region"() ({
        %run_scoped3A = tpu.sem_alloc : memref<!tpu.dma_semaphore, #tpu.memory_space<semaphore_mem>>
        %dma_start3A_297 = arith.constant 0 : i32
        %dma_start3A_298 = tpu.memref_slice %arg24[%add3A_290, %dma_start3A_297] : memref<10000x128xf32, #tpu.memory_space<vmem_shared>> -> memref<32x128xf32, #tpu.memory_space<vmem_shared>>
        %dma_start3A_299 = arith.constant 0 : i32
        %dma_start3A_300 = tpu.memref_slice %arg24[%add3A_290, %dma_start3A_299] : memref<10000x128xf32, #tpu.memory_space<vmem_shared>> -> memref<32x128xf32, #tpu.memory_space<vmem_shared>>
        tpu.enqueue_dma source(%arg16 : memref<32x128xf32, #tpu.memory_space<vmem>>) target(%dma_start3A_300 : memref<32x128xf32, #tpu.memory_space<vmem_shared>>) target_semaphore(%run_scoped3A : memref<!tpu.dma_semaphore, #tpu.memory_space<semaphore_mem>>)
        %dma_wait3A_301 = arith.constant 0 : i32
        %dma_wait3A_302 = tpu.memref_slice %arg24[%add3A_290, %dma_wait3A_301] : memref<10000x128xf32, #tpu.memory_space<vmem_shared>> -> memref<32x128xf32, #tpu.memory_space<vmem_shared>>
        %dma_wait3A_303 = arith.constant 0 : i32
        %dma_wait3A_304 = tpu.memref_slice %arg24[%add3A_290, %dma_wait3A_303] : memref<10000x128xf32, #tpu.memory_space<vmem_shared>> -> memref<32x128xf32, #tpu.memory_space<vmem_shared>>
        tpu.wait_dma2 semaphore(%run_scoped3A : memref<!tpu.dma_semaphore, #tpu.memory_space<semaphore_mem>>) src(%arg16 : memref<32x128xf32, #tpu.memory_space<vmem>>) dst(%dma_wait3A_304 : memref<32x128xf32, #tpu.memory_space<vmem_shared>>)
        tpu.yield
      }) : () -> ()
      %mul3A_291 = arith.constant 80 : i32
      %mul3A_292 = arith.muli %add3A_284, %mul3A_291 : i32
      "tpu.region"() ({
        %run_scoped3A = tpu.sem_alloc : memref<!tpu.dma_semaphore, #tpu.memory_space<semaphore_mem>>
        %dma_start3A_297 = arith.constant 0 : i32
        %dma_start3A_298 = tpu.memref_slice %arg25[%mul3A_292, %dma_start3A_297] : memref<10000x16xf32, #tpu.memory_space<vmem_shared>> -> memref<48x16xf32, #tpu.memory_space<vmem_shared>>
        %dma_start3A_299 = arith.constant 0 : i32
        %dma_start3A_300 = tpu.memref_slice %arg25[%mul3A_292, %dma_start3A_299] : memref<10000x16xf32, #tpu.memory_space<vmem_shared>> -> memref<48x16xf32, #tpu.memory_space<vmem_shared>>
        tpu.enqueue_dma source(%arg17 : memref<48x16xf32, #tpu.memory_space<vmem>>) target(%dma_start3A_300 : memref<48x16xf32, #tpu.memory_space<vmem_shared>>) target_semaphore(%run_scoped3A : memref<!tpu.dma_semaphore, #tpu.memory_space<semaphore_mem>>)
        %dma_wait3A_301 = arith.constant 0 : i32
        %dma_wait3A_302 = tpu.memref_slice %arg25[%mul3A_292, %dma_wait3A_301] : memref<10000x16xf32, #tpu.memory_space<vmem_shared>> -> memref<48x16xf32, #tpu.memory_space<vmem_shared>>
        %dma_wait3A_303 = arith.constant 0 : i32
        %dma_wait3A_304 = tpu.memref_slice %arg25[%mul3A_292, %dma_wait3A_303] : memref<10000x16xf32, #tpu.memory_space<vmem_shared>> -> memref<48x16xf32, #tpu.memory_space<vmem_shared>>
        tpu.wait_dma2 semaphore(%run_scoped3A : memref<!tpu.dma_semaphore, #tpu.memory_space<semaphore_mem>>) src(%arg17 : memref<48x16xf32, #tpu.memory_space<vmem>>) dst(%dma_wait3A_304 : memref<48x16xf32, #tpu.memory_space<vmem_shared>>)
        tpu.yield
      }) : () -> ()
      %mul3A_293 = arith.constant 80 : i32
      %mul3A_294 = arith.muli %add3A_284, %mul3A_293 : i32
      %add3A_295 = arith.constant 48 : i32
      %add3A_296 = arith.addi %mul3A_294, %add3A_295 : i32
      "tpu.region"() ({
        %run_scoped3A = tpu.sem_alloc : memref<!tpu.dma_semaphore, #tpu.memory_space<semaphore_mem>>
        %dma_start3A_297 = arith.constant 0 : i32
        %dma_start3A_298 = tpu.memref_slice %arg25[%add3A_296, %dma_start3A_297] : memref<10000x16xf32, #tpu.memory_space<vmem_shared>> -> memref<32x16xf32, #tpu.memory_space<vmem_shared>>
        %dma_start3A_299 = arith.constant 0 : i32
        %dma_start3A_300 = tpu.memref_slice %arg25[%add3A_296, %dma_start3A_299] : memref<10000x16xf32, #tpu.memory_space<vmem_shared>> -> memref<32x16xf32, #tpu.memory_space<vmem_shared>>
        tpu.enqueue_dma source(%arg19 : memref<32x16xf32, #tpu.memory_space<vmem>>) target(%dma_start3A_300 : memref<32x16xf32, #tpu.memory_space<vmem_shared>>) target_semaphore(%run_scoped3A : memref<!tpu.dma_semaphore, #tpu.memory_space<semaphore_mem>>)
        %dma_wait3A_301 = arith.constant 0 : i32
        %dma_wait3A_302 = tpu.memref_slice %arg25[%add3A_296, %dma_wait3A_301] : memref<10000x16xf32, #tpu.memory_space<vmem_shared>> -> memref<32x16xf32, #tpu.memory_space<vmem_shared>>
        %dma_wait3A_303 = arith.constant 0 : i32
        %dma_wait3A_304 = tpu.memref_slice %arg25[%add3A_296, %dma_wait3A_303] : memref<10000x16xf32, #tpu.memory_space<vmem_shared>> -> memref<32x16xf32, #tpu.memory_space<vmem_shared>>
        tpu.wait_dma2 semaphore(%run_scoped3A : memref<!tpu.dma_semaphore, #tpu.memory_space<semaphore_mem>>) src(%arg19 : memref<32x16xf32, #tpu.memory_space<vmem>>) dst(%dma_wait3A_304 : memref<32x16xf32, #tpu.memory_space<vmem_shared>>)
        tpu.yield
      }) : () -> ()
    }
    %barrier3A = arith.constant 0 : index
    tpu.barrier barrier_id(%barrier3A)
    %mul3A_27 = arith.constant 125 : i32
    %mul3A_28 = arith.muli %add3A, %mul3A_27 : i32
    %broadcast_in_dim3A_29 = arith.constant 0 : i32
    %broadcast_in_dim3A_30 = vector.broadcast %broadcast_in_dim3A_29 : i32 to vector<16xi32>
    "tpu.region"() ({
      %run_scoped3A = tpu.sem_alloc : memref<!tpu.dma_semaphore, #tpu.memory_space<semaphore_mem>>
      %dma_start3A_282 = arith.constant 0 : i32
      %dma_start3A_283 = arith.constant 0 : i32
      %dma_start3A_284 = tpu.memref_slice %arg5[%mul3A_28, %dma_start3A_282, %dma_start3A_283] : memref<4000x2x80xi32, #tpu.memory_space<hbm>> -> memref<1x2x80xi32, #tpu.memory_space<hbm>>
      %dma_start3A_285 = tpu.memref_squeeze %dma_start3A_284 : memref<1x2x80xi32, #tpu.memory_space<hbm>> -> memref<2x80xi32, #tpu.memory_space<hbm>>
      %dma_start3A_286 = arith.constant 0 : i32
      %dma_start3A_287 = arith.constant 0 : i32
      %dma_start3A_288 = tpu.memref_slice %arg5[%mul3A_28, %dma_start3A_286, %dma_start3A_287] : memref<4000x2x80xi32, #tpu.memory_space<hbm>> -> memref<1x2x80xi32, #tpu.memory_space<hbm>>
      %dma_start3A_289 = tpu.memref_squeeze %dma_start3A_288 : memref<1x2x80xi32, #tpu.memory_space<hbm>> -> memref<2x80xi32, #tpu.memory_space<hbm>>
      tpu.enqueue_dma source(%dma_start3A_289 : memref<2x80xi32, #tpu.memory_space<hbm>>) target(%arg12 : memref<2x80xi32, #tpu.memory_space<vmem>>) target_semaphore(%run_scoped3A : memref<!tpu.dma_semaphore, #tpu.memory_space<semaphore_mem>>)
      %dma_wait3A_290 = arith.constant 0 : i32
      %dma_wait3A_291 = arith.constant 0 : i32
      %dma_wait3A_292 = tpu.memref_slice %arg5[%mul3A_28, %dma_wait3A_290, %dma_wait3A_291] : memref<4000x2x80xi32, #tpu.memory_space<hbm>> -> memref<1x2x80xi32, #tpu.memory_space<hbm>>
      %dma_wait3A_293 = tpu.memref_squeeze %dma_wait3A_292 : memref<1x2x80xi32, #tpu.memory_space<hbm>> -> memref<2x80xi32, #tpu.memory_space<hbm>>
      %dma_wait3A_294 = arith.constant 0 : i32
      %dma_wait3A_295 = arith.constant 0 : i32
      %dma_wait3A_296 = tpu.memref_slice %arg5[%mul3A_28, %dma_wait3A_294, %dma_wait3A_295] : memref<4000x2x80xi32, #tpu.memory_space<hbm>> -> memref<1x2x80xi32, #tpu.memory_space<hbm>>
      %dma_wait3A_297 = tpu.memref_squeeze %dma_wait3A_296 : memref<1x2x80xi32, #tpu.memory_space<hbm>> -> memref<2x80xi32, #tpu.memory_space<hbm>>
      tpu.wait_dma2 semaphore(%run_scoped3A : memref<!tpu.dma_semaphore, #tpu.memory_space<semaphore_mem>>) src(%dma_wait3A_297 : memref<2x80xi32, #tpu.memory_space<hbm>>) dst(%arg12 : memref<2x80xi32, #tpu.memory_space<vmem>>)
      tpu.yield
    }) : () -> ()
    %dma_start3A = arith.constant 0 : i32
    %dma_start3A_31 = arith.constant 0 : i32
    %dma_start3A_32 = tpu.memref_slice %arg12[%dma_start3A, %dma_start3A_31] : memref<2x80xi32, #tpu.memory_space<vmem>> -> memref<1x48xi32, #tpu.memory_space<vmem>>
    %dma_start3A_33 = tpu.memref_squeeze %dma_start3A_32 : memref<1x48xi32, #tpu.memory_space<vmem>> -> memref<48xi32, #tpu.memory_space<vmem>>
    %dma_start3A_34 = arith.constant 0 : i32
    %dma_start3A_35 = arith.constant 0 : i32
    %dma_start3A_36 = tpu.memref_slice %arg2[%dma_start3A_34, %dma_start3A_35] : memref<10000x128xf32, #tpu.memory_space<hbm>> -> memref<10000x128xf32, #tpu.memory_space<hbm>>
    tpu.enqueue_indirect_dma source(%dma_start3A_36 : memref<10000x128xf32, #tpu.memory_space<hbm>>) target(%arg14 : memref<48x128xf32, #tpu.memory_space<vmem>>) offsets(%dma_start3A_33 : memref<48xi32, #tpu.memory_space<vmem>>) semaphore(%arg26 : memref<!tpu.dma_semaphore, #tpu.memory_space<semaphore_mem>>)
    %scan3A_37 = arith.constant 0 : i32
    %scan3A_38 = arith.constant 62 : i32
    %scan3A_39 = arith.addi %scan3A_37, %scan3A_38 : i32
    %scan3A_40 = arith.constant 1 : i32
    scf.for %scan3A_282 = %scan3A_37 to %scan3A_39 step %scan3A_40  : i32 {
      %mul3A_283 = arith.constant 1 : i32
      %mul3A_284 = arith.muli %scan3A_282, %mul3A_283 : i32
      %add3A_285 = arith.constant 0 : i32
      %add3A_286 = arith.addi %add3A_285, %mul3A_284 : i32
      %mul3A_287 = arith.constant 2 : i32
      %mul3A_288 = arith.muli %mul3A_287, %add3A_286 : i32
      %gt3A = arith.constant 0 : i32
      %gt3A_289 = arith.cmpi sgt, %add3A_286, %gt3A : i32
      %add3A_290 = arith.addi %mul3A_28, %mul3A_288 : i32
      %add3A_291 = arith.constant 1 : i32
      %add3A_292 = arith.addi %add3A_290, %add3A_291 : i32
      %dma_start3A_293 = arith.constant 0 : i32
      %dma_start3A_294 = arith.constant 0 : i32
      %dma_start3A_295 = tpu.memref_slice %arg5[%add3A_292, %dma_start3A_293, %dma_start3A_294] : memref<4000x2x80xi32, #tpu.memory_space<hbm>> -> memref<1x2x80xi32, #tpu.memory_space<hbm>>
      %dma_start3A_296 = tpu.memref_squeeze %dma_start3A_295 : memref<1x2x80xi32, #tpu.memory_space<hbm>> -> memref<2x80xi32, #tpu.memory_space<hbm>>
      %dma_start3A_297 = arith.constant 0 : i32
      %dma_start3A_298 = arith.constant 0 : i32
      %dma_start3A_299 = tpu.memref_slice %arg5[%add3A_292, %dma_start3A_297, %dma_start3A_298] : memref<4000x2x80xi32, #tpu.memory_space<hbm>> -> memref<1x2x80xi32, #tpu.memory_space<hbm>>
      %dma_start3A_300 = tpu.memref_squeeze %dma_start3A_299 : memref<1x2x80xi32, #tpu.memory_space<hbm>> -> memref<2x80xi32, #tpu.memory_space<hbm>>
      tpu.enqueue_dma source(%dma_start3A_300 : memref<2x80xi32, #tpu.memory_space<hbm>>) target(%arg13 : memref<2x80xi32, #tpu.memory_space<vmem>>) target_semaphore(%arg34 : memref<!tpu.dma_semaphore, #tpu.memory_space<semaphore_mem>>)
      %get3A_301 = arith.constant 0 : i32
      %get3A_302 = arith.index_cast %get3A_301 : i32 to index
      %get3A_303 = arith.constant 0 : index
      %get3A_304 = tpu.vector_load %arg12[%get3A_302, %get3A_303] {strides = array<i32>} : memref<2x80xi32, #tpu.memory_space<vmem>>, vector<16xi32>,
      %get3A_305 = arith.constant 1 : i32
      %get3A_306 = arith.index_cast %get3A_305 : i32 to index
      %get3A_307 = arith.constant 0 : index
      %get3A_308 = tpu.vector_load %arg12[%get3A_306, %get3A_307] {strides = array<i32>} : memref<2x80xi32, #tpu.memory_space<vmem>>, vector<16xi32>,
      %gather3A_309 = tpu.vector_load_idx %arg9[%get3A_304] : memref<10000xf32, #tpu.memory_space<vmem>>[vector<16xi32>], vector<16xf32>,
      %gather3A_310 = tpu.vector_load_idx %arg10[%get3A_308] : memref<10000xf32, #tpu.memory_space<vmem>>[vector<16xi32>], vector<16xf32>,
      %add3A_311 = arith.addf %gather3A_309, %gather3A_310 : vector<16xf32>
      %ge3A_312 = arith.constant 0.000000e+00 : f32
      %ge3A_313 = vector.broadcast %ge3A_312 : f32 to vector<16xf32>
      %ge3A_314 = arith.cmpf oge, %add3A_311, %ge3A_313 : vector<16xf32>
      %mul3A_315 = arith.constant 2.000000e-01 : f32
      %mul3A_316 = vector.broadcast %mul3A_315 : f32 to vector<16xf32>
      %mul3A_317 = arith.mulf %mul3A_316, %add3A_311 : vector<16xf32>
      %select_n3A_318 = arith.select %ge3A_314, %add3A_311, %mul3A_317 : vector<16xi1>, vector<16xf32>
      %sub3A_319 = arith.subf %select_n3A_318, %get3A_1 : vector<16xf32>
      %exp3A_320 = math.exp %sub3A_319 : vector<16xf32>
      %swap3A_321 = arith.constant 0 : index
      %swap3A_322 = tpu.vector_load %arg23[%swap3A_321] {strides = array<i32>} : memref<96xf32, #tpu.memory_space<vmem>>, vector<16xf32>,
      tpu.vector_store %arg23[%swap3A_321], %exp3A_320 {strides = array<i32>} : memref<96xf32, #tpu.memory_space<vmem>>, vector<16xf32>,
      %get3A_323 = arith.constant 0 : i32
      %get3A_324 = arith.index_cast %get3A_323 : i32 to index
      %get3A_325 = arith.constant 16 : index
      %get3A_326 = tpu.vector_load %arg12[%get3A_324, %get3A_325] {strides = array<i32>} : memref<2x80xi32, #tpu.memory_space<vmem>>, vector<16xi32>,
      %get3A_327 = arith.constant 1 : i32
      %get3A_328 = arith.index_cast %get3A_327 : i32 to index
      %get3A_329 = arith.constant 16 : index
      %get3A_330 = tpu.vector_load %arg12[%get3A_328, %get3A_329] {strides = array<i32>} : memref<2x80xi32, #tpu.memory_space<vmem>>, vector<16xi32>,
      %gather3A_331 = tpu.vector_load_idx %arg9[%get3A_326] : memref<10000xf32, #tpu.memory_space<vmem>>[vector<16xi32>], vector<16xf32>,
      %gather3A_332 = tpu.vector_load_idx %arg10[%get3A_330] : memref<10000xf32, #tpu.memory_space<vmem>>[vector<16xi32>], vector<16xf32>,
      %add3A_333 = arith.addf %gather3A_331, %gather3A_332 : vector<16xf32>
      %ge3A_334 = arith.constant 0.000000e+00 : f32
      %ge3A_335 = vector.broadcast %ge3A_334 : f32 to vector<16xf32>
      %ge3A_336 = arith.cmpf oge, %add3A_333, %ge3A_335 : vector<16xf32>
      %mul3A_337 = arith.constant 2.000000e-01 : f32
      %mul3A_338 = vector.broadcast %mul3A_337 : f32 to vector<16xf32>
      %mul3A_339 = arith.mulf %mul3A_338, %add3A_333 : vector<16xf32>
      %select_n3A_340 = arith.select %ge3A_336, %add3A_333, %mul3A_339 : vector<16xi1>, vector<16xf32>
      %sub3A_341 = arith.subf %select_n3A_340, %get3A_1 : vector<16xf32>
      %exp3A_342 = math.exp %sub3A_341 : vector<16xf32>
      %swap3A_343 = arith.constant 16 : index
      %swap3A_344 = tpu.vector_load %arg23[%swap3A_343] {strides = array<i32>} : memref<96xf32, #tpu.memory_space<vmem>>, vector<16xf32>,
      tpu.vector_store %arg23[%swap3A_343], %exp3A_342 {strides = array<i32>} : memref<96xf32, #tpu.memory_space<vmem>>, vector<16xf32>,
      %get3A_345 = arith.constant 0 : i32
      %get3A_346 = arith.index_cast %get3A_345 : i32 to index
      %get3A_347 = arith.constant 32 : index
      %get3A_348 = tpu.vector_load %arg12[%get3A_346, %get3A_347] {strides = array<i32>} : memref<2x80xi32, #tpu.memory_space<vmem>>, vector<16xi32>,
      %get3A_349 = arith.constant 1 : i32
      %get3A_350 = arith.index_cast %get3A_349 : i32 to index
      %get3A_351 = arith.constant 32 : index
      %get3A_352 = tpu.vector_load %arg12[%get3A_350, %get3A_351] {strides = array<i32>} : memref<2x80xi32, #tpu.memory_space<vmem>>, vector<16xi32>,
      %gather3A_353 = tpu.vector_load_idx %arg9[%get3A_348] : memref<10000xf32, #tpu.memory_space<vmem>>[vector<16xi32>], vector<16xf32>,
      %gather3A_354 = tpu.vector_load_idx %arg10[%get3A_352] : memref<10000xf32, #tpu.memory_space<vmem>>[vector<16xi32>], vector<16xf32>,
      %add3A_355 = arith.addf %gather3A_353, %gather3A_354 : vector<16xf32>
      %ge3A_356 = arith.constant 0.000000e+00 : f32
      %ge3A_357 = vector.broadcast %ge3A_356 : f32 to vector<16xf32>
      %ge3A_358 = arith.cmpf oge, %add3A_355, %ge3A_357 : vector<16xf32>
      %mul3A_359 = arith.constant 2.000000e-01 : f32
      %mul3A_360 = vector.broadcast %mul3A_359 : f32 to vector<16xf32>
      %mul3A_361 = arith.mulf %mul3A_360, %add3A_355 : vector<16xf32>
      %select_n3A_362 = arith.select %ge3A_358, %add3A_355, %mul3A_361 : vector<16xi1>, vector<16xf32>
      %sub3A_363 = arith.subf %select_n3A_362, %get3A_1 : vector<16xf32>
      %exp3A_364 = math.exp %sub3A_363 : vector<16xf32>
      %swap3A_365 = arith.constant 32 : index
      %swap3A_366 = tpu.vector_load %arg23[%swap3A_365] {strides = array<i32>} : memref<96xf32, #tpu.memory_space<vmem>>, vector<16xf32>,
      tpu.vector_store %arg23[%swap3A_365], %exp3A_364 {strides = array<i32>} : memref<96xf32, #tpu.memory_space<vmem>>, vector<16xf32>,
      %get3A_367 = arith.constant 0 : i32
      %get3A_368 = arith.index_cast %get3A_367 : i32 to index
      %get3A_369 = arith.constant 48 : index
      %get3A_370 = tpu.vector_load %arg12[%get3A_368, %get3A_369] {strides = array<i32>} : memref<2x80xi32, #tpu.memory_space<vmem>>, vector<16xi32>,
      %get3A_371 = arith.constant 1 : i32
      %get3A_372 = arith.index_cast %get3A_371 : i32 to index
      %get3A_373 = arith.constant 48 : index
      %get3A_374 = tpu.vector_load %arg12[%get3A_372, %get3A_373] {strides = array<i32>} : memref<2x80xi32, #tpu.memory_space<vmem>>, vector<16xi32>,
      %gather3A_375 = tpu.vector_load_idx %arg9[%get3A_370] : memref<10000xf32, #tpu.memory_space<vmem>>[vector<16xi32>], vector<16xf32>,
      %gather3A_376 = tpu.vector_load_idx %arg10[%get3A_374] : memref<10000xf32, #tpu.memory_space<vmem>>[vector<16xi32>], vector<16xf32>,
      %add3A_377 = arith.addf %gather3A_375, %gather3A_376 : vector<16xf32>
      %ge3A_378 = arith.constant 0.000000e+00 : f32
      %ge3A_379 = vector.broadcast %ge3A_378 : f32 to vector<16xf32>
      %ge3A_380 = arith.cmpf oge, %add3A_377, %ge3A_379 : vector<16xf32>
      %mul3A_381 = arith.constant 2.000000e-01 : f32
      %mul3A_382 = vector.broadcast %mul3A_381 : f32 to vector<16xf32>
      %mul3A_383 = arith.mulf %mul3A_382, %add3A_377 : vector<16xf32>
      %select_n3A_384 = arith.select %ge3A_380, %add3A_377, %mul3A_383 : vector<16xi1>, vector<16xf32>
      %sub3A_385 = arith.subf %select_n3A_384, %get3A_1 : vector<16xf32>
      %exp3A_386 = math.exp %sub3A_385 : vector<16xf32>
      %swap3A_387 = arith.constant 48 : index
      %swap3A_388 = tpu.vector_load %arg23[%swap3A_387] {strides = array<i32>} : memref<96xf32, #tpu.memory_space<vmem>>, vector<16xf32>,
      tpu.vector_store %arg23[%swap3A_387], %exp3A_386 {strides = array<i32>} : memref<96xf32, #tpu.memory_space<vmem>>, vector<16xf32>,
      %get3A_389 = arith.constant 0 : i32
      %get3A_390 = arith.index_cast %get3A_389 : i32 to index
      %get3A_391 = arith.constant 64 : index
      %get3A_392 = tpu.vector_load %arg12[%get3A_390, %get3A_391] {strides = array<i32>} : memref<2x80xi32, #tpu.memory_space<vmem>>, vector<16xi32>,
      %get3A_393 = arith.constant 1 : i32
      %get3A_394 = arith.index_cast %get3A_393 : i32 to index
      %get3A_395 = arith.constant 64 : index
      %get3A_396 = tpu.vector_load %arg12[%get3A_394, %get3A_395] {strides = array<i32>} : memref<2x80xi32, #tpu.memory_space<vmem>>, vector<16xi32>,
      %gather3A_397 = tpu.vector_load_idx %arg9[%get3A_392] : memref<10000xf32, #tpu.memory_space<vmem>>[vector<16xi32>], vector<16xf32>,
      %gather3A_398 = tpu.vector_load_idx %arg10[%get3A_396] : memref<10000xf32, #tpu.memory_space<vmem>>[vector<16xi32>], vector<16xf32>,
      %add3A_399 = arith.addf %gather3A_397, %gather3A_398 : vector<16xf32>
      %ge3A_400 = arith.constant 0.000000e+00 : f32
      %ge3A_401 = vector.broadcast %ge3A_400 : f32 to vector<16xf32>
      %ge3A_402 = arith.cmpf oge, %add3A_399, %ge3A_401 : vector<16xf32>
      %mul3A_403 = arith.constant 2.000000e-01 : f32
      %mul3A_404 = vector.broadcast %mul3A_403 : f32 to vector<16xf32>
      %mul3A_405 = arith.mulf %mul3A_404, %add3A_399 : vector<16xf32>
      %select_n3A_406 = arith.select %ge3A_402, %add3A_399, %mul3A_405 : vector<16xi1>, vector<16xf32>
      %sub3A_407 = arith.subf %select_n3A_406, %get3A_1 : vector<16xf32>
      %exp3A_408 = math.exp %sub3A_407 : vector<16xf32>
      %swap3A_409 = arith.constant 64 : index
      %swap3A_410 = tpu.vector_load %arg23[%swap3A_409] {strides = array<i32>} : memref<96xf32, #tpu.memory_space<vmem>>, vector<16xf32>,
      tpu.vector_store %arg23[%swap3A_409], %exp3A_408 {strides = array<i32>} : memref<96xf32, #tpu.memory_space<vmem>>, vector<16xf32>,
      %convert_element_type3A = arith.extui %gt3A_289 : i1 to i32
      %cond3A = arith.constant 0 : i32
      %cond3A_411 = arith.cmpi ne, %convert_element_type3A, %cond3A : i32
      scf.if %cond3A_411 {
        %dma_wait3A_776 = arith.constant 0 : i32
        %dma_wait3A_777 = arith.constant 0 : i32
        %dma_wait3A_778 = tpu.memref_slice %arg24[%dma_wait3A_776, %dma_wait3A_777] : memref<10000x128xf32, #tpu.memory_space<vmem_shared>> -> memref<10000x128xf32, #tpu.memory_space<vmem_shared>>
        tpu.wait_indirect_dma semaphore(%arg32 : memref<!tpu.dma_semaphore, #tpu.memory_space<semaphore_mem>>) src(%arg16 : memref<32x128xf32, #tpu.memory_space<vmem>>) dst(%dma_wait3A_778 : memref<10000x128xf32, #tpu.memory_space<vmem_shared>>)
        %dma_wait3A_779 = arith.constant 0 : i32
        %dma_wait3A_780 = arith.constant 0 : i32
        %dma_wait3A_781 = tpu.memref_slice %arg25[%dma_wait3A_779, %dma_wait3A_780] : memref<10000x16xf32, #tpu.memory_space<vmem_shared>> -> memref<10000x16xf32, #tpu.memory_space<vmem_shared>>
        tpu.wait_indirect_dma semaphore(%arg33 : memref<!tpu.dma_semaphore, #tpu.memory_space<semaphore_mem>>) src(%arg19 : memref<32x16xf32, #tpu.memory_space<vmem>>) dst(%dma_wait3A_781 : memref<10000x16xf32, #tpu.memory_space<vmem_shared>>)
      } else {
      }
      %get3A_412 = arith.constant 1 : i32
      %get3A_413 = arith.index_cast %get3A_412 : i32 to index
      %get3A_414 = arith.constant 0 : index
      %get3A_415 = tpu.vector_load %arg12[%get3A_413, %get3A_414] {strides = array<i32>} : memref<2x80xi32, #tpu.memory_space<vmem>>, vector<16xi32>,
      %swap3A_416 = arith.constant 0 : index
      %swap3A_417 = tpu.vector_load %arg20[%swap3A_416] {strides = array<i32>} : memref<48xi32, #tpu.memory_space<vmem>>, vector<16xi32>,
      tpu.vector_store %arg20[%swap3A_416], %get3A_415 {strides = array<i32>} : memref<48xi32, #tpu.memory_space<vmem>>, vector<16xi32>,
      %add3A_418 = arith.constant 0 : i32
      %add3A_419 = vector.broadcast %add3A_418 : i32 to vector<16xi32>
      %add3A_420 = arith.addi %iota3A, %add3A_419 : vector<16xi32>
      %get3A_421 = arith.constant 0 : index
      %get3A_422 = tpu.vector_load %arg23[%get3A_421] {strides = array<i32>} : memref<96xf32, #tpu.memory_space<vmem>>, vector<16xf32>,
      tpu.vector_store_idx %arg17[%add3A_420, %broadcast_in_dim3A_30], %get3A_422 : memref<48x16xf32, #tpu.memory_space<vmem>>[vector<16xi32>, vector<16xi32>], vector<16xf32>,
      %get3A_423 = arith.constant 1 : i32
      %get3A_424 = arith.index_cast %get3A_423 : i32 to index
      %get3A_425 = arith.constant 16 : index
      %get3A_426 = tpu.vector_load %arg12[%get3A_424, %get3A_425] {strides = array<i32>} : memref<2x80xi32, #tpu.memory_space<vmem>>, vector<16xi32>,
      %swap3A_427 = arith.constant 16 : index
      %swap3A_428 = tpu.vector_load %arg20[%swap3A_427] {strides = array<i32>} : memref<48xi32, #tpu.memory_space<vmem>>, vector<16xi32>,
      tpu.vector_store %arg20[%swap3A_427], %get3A_426 {strides = array<i32>} : memref<48xi32, #tpu.memory_space<vmem>>, vector<16xi32>,
      %add3A_429 = arith.constant 16 : i32
      %add3A_430 = vector.broadcast %add3A_429 : i32 to vector<16xi32>
      %add3A_431 = arith.addi %iota3A, %add3A_430 : vector<16xi32>
      %get3A_432 = arith.constant 16 : index
      %get3A_433 = tpu.vector_load %arg23[%get3A_432] {strides = array<i32>} : memref<96xf32, #tpu.memory_space<vmem>>, vector<16xf32>,
      tpu.vector_store_idx %arg17[%add3A_431, %broadcast_in_dim3A_30], %get3A_433 : memref<48x16xf32, #tpu.memory_space<vmem>>[vector<16xi32>, vector<16xi32>], vector<16xf32>,
      %get3A_434 = arith.constant 1 : i32
      %get3A_435 = arith.index_cast %get3A_434 : i32 to index
      %get3A_436 = arith.constant 32 : index
      %get3A_437 = tpu.vector_load %arg12[%get3A_435, %get3A_436] {strides = array<i32>} : memref<2x80xi32, #tpu.memory_space<vmem>>, vector<16xi32>,
      %swap3A_438 = arith.constant 32 : index
      %swap3A_439 = tpu.vector_load %arg20[%swap3A_438] {strides = array<i32>} : memref<48xi32, #tpu.memory_space<vmem>>, vector<16xi32>,
      tpu.vector_store %arg20[%swap3A_438], %get3A_437 {strides = array<i32>} : memref<48xi32, #tpu.memory_space<vmem>>, vector<16xi32>,
      %add3A_440 = arith.constant 32 : i32
      %add3A_441 = vector.broadcast %add3A_440 : i32 to vector<16xi32>
      %add3A_442 = arith.addi %iota3A, %add3A_441 : vector<16xi32>
      %get3A_443 = arith.constant 32 : index
      %get3A_444 = tpu.vector_load %arg23[%get3A_443] {strides = array<i32>} : memref<96xf32, #tpu.memory_space<vmem>>, vector<16xf32>,
      tpu.vector_store_idx %arg17[%add3A_442, %broadcast_in_dim3A_30], %get3A_444 : memref<48x16xf32, #tpu.memory_space<vmem>>[vector<16xi32>, vector<16xi32>], vector<16xf32>,
      %get3A_445 = arith.constant 1 : i32
      %get3A_446 = arith.index_cast %get3A_445 : i32 to index
      %get3A_447 = arith.constant 48 : index
      %get3A_448 = tpu.vector_load %arg12[%get3A_446, %get3A_447] {strides = array<i32>} : memref<2x80xi32, #tpu.memory_space<vmem>>, vector<16xi32>,
      %swap3A_449 = arith.constant 0 : index
      %swap3A_450 = tpu.vector_load %arg22[%swap3A_449] {strides = array<i32>} : memref<32xi32, #tpu.memory_space<vmem>>, vector<16xi32>,
      tpu.vector_store %arg22[%swap3A_449], %get3A_448 {strides = array<i32>} : memref<32xi32, #tpu.memory_space<vmem>>, vector<16xi32>,
      %add3A_451 = arith.constant 0 : i32
      %add3A_452 = vector.broadcast %add3A_451 : i32 to vector<16xi32>
      %add3A_453 = arith.addi %iota3A, %add3A_452 : vector<16xi32>
      %get3A_454 = arith.constant 48 : index
      %get3A_455 = tpu.vector_load %arg23[%get3A_454] {strides = array<i32>} : memref<96xf32, #tpu.memory_space<vmem>>, vector<16xf32>,
      tpu.vector_store_idx %arg19[%add3A_453, %broadcast_in_dim3A_30], %get3A_455 : memref<32x16xf32, #tpu.memory_space<vmem>>[vector<16xi32>, vector<16xi32>], vector<16xf32>,
      %get3A_456 = arith.constant 1 : i32
      %get3A_457 = arith.index_cast %get3A_456 : i32 to index
      %get3A_458 = arith.constant 64 : index
      %get3A_459 = tpu.vector_load %arg12[%get3A_457, %get3A_458] {strides = array<i32>} : memref<2x80xi32, #tpu.memory_space<vmem>>, vector<16xi32>,
      %swap3A_460 = arith.constant 16 : index
      %swap3A_461 = tpu.vector_load %arg22[%swap3A_460] {strides = array<i32>} : memref<32xi32, #tpu.memory_space<vmem>>, vector<16xi32>,
      tpu.vector_store %arg22[%swap3A_460], %get3A_459 {strides = array<i32>} : memref<32xi32, #tpu.memory_space<vmem>>, vector<16xi32>,
      %add3A_462 = arith.constant 16 : i32
      %add3A_463 = vector.broadcast %add3A_462 : i32 to vector<16xi32>
      %add3A_464 = arith.addi %iota3A, %add3A_463 : vector<16xi32>
      %get3A_465 = arith.constant 64 : index
      %get3A_466 = tpu.vector_load %arg23[%get3A_465] {strides = array<i32>} : memref<96xf32, #tpu.memory_space<vmem>>, vector<16xf32>,
      tpu.vector_store_idx %arg19[%add3A_464, %broadcast_in_dim3A_30], %get3A_466 : memref<32x16xf32, #tpu.memory_space<vmem>>[vector<16xi32>, vector<16xi32>], vector<16xf32>,
      %dma_start3A_467 = arith.constant 0 : i32
      %dma_start3A_468 = arith.constant 48 : i32
      %dma_start3A_469 = tpu.memref_slice %arg12[%dma_start3A_467, %dma_start3A_468] : memref<2x80xi32, #tpu.memory_space<vmem>> -> memref<1x32xi32, #tpu.memory_space<vmem>>
      %dma_start3A_470 = tpu.memref_squeeze %dma_start3A_469 : memref<1x32xi32, #tpu.memory_space<vmem>> -> memref<32xi32, #tpu.memory_space<vmem>>
      %dma_start3A_471 = arith.constant 0 : i32
      %dma_start3A_472 = arith.constant 0 : i32
      %dma_start3A_473 = tpu.memref_slice %arg2[%dma_start3A_471, %dma_start3A_472] : memref<10000x128xf32, #tpu.memory_space<hbm>> -> memref<10000x128xf32, #tpu.memory_space<hbm>>
      tpu.enqueue_indirect_dma source(%dma_start3A_473 : memref<10000x128xf32, #tpu.memory_space<hbm>>) target(%arg16 : memref<32x128xf32, #tpu.memory_space<vmem>>) offsets(%dma_start3A_470 : memref<32xi32, #tpu.memory_space<vmem>>) semaphore(%arg27 : memref<!tpu.dma_semaphore, #tpu.memory_space<semaphore_mem>>)
      %dma_wait3A_474 = arith.constant 0 : i32
      %dma_wait3A_475 = arith.constant 0 : i32
      %dma_wait3A_476 = tpu.memref_slice %arg12[%dma_wait3A_474, %dma_wait3A_475] : memref<2x80xi32, #tpu.memory_space<vmem>> -> memref<1x48xi32, #tpu.memory_space<vmem>>
      %dma_wait3A_477 = tpu.memref_squeeze %dma_wait3A_476 : memref<1x48xi32, #tpu.memory_space<vmem>> -> memref<48xi32, #tpu.memory_space<vmem>>
      %dma_wait3A_478 = arith.constant 0 : i32
      %dma_wait3A_479 = arith.constant 0 : i32
      %dma_wait3A_480 = tpu.memref_slice %arg2[%dma_wait3A_478, %dma_wait3A_479] : memref<10000x128xf32, #tpu.memory_space<hbm>> -> memref<10000x128xf32, #tpu.memory_space<hbm>>
      tpu.wait_indirect_dma semaphore(%arg26 : memref<!tpu.dma_semaphore, #tpu.memory_space<semaphore_mem>>) src(%dma_wait3A_480 : memref<10000x128xf32, #tpu.memory_space<hbm>>) dst(%arg14 : memref<48x128xf32, #tpu.memory_space<vmem>>)
      %parallel_loop3A_481 = arith.constant 0 : i32
      %parallel_loop3A_482 = arith.constant 48 : i32
      %parallel_loop3A_483 = arith.constant 1 : i32
      scf.for %parallel_loop3A_776 = %parallel_loop3A_481 to %parallel_loop3A_482 step %parallel_loop3A_483  : i32 {
        %parallel_loop3A_777 = arith.constant 0 : i32
        %parallel_loop3A_778 = arith.addi %parallel_loop3A_777, %parallel_loop3A_776 : i32
        %parallel_loop3A_779 = arith.index_cast %parallel_loop3A_778 : i32 to index
        %parallel_loop3A_780 = tpu.vector_load %arg23[%parallel_loop3A_779] {strides = array<i32>} : memref<96xf32, #tpu.memory_space<vmem>>, vector<16xf32>,
        %parallel_loop3A_781 = vector.extract_strided_slice %parallel_loop3A_780 {offsets = [0], sizes = [1], strides = [1]} : vector<16xf32> to vector<1xf32>
        %parallel_loop3A_782 = vector.extract %parallel_loop3A_781[0] : f32 from vector<1xf32>
        %parallel_loop3A_783 = vector.broadcast %parallel_loop3A_782 : f32 to vector<16xf32>
        %parallel_loop3A_784 = arith.index_cast %parallel_loop3A_776 : i32 to index
        %parallel_loop3A_785 = arith.constant 0 : index
        %parallel_loop3A_786 = tpu.vector_load %arg14[%parallel_loop3A_784, %parallel_loop3A_785] {strides = array<i32>} : memref<48x128xf32, #tpu.memory_space<vmem>>, vector<16xf32>,
        %parallel_loop3A_787 = arith.mulf %parallel_loop3A_786, %parallel_loop3A_783 : vector<16xf32>
        %parallel_loop3A_788 = arith.index_cast %parallel_loop3A_776 : i32 to index
        %parallel_loop3A_789 = arith.constant 0 : index
        %parallel_loop3A_790 = tpu.vector_load %arg14[%parallel_loop3A_788, %parallel_loop3A_789] {strides = array<i32>} : memref<48x128xf32, #tpu.memory_space<vmem>>, vector<16xf32>,
        tpu.vector_store %arg14[%parallel_loop3A_788, %parallel_loop3A_789], %parallel_loop3A_787 {strides = array<i32>} : memref<48x128xf32, #tpu.memory_space<vmem>>, vector<16xf32>,
        %parallel_loop3A_791 = arith.index_cast %parallel_loop3A_776 : i32 to index
        %parallel_loop3A_792 = arith.constant 16 : index
        %parallel_loop3A_793 = tpu.vector_load %arg14[%parallel_loop3A_791, %parallel_loop3A_792] {strides = array<i32>} : memref<48x128xf32, #tpu.memory_space<vmem>>, vector<16xf32>,
        %parallel_loop3A_794 = arith.mulf %parallel_loop3A_793, %parallel_loop3A_783 : vector<16xf32>
        %parallel_loop3A_795 = arith.index_cast %parallel_loop3A_776 : i32 to index
        %parallel_loop3A_796 = arith.constant 16 : index
        %parallel_loop3A_797 = tpu.vector_load %arg14[%parallel_loop3A_795, %parallel_loop3A_796] {strides = array<i32>} : memref<48x128xf32, #tpu.memory_space<vmem>>, vector<16xf32>,
        tpu.vector_store %arg14[%parallel_loop3A_795, %parallel_loop3A_796], %parallel_loop3A_794 {strides = array<i32>} : memref<48x128xf32, #tpu.memory_space<vmem>>, vector<16xf32>,
        %parallel_loop3A_798 = arith.index_cast %parallel_loop3A_776 : i32 to index
        %parallel_loop3A_799 = arith.constant 32 : index
        %parallel_loop3A_800 = tpu.vector_load %arg14[%parallel_loop3A_798, %parallel_loop3A_799] {strides = array<i32>} : memref<48x128xf32, #tpu.memory_space<vmem>>, vector<16xf32>,
        %parallel_loop3A_801 = arith.mulf %parallel_loop3A_800, %parallel_loop3A_783 : vector<16xf32>
        %parallel_loop3A_802 = arith.index_cast %parallel_loop3A_776 : i32 to index
        %parallel_loop3A_803 = arith.constant 32 : index
        %parallel_loop3A_804 = tpu.vector_load %arg14[%parallel_loop3A_802, %parallel_loop3A_803] {strides = array<i32>} : memref<48x128xf32, #tpu.memory_space<vmem>>, vector<16xf32>,
        tpu.vector_store %arg14[%parallel_loop3A_802, %parallel_loop3A_803], %parallel_loop3A_801 {strides = array<i32>} : memref<48x128xf32, #tpu.memory_space<vmem>>, vector<16xf32>,
        %parallel_loop3A_805 = arith.index_cast %parallel_loop3A_776 : i32 to index
        %parallel_loop3A_806 = arith.constant 48 : index
        %parallel_loop3A_807 = tpu.vector_load %arg14[%parallel_loop3A_805, %parallel_loop3A_806] {strides = array<i32>} : memref<48x128xf32, #tpu.memory_space<vmem>>, vector<16xf32>,
        %parallel_loop3A_808 = arith.mulf %parallel_loop3A_807, %parallel_loop3A_783 : vector<16xf32>
        %parallel_loop3A_809 = arith.index_cast %parallel_loop3A_776 : i32 to index
        %parallel_loop3A_810 = arith.constant 48 : index
        %parallel_loop3A_811 = tpu.vector_load %arg14[%parallel_loop3A_809, %parallel_loop3A_810] {strides = array<i32>} : memref<48x128xf32, #tpu.memory_space<vmem>>, vector<16xf32>,
        tpu.vector_store %arg14[%parallel_loop3A_809, %parallel_loop3A_810], %parallel_loop3A_808 {strides = array<i32>} : memref<48x128xf32, #tpu.memory_space<vmem>>, vector<16xf32>,
        %parallel_loop3A_812 = arith.index_cast %parallel_loop3A_776 : i32 to index
        %parallel_loop3A_813 = arith.constant 64 : index
        %parallel_loop3A_814 = tpu.vector_load %arg14[%parallel_loop3A_812, %parallel_loop3A_813] {strides = array<i32>} : memref<48x128xf32, #tpu.memory_space<vmem>>, vector<16xf32>,
        %parallel_loop3A_815 = arith.mulf %parallel_loop3A_814, %parallel_loop3A_783 : vector<16xf32>
        %parallel_loop3A_816 = arith.index_cast %parallel_loop3A_776 : i32 to index
        %parallel_loop3A_817 = arith.constant 64 : index
        %parallel_loop3A_818 = tpu.vector_load %arg14[%parallel_loop3A_816, %parallel_loop3A_817] {strides = array<i32>} : memref<48x128xf32, #tpu.memory_space<vmem>>, vector<16xf32>,
        tpu.vector_store %arg14[%parallel_loop3A_816, %parallel_loop3A_817], %parallel_loop3A_815 {strides = array<i32>} : memref<48x128xf32, #tpu.memory_space<vmem>>, vector<16xf32>,
        %parallel_loop3A_819 = arith.index_cast %parallel_loop3A_776 : i32 to index
        %parallel_loop3A_820 = arith.constant 80 : index
        %parallel_loop3A_821 = tpu.vector_load %arg14[%parallel_loop3A_819, %parallel_loop3A_820] {strides = array<i32>} : memref<48x128xf32, #tpu.memory_space<vmem>>, vector<16xf32>,
        %parallel_loop3A_822 = arith.mulf %parallel_loop3A_821, %parallel_loop3A_783 : vector<16xf32>
        %parallel_loop3A_823 = arith.index_cast %parallel_loop3A_776 : i32 to index
        %parallel_loop3A_824 = arith.constant 80 : index
        %parallel_loop3A_825 = tpu.vector_load %arg14[%parallel_loop3A_823, %parallel_loop3A_824] {strides = array<i32>} : memref<48x128xf32, #tpu.memory_space<vmem>>, vector<16xf32>,
        tpu.vector_store %arg14[%parallel_loop3A_823, %parallel_loop3A_824], %parallel_loop3A_822 {strides = array<i32>} : memref<48x128xf32, #tpu.memory_space<vmem>>, vector<16xf32>,
        %parallel_loop3A_826 = arith.index_cast %parallel_loop3A_776 : i32 to index
        %parallel_loop3A_827 = arith.constant 96 : index
        %parallel_loop3A_828 = tpu.vector_load %arg14[%parallel_loop3A_826, %parallel_loop3A_827] {strides = array<i32>} : memref<48x128xf32, #tpu.memory_space<vmem>>, vector<16xf32>,
        %parallel_loop3A_829 = arith.mulf %parallel_loop3A_828, %parallel_loop3A_783 : vector<16xf32>
        %parallel_loop3A_830 = arith.index_cast %parallel_loop3A_776 : i32 to index
        %parallel_loop3A_831 = arith.constant 96 : index
        %parallel_loop3A_832 = tpu.vector_load %arg14[%parallel_loop3A_830, %parallel_loop3A_831] {strides = array<i32>} : memref<48x128xf32, #tpu.memory_space<vmem>>, vector<16xf32>,
        tpu.vector_store %arg14[%parallel_loop3A_830, %parallel_loop3A_831], %parallel_loop3A_829 {strides = array<i32>} : memref<48x128xf32, #tpu.memory_space<vmem>>, vector<16xf32>,
        %parallel_loop3A_833 = arith.index_cast %parallel_loop3A_776 : i32 to index
        %parallel_loop3A_834 = arith.constant 112 : index
        %parallel_loop3A_835 = tpu.vector_load %arg14[%parallel_loop3A_833, %parallel_loop3A_834] {strides = array<i32>} : memref<48x128xf32, #tpu.memory_space<vmem>>, vector<16xf32>,
        %parallel_loop3A_836 = arith.mulf %parallel_loop3A_835, %parallel_loop3A_783 : vector<16xf32>
        %parallel_loop3A_837 = arith.index_cast %parallel_loop3A_776 : i32 to index
        %parallel_loop3A_838 = arith.constant 112 : index
        %parallel_loop3A_839 = tpu.vector_load %arg14[%parallel_loop3A_837, %parallel_loop3A_838] {strides = array<i32>} : memref<48x128xf32, #tpu.memory_space<vmem>>, vector<16xf32>,
        tpu.vector_store %arg14[%parallel_loop3A_837, %parallel_loop3A_838], %parallel_loop3A_836 {strides = array<i32>} : memref<48x128xf32, #tpu.memory_space<vmem>>, vector<16xf32>,
      } {sc.loop_unroll_factor = 2 : i64, sc.parallel_access}
      %dma_start3A_484 = arith.constant 0 : i32
      %dma_start3A_485 = arith.constant 0 : i32
      %dma_start3A_486 = tpu.memref_slice %arg24[%dma_start3A_484, %dma_start3A_485] : memref<10000x128xf32, #tpu.memory_space<vmem_shared>> -> memref<10000x128xf32, #tpu.memory_space<vmem_shared>>
      tpu.enqueue_indirect_dma source(%arg14 : memref<48x128xf32, #tpu.memory_space<vmem>>) target(%dma_start3A_486 : memref<10000x128xf32, #tpu.memory_space<vmem_shared>>) offsets(%arg20 : memref<48xi32, #tpu.memory_space<vmem>>) semaphore(%arg28 : memref<!tpu.dma_semaphore, #tpu.memory_space<semaphore_mem>>) {add = true}
      %dma_start3A_487 = arith.constant 0 : i32
      %dma_start3A_488 = arith.constant 0 : i32
      %dma_start3A_489 = tpu.memref_slice %arg25[%dma_start3A_487, %dma_start3A_488] : memref<10000x16xf32, #tpu.memory_space<vmem_shared>> -> memref<10000x16xf32, #tpu.memory_space<vmem_shared>>
      tpu.enqueue_indirect_dma source(%arg17 : memref<48x16xf32, #tpu.memory_space<vmem>>) target(%dma_start3A_489 : memref<10000x16xf32, #tpu.memory_space<vmem_shared>>) offsets(%arg20 : memref<48xi32, #tpu.memory_space<vmem>>) semaphore(%arg30 : memref<!tpu.dma_semaphore, #tpu.memory_space<semaphore_mem>>) {add = true}
      %dma_wait3A_490 = arith.constant 0 : i32
      %dma_wait3A_491 = arith.constant 48 : i32
      %dma_wait3A_492 = tpu.memref_slice %arg12[%dma_wait3A_490, %dma_wait3A_491] : memref<2x80xi32, #tpu.memory_space<vmem>> -> memref<1x32xi32, #tpu.memory_space<vmem>>
      %dma_wait3A_493 = tpu.memref_squeeze %dma_wait3A_492 : memref<1x32xi32, #tpu.memory_space<vmem>> -> memref<32xi32, #tpu.memory_space<vmem>>
      %dma_wait3A_494 = arith.constant 0 : i32
      %dma_wait3A_495 = arith.constant 0 : i32
      %dma_wait3A_496 = tpu.memref_slice %arg2[%dma_wait3A_494, %dma_wait3A_495] : memref<10000x128xf32, #tpu.memory_space<hbm>> -> memref<10000x128xf32, #tpu.memory_space<hbm>>
      tpu.wait_indirect_dma semaphore(%arg27 : memref<!tpu.dma_semaphore, #tpu.memory_space<semaphore_mem>>) src(%dma_wait3A_496 : memref<10000x128xf32, #tpu.memory_space<hbm>>) dst(%arg16 : memref<32x128xf32, #tpu.memory_space<vmem>>)
      %parallel_loop3A_497 = arith.constant 0 : i32
      %parallel_loop3A_498 = arith.constant 32 : i32
      %parallel_loop3A_499 = arith.constant 1 : i32
      scf.for %parallel_loop3A_776 = %parallel_loop3A_497 to %parallel_loop3A_498 step %parallel_loop3A_499  : i32 {
        %parallel_loop3A_777 = arith.constant 48 : i32
        %parallel_loop3A_778 = arith.addi %parallel_loop3A_777, %parallel_loop3A_776 : i32
        %parallel_loop3A_779 = arith.index_cast %parallel_loop3A_778 : i32 to index
        %parallel_loop3A_780 = tpu.vector_load %arg23[%parallel_loop3A_779] {strides = array<i32>} : memref<96xf32, #tpu.memory_space<vmem>>, vector<16xf32>,
        %parallel_loop3A_781 = vector.extract_strided_slice %parallel_loop3A_780 {offsets = [0], sizes = [1], strides = [1]} : vector<16xf32> to vector<1xf32>
        %parallel_loop3A_782 = vector.extract %parallel_loop3A_781[0] : f32 from vector<1xf32>
        %parallel_loop3A_783 = vector.broadcast %parallel_loop3A_782 : f32 to vector<16xf32>
        %parallel_loop3A_784 = arith.index_cast %parallel_loop3A_776 : i32 to index
        %parallel_loop3A_785 = arith.constant 0 : index
        %parallel_loop3A_786 = tpu.vector_load %arg16[%parallel_loop3A_784, %parallel_loop3A_785] {strides = array<i32>} : memref<32x128xf32, #tpu.memory_space<vmem>>, vector<16xf32>,
        %parallel_loop3A_787 = arith.mulf %parallel_loop3A_786, %parallel_loop3A_783 : vector<16xf32>
        %parallel_loop3A_788 = arith.index_cast %parallel_loop3A_776 : i32 to index
        %parallel_loop3A_789 = arith.constant 0 : index
        %parallel_loop3A_790 = tpu.vector_load %arg16[%parallel_loop3A_788, %parallel_loop3A_789] {strides = array<i32>} : memref<32x128xf32, #tpu.memory_space<vmem>>, vector<16xf32>,
        tpu.vector_store %arg16[%parallel_loop3A_788, %parallel_loop3A_789], %parallel_loop3A_787 {strides = array<i32>} : memref<32x128xf32, #tpu.memory_space<vmem>>, vector<16xf32>,
        %parallel_loop3A_791 = arith.index_cast %parallel_loop3A_776 : i32 to index
        %parallel_loop3A_792 = arith.constant 16 : index
        %parallel_loop3A_793 = tpu.vector_load %arg16[%parallel_loop3A_791, %parallel_loop3A_792] {strides = array<i32>} : memref<32x128xf32, #tpu.memory_space<vmem>>, vector<16xf32>,
        %parallel_loop3A_794 = arith.mulf %parallel_loop3A_793, %parallel_loop3A_783 : vector<16xf32>
        %parallel_loop3A_795 = arith.index_cast %parallel_loop3A_776 : i32 to index
        %parallel_loop3A_796 = arith.constant 16 : index
        %parallel_loop3A_797 = tpu.vector_load %arg16[%parallel_loop3A_795, %parallel_loop3A_796] {strides = array<i32>} : memref<32x128xf32, #tpu.memory_space<vmem>>, vector<16xf32>,
        tpu.vector_store %arg16[%parallel_loop3A_795, %parallel_loop3A_796], %parallel_loop3A_794 {strides = array<i32>} : memref<32x128xf32, #tpu.memory_space<vmem>>, vector<16xf32>,
        %parallel_loop3A_798 = arith.index_cast %parallel_loop3A_776 : i32 to index
        %parallel_loop3A_799 = arith.constant 32 : index
        %parallel_loop3A_800 = tpu.vector_load %arg16[%parallel_loop3A_798, %parallel_loop3A_799] {strides = array<i32>} : memref<32x128xf32, #tpu.memory_space<vmem>>, vector<16xf32>,
        %parallel_loop3A_801 = arith.mulf %parallel_loop3A_800, %parallel_loop3A_783 : vector<16xf32>
        %parallel_loop3A_802 = arith.index_cast %parallel_loop3A_776 : i32 to index
        %parallel_loop3A_803 = arith.constant 32 : index
        %parallel_loop3A_804 = tpu.vector_load %arg16[%parallel_loop3A_802, %parallel_loop3A_803] {strides = array<i32>} : memref<32x128xf32, #tpu.memory_space<vmem>>, vector<16xf32>,
        tpu.vector_store %arg16[%parallel_loop3A_802, %parallel_loop3A_803], %parallel_loop3A_801 {strides = array<i32>} : memref<32x128xf32, #tpu.memory_space<vmem>>, vector<16xf32>,
        %parallel_loop3A_805 = arith.index_cast %parallel_loop3A_776 : i32 to index
        %parallel_loop3A_806 = arith.constant 48 : index
        %parallel_loop3A_807 = tpu.vector_load %arg16[%parallel_loop3A_805, %parallel_loop3A_806] {strides = array<i32>} : memref<32x128xf32, #tpu.memory_space<vmem>>, vector<16xf32>,
        %parallel_loop3A_808 = arith.mulf %parallel_loop3A_807, %parallel_loop3A_783 : vector<16xf32>
        %parallel_loop3A_809 = arith.index_cast %parallel_loop3A_776 : i32 to index
        %parallel_loop3A_810 = arith.constant 48 : index
        %parallel_loop3A_811 = tpu.vector_load %arg16[%parallel_loop3A_809, %parallel_loop3A_810] {strides = array<i32>} : memref<32x128xf32, #tpu.memory_space<vmem>>, vector<16xf32>,
        tpu.vector_store %arg16[%parallel_loop3A_809, %parallel_loop3A_810], %parallel_loop3A_808 {strides = array<i32>} : memref<32x128xf32, #tpu.memory_space<vmem>>, vector<16xf32>,
        %parallel_loop3A_812 = arith.index_cast %parallel_loop3A_776 : i32 to index
        %parallel_loop3A_813 = arith.constant 64 : index
        %parallel_loop3A_814 = tpu.vector_load %arg16[%parallel_loop3A_812, %parallel_loop3A_813] {strides = array<i32>} : memref<32x128xf32, #tpu.memory_space<vmem>>, vector<16xf32>,
        %parallel_loop3A_815 = arith.mulf %parallel_loop3A_814, %parallel_loop3A_783 : vector<16xf32>
        %parallel_loop3A_816 = arith.index_cast %parallel_loop3A_776 : i32 to index
        %parallel_loop3A_817 = arith.constant 64 : index
        %parallel_loop3A_818 = tpu.vector_load %arg16[%parallel_loop3A_816, %parallel_loop3A_817] {strides = array<i32>} : memref<32x128xf32, #tpu.memory_space<vmem>>, vector<16xf32>,
        tpu.vector_store %arg16[%parallel_loop3A_816, %parallel_loop3A_817], %parallel_loop3A_815 {strides = array<i32>} : memref<32x128xf32, #tpu.memory_space<vmem>>, vector<16xf32>,
        %parallel_loop3A_819 = arith.index_cast %parallel_loop3A_776 : i32 to index
        %parallel_loop3A_820 = arith.constant 80 : index
        %parallel_loop3A_821 = tpu.vector_load %arg16[%parallel_loop3A_819, %parallel_loop3A_820] {strides = array<i32>} : memref<32x128xf32, #tpu.memory_space<vmem>>, vector<16xf32>,
        %parallel_loop3A_822 = arith.mulf %parallel_loop3A_821, %parallel_loop3A_783 : vector<16xf32>
        %parallel_loop3A_823 = arith.index_cast %parallel_loop3A_776 : i32 to index
        %parallel_loop3A_824 = arith.constant 80 : index
        %parallel_loop3A_825 = tpu.vector_load %arg16[%parallel_loop3A_823, %parallel_loop3A_824] {strides = array<i32>} : memref<32x128xf32, #tpu.memory_space<vmem>>, vector<16xf32>,
        tpu.vector_store %arg16[%parallel_loop3A_823, %parallel_loop3A_824], %parallel_loop3A_822 {strides = array<i32>} : memref<32x128xf32, #tpu.memory_space<vmem>>, vector<16xf32>,
        %parallel_loop3A_826 = arith.index_cast %parallel_loop3A_776 : i32 to index
        %parallel_loop3A_827 = arith.constant 96 : index
        %parallel_loop3A_828 = tpu.vector_load %arg16[%parallel_loop3A_826, %parallel_loop3A_827] {strides = array<i32>} : memref<32x128xf32, #tpu.memory_space<vmem>>, vector<16xf32>,
        %parallel_loop3A_829 = arith.mulf %parallel_loop3A_828, %parallel_loop3A_783 : vector<16xf32>
        %parallel_loop3A_830 = arith.index_cast %parallel_loop3A_776 : i32 to index
        %parallel_loop3A_831 = arith.constant 96 : index
        %parallel_loop3A_832 = tpu.vector_load %arg16[%parallel_loop3A_830, %parallel_loop3A_831] {strides = array<i32>} : memref<32x128xf32, #tpu.memory_space<vmem>>, vector<16xf32>,
        tpu.vector_store %arg16[%parallel_loop3A_830, %parallel_loop3A_831], %parallel_loop3A_829 {strides = array<i32>} : memref<32x128xf32, #tpu.memory_space<vmem>>, vector<16xf32>,
        %parallel_loop3A_833 = arith.index_cast %parallel_loop3A_776 : i32 to index
        %parallel_loop3A_834 = arith.constant 112 : index
        %parallel_loop3A_835 = tpu.vector_load %arg16[%parallel_loop3A_833, %parallel_loop3A_834] {strides = array<i32>} : memref<32x128xf32, #tpu.memory_space<vmem>>, vector<16xf32>,
        %parallel_loop3A_836 = arith.mulf %parallel_loop3A_835, %parallel_loop3A_783 : vector<16xf32>
        %parallel_loop3A_837 = arith.index_cast %parallel_loop3A_776 : i32 to index
        %parallel_loop3A_838 = arith.constant 112 : index
        %parallel_loop3A_839 = tpu.vector_load %arg16[%parallel_loop3A_837, %parallel_loop3A_838] {strides = array<i32>} : memref<32x128xf32, #tpu.memory_space<vmem>>, vector<16xf32>,
        tpu.vector_store %arg16[%parallel_loop3A_837, %parallel_loop3A_838], %parallel_loop3A_836 {strides = array<i32>} : memref<32x128xf32, #tpu.memory_space<vmem>>, vector<16xf32>,
      } {sc.loop_unroll_factor = 2 : i64, sc.parallel_access}
      %convert_element_type3A_500 = arith.extui %gt3A_289 : i1 to i32
      %cond3A_501 = arith.constant 0 : i32
      %cond3A_502 = arith.cmpi ne, %convert_element_type3A_500, %cond3A_501 : i32
      scf.if %cond3A_502 {
        %dma_wait3A_776 = arith.constant 0 : i32
        %dma_wait3A_777 = arith.constant 0 : i32
        %dma_wait3A_778 = tpu.memref_slice %arg24[%dma_wait3A_776, %dma_wait3A_777] : memref<10000x128xf32, #tpu.memory_space<vmem_shared>> -> memref<10000x128xf32, #tpu.memory_space<vmem_shared>>
        tpu.wait_indirect_dma semaphore(%arg29 : memref<!tpu.dma_semaphore, #tpu.memory_space<semaphore_mem>>) src(%arg15 : memref<48x128xf32, #tpu.memory_space<vmem>>) dst(%dma_wait3A_778 : memref<10000x128xf32, #tpu.memory_space<vmem_shared>>)
        %dma_wait3A_779 = arith.constant 0 : i32
        %dma_wait3A_780 = arith.constant 0 : i32
        %dma_wait3A_781 = tpu.memref_slice %arg25[%dma_wait3A_779, %dma_wait3A_780] : memref<10000x16xf32, #tpu.memory_space<vmem_shared>> -> memref<10000x16xf32, #tpu.memory_space<vmem_shared>>
        tpu.wait_indirect_dma semaphore(%arg31 : memref<!tpu.dma_semaphore, #tpu.memory_space<semaphore_mem>>) src(%arg18 : memref<48x16xf32, #tpu.memory_space<vmem>>) dst(%dma_wait3A_781 : memref<10000x16xf32, #tpu.memory_space<vmem_shared>>)
      } else {
      }
      %add3A_503 = arith.addi %mul3A_28, %mul3A_288 : i32
      %add3A_504 = arith.constant 1 : i32
      %add3A_505 = arith.addi %add3A_503, %add3A_504 : i32
      %dma_wait3A_506 = arith.constant 0 : i32
      %dma_wait3A_507 = arith.constant 0 : i32
      %dma_wait3A_508 = tpu.memref_slice %arg5[%add3A_505, %dma_wait3A_506, %dma_wait3A_507] : memref<4000x2x80xi32, #tpu.memory_space<hbm>> -> memref<1x2x80xi32, #tpu.memory_space<hbm>>
      %dma_wait3A_509 = tpu.memref_squeeze %dma_wait3A_508 : memref<1x2x80xi32, #tpu.memory_space<hbm>> -> memref<2x80xi32, #tpu.memory_space<hbm>>
      %dma_wait3A_510 = arith.constant 0 : i32
      %dma_wait3A_511 = arith.constant 0 : i32
      %dma_wait3A_512 = tpu.memref_slice %arg5[%add3A_505, %dma_wait3A_510, %dma_wait3A_511] : memref<4000x2x80xi32, #tpu.memory_space<hbm>> -> memref<1x2x80xi32, #tpu.memory_space<hbm>>
      %dma_wait3A_513 = tpu.memref_squeeze %dma_wait3A_512 : memref<1x2x80xi32, #tpu.memory_space<hbm>> -> memref<2x80xi32, #tpu.memory_space<hbm>>
      tpu.wait_dma2 semaphore(%arg34 : memref<!tpu.dma_semaphore, #tpu.memory_space<semaphore_mem>>) src(%dma_wait3A_513 : memref<2x80xi32, #tpu.memory_space<hbm>>) dst(%arg13 : memref<2x80xi32, #tpu.memory_space<vmem>>)
      %dma_start3A_514 = arith.constant 0 : i32
      %dma_start3A_515 = arith.constant 0 : i32
      %dma_start3A_516 = tpu.memref_slice %arg13[%dma_start3A_514, %dma_start3A_515] : memref<2x80xi32, #tpu.memory_space<vmem>> -> memref<1x48xi32, #tpu.memory_space<vmem>>
      %dma_start3A_517 = tpu.memref_squeeze %dma_start3A_516 : memref<1x48xi32, #tpu.memory_space<vmem>> -> memref<48xi32, #tpu.memory_space<vmem>>
      %dma_start3A_518 = arith.constant 0 : i32
      %dma_start3A_519 = arith.constant 0 : i32
      %dma_start3A_520 = tpu.memref_slice %arg2[%dma_start3A_518, %dma_start3A_519] : memref<10000x128xf32, #tpu.memory_space<hbm>> -> memref<10000x128xf32, #tpu.memory_space<hbm>>
      tpu.enqueue_indirect_dma source(%dma_start3A_520 : memref<10000x128xf32, #tpu.memory_space<hbm>>) target(%arg15 : memref<48x128xf32, #tpu.memory_space<vmem>>) offsets(%dma_start3A_517 : memref<48xi32, #tpu.memory_space<vmem>>) semaphore(%arg26 : memref<!tpu.dma_semaphore, #tpu.memory_space<semaphore_mem>>)
      %dma_start3A_521 = arith.constant 0 : i32
      %dma_start3A_522 = arith.constant 0 : i32
      %dma_start3A_523 = tpu.memref_slice %arg24[%dma_start3A_521, %dma_start3A_522] : memref<10000x128xf32, #tpu.memory_space<vmem_shared>> -> memref<10000x128xf32, #tpu.memory_space<vmem_shared>>
      tpu.enqueue_indirect_dma source(%arg16 : memref<32x128xf32, #tpu.memory_space<vmem>>) target(%dma_start3A_523 : memref<10000x128xf32, #tpu.memory_space<vmem_shared>>) offsets(%arg22 : memref<32xi32, #tpu.memory_space<vmem>>) semaphore(%arg32 : memref<!tpu.dma_semaphore, #tpu.memory_space<semaphore_mem>>) {add = true}
      %dma_start3A_524 = arith.constant 0 : i32
      %dma_start3A_525 = arith.constant 0 : i32
      %dma_start3A_526 = tpu.memref_slice %arg25[%dma_start3A_524, %dma_start3A_525] : memref<10000x16xf32, #tpu.memory_space<vmem_shared>> -> memref<10000x16xf32, #tpu.memory_space<vmem_shared>>
      tpu.enqueue_indirect_dma source(%arg19 : memref<32x16xf32, #tpu.memory_space<vmem>>) target(%dma_start3A_526 : memref<10000x16xf32, #tpu.memory_space<vmem_shared>>) offsets(%arg22 : memref<32xi32, #tpu.memory_space<vmem>>) semaphore(%arg33 : memref<!tpu.dma_semaphore, #tpu.memory_space<semaphore_mem>>) {add = true}
      %mul3A_527 = arith.constant 2 : i32
      %mul3A_528 = arith.muli %mul3A_527, %add3A_286 : i32
      %add3A_529 = arith.constant 1 : i32
      %add3A_530 = arith.addi %mul3A_528, %add3A_529 : i32
      %add3A_531 = arith.addi %mul3A_28, %add3A_530 : i32
      %add3A_532 = arith.constant 1 : i32
      %add3A_533 = arith.addi %add3A_531, %add3A_532 : i32
      %dma_start3A_534 = arith.constant 0 : i32
      %dma_start3A_535 = arith.constant 0 : i32
      %dma_start3A_536 = tpu.memref_slice %arg5[%add3A_533, %dma_start3A_534, %dma_start3A_535] : memref<4000x2x80xi32, #tpu.memory_space<hbm>> -> memref<1x2x80xi32, #tpu.memory_space<hbm>>
      %dma_start3A_537 = tpu.memref_squeeze %dma_start3A_536 : memref<1x2x80xi32, #tpu.memory_space<hbm>> -> memref<2x80xi32, #tpu.memory_space<hbm>>
      %dma_start3A_538 = arith.constant 0 : i32
      %dma_start3A_539 = arith.constant 0 : i32
      %dma_start3A_540 = tpu.memref_slice %arg5[%add3A_533, %dma_start3A_538, %dma_start3A_539] : memref<4000x2x80xi32, #tpu.memory_space<hbm>> -> memref<1x2x80xi32, #tpu.memory_space<hbm>>
      %dma_start3A_541 = tpu.memref_squeeze %dma_start3A_540 : memref<1x2x80xi32, #tpu.memory_space<hbm>> -> memref<2x80xi32, #tpu.memory_space<hbm>>
      tpu.enqueue_dma source(%dma_start3A_541 : memref<2x80xi32, #tpu.memory_space<hbm>>) target(%arg12 : memref<2x80xi32, #tpu.memory_space<vmem>>) target_semaphore(%arg34 : memref<!tpu.dma_semaphore, #tpu.memory_space<semaphore_mem>>)
      %get3A_542 = arith.constant 0 : i32
      %get3A_543 = arith.index_cast %get3A_542 : i32 to index
      %get3A_544 = arith.constant 0 : index
      %get3A_545 = tpu.vector_load %arg13[%get3A_543, %get3A_544] {strides = array<i32>} : memref<2x80xi32, #tpu.memory_space<vmem>>, vector<16xi32>,
      %get3A_546 = arith.constant 1 : i32
      %get3A_547 = arith.index_cast %get3A_546 : i32 to index
      %get3A_548 = arith.constant 0 : index
      %get3A_549 = tpu.vector_load %arg13[%get3A_547, %get3A_548] {strides = array<i32>} : memref<2x80xi32, #tpu.memory_space<vmem>>, vector<16xi32>,
      %gather3A_550 = tpu.vector_load_idx %arg9[%get3A_545] : memref<10000xf32, #tpu.memory_space<vmem>>[vector<16xi32>], vector<16xf32>,
      %gather3A_551 = tpu.vector_load_idx %arg10[%get3A_549] : memref<10000xf32, #tpu.memory_space<vmem>>[vector<16xi32>], vector<16xf32>,
      %add3A_552 = arith.addf %gather3A_550, %gather3A_551 : vector<16xf32>
      %ge3A_553 = arith.constant 0.000000e+00 : f32
      %ge3A_554 = vector.broadcast %ge3A_553 : f32 to vector<16xf32>
      %ge3A_555 = arith.cmpf oge, %add3A_552, %ge3A_554 : vector<16xf32>
      %mul3A_556 = arith.constant 2.000000e-01 : f32
      %mul3A_557 = vector.broadcast %mul3A_556 : f32 to vector<16xf32>
      %mul3A_558 = arith.mulf %mul3A_557, %add3A_552 : vector<16xf32>
      %select_n3A_559 = arith.select %ge3A_555, %add3A_552, %mul3A_558 : vector<16xi1>, vector<16xf32>
      %sub3A_560 = arith.subf %select_n3A_559, %get3A_1 : vector<16xf32>
      %exp3A_561 = math.exp %sub3A_560 : vector<16xf32>
      %swap3A_562 = arith.constant 0 : index
      %swap3A_563 = tpu.vector_load %arg23[%swap3A_562] {strides = array<i32>} : memref<96xf32, #tpu.memory_space<vmem>>, vector<16xf32>,
      tpu.vector_store %arg23[%swap3A_562], %exp3A_561 {strides = array<i32>} : memref<96xf32, #tpu.memory_space<vmem>>, vector<16xf32>,
      %get3A_564 = arith.constant 0 : i32
      %get3A_565 = arith.index_cast %get3A_564 : i32 to index
      %get3A_566 = arith.constant 16 : index
      %get3A_567 = tpu.vector_load %arg13[%get3A_565, %get3A_566] {strides = array<i32>} : memref<2x80xi32, #tpu.memory_space<vmem>>, vector<16xi32>,
      %get3A_568 = arith.constant 1 : i32
      %get3A_569 = arith.index_cast %get3A_568 : i32 to index
      %get3A_570 = arith.constant 16 : index
      %get3A_571 = tpu.vector_load %arg13[%get3A_569, %get3A_570] {strides = array<i32>} : memref<2x80xi32, #tpu.memory_space<vmem>>, vector<16xi32>,
      %gather3A_572 = tpu.vector_load_idx %arg9[%get3A_567] : memref<10000xf32, #tpu.memory_space<vmem>>[vector<16xi32>], vector<16xf32>,
      %gather3A_573 = tpu.vector_load_idx %arg10[%get3A_571] : memref<10000xf32, #tpu.memory_space<vmem>>[vector<16xi32>], vector<16xf32>,
      %add3A_574 = arith.addf %gather3A_572, %gather3A_573 : vector<16xf32>
      %ge3A_575 = arith.constant 0.000000e+00 : f32
      %ge3A_576 = vector.broadcast %ge3A_575 : f32 to vector<16xf32>
      %ge3A_577 = arith.cmpf oge, %add3A_574, %ge3A_576 : vector<16xf32>
      %mul3A_578 = arith.constant 2.000000e-01 : f32
      %mul3A_579 = vector.broadcast %mul3A_578 : f32 to vector<16xf32>
      %mul3A_580 = arith.mulf %mul3A_579, %add3A_574 : vector<16xf32>
      %select_n3A_581 = arith.select %ge3A_577, %add3A_574, %mul3A_580 : vector<16xi1>, vector<16xf32>
      %sub3A_582 = arith.subf %select_n3A_581, %get3A_1 : vector<16xf32>
      %exp3A_583 = math.exp %sub3A_582 : vector<16xf32>
      %swap3A_584 = arith.constant 16 : index
      %swap3A_585 = tpu.vector_load %arg23[%swap3A_584] {strides = array<i32>} : memref<96xf32, #tpu.memory_space<vmem>>, vector<16xf32>,
      tpu.vector_store %arg23[%swap3A_584], %exp3A_583 {strides = array<i32>} : memref<96xf32, #tpu.memory_space<vmem>>, vector<16xf32>,
      %get3A_586 = arith.constant 0 : i32
      %get3A_587 = arith.index_cast %get3A_586 : i32 to index
      %get3A_588 = arith.constant 32 : index
      %get3A_589 = tpu.vector_load %arg13[%get3A_587, %get3A_588] {strides = array<i32>} : memref<2x80xi32, #tpu.memory_space<vmem>>, vector<16xi32>,
      %get3A_590 = arith.constant 1 : i32
      %get3A_591 = arith.index_cast %get3A_590 : i32 to index
      %get3A_592 = arith.constant 32 : index
      %get3A_593 = tpu.vector_load %arg13[%get3A_591, %get3A_592] {strides = array<i32>} : memref<2x80xi32, #tpu.memory_space<vmem>>, vector<16xi32>,
      %gather3A_594 = tpu.vector_load_idx %arg9[%get3A_589] : memref<10000xf32, #tpu.memory_space<vmem>>[vector<16xi32>], vector<16xf32>,
      %gather3A_595 = tpu.vector_load_idx %arg10[%get3A_593] : memref<10000xf32, #tpu.memory_space<vmem>>[vector<16xi32>], vector<16xf32>,
      %add3A_596 = arith.addf %gather3A_594, %gather3A_595 : vector<16xf32>
      %ge3A_597 = arith.constant 0.000000e+00 : f32
      %ge3A_598 = vector.broadcast %ge3A_597 : f32 to vector<16xf32>
      %ge3A_599 = arith.cmpf oge, %add3A_596, %ge3A_598 : vector<16xf32>
      %mul3A_600 = arith.constant 2.000000e-01 : f32
      %mul3A_601 = vector.broadcast %mul3A_600 : f32 to vector<16xf32>
      %mul3A_602 = arith.mulf %mul3A_601, %add3A_596 : vector<16xf32>
      %select_n3A_603 = arith.select %ge3A_599, %add3A_596, %mul3A_602 : vector<16xi1>, vector<16xf32>
      %sub3A_604 = arith.subf %select_n3A_603, %get3A_1 : vector<16xf32>
      %exp3A_605 = math.exp %sub3A_604 : vector<16xf32>
      %swap3A_606 = arith.constant 32 : index
      %swap3A_607 = tpu.vector_load %arg23[%swap3A_606] {strides = array<i32>} : memref<96xf32, #tpu.memory_space<vmem>>, vector<16xf32>,
      tpu.vector_store %arg23[%swap3A_606], %exp3A_605 {strides = array<i32>} : memref<96xf32, #tpu.memory_space<vmem>>, vector<16xf32>,
      %get3A_608 = arith.constant 0 : i32
      %get3A_609 = arith.index_cast %get3A_608 : i32 to index
      %get3A_610 = arith.constant 48 : index
      %get3A_611 = tpu.vector_load %arg13[%get3A_609, %get3A_610] {strides = array<i32>} : memref<2x80xi32, #tpu.memory_space<vmem>>, vector<16xi32>,
      %get3A_612 = arith.constant 1 : i32
      %get3A_613 = arith.index_cast %get3A_612 : i32 to index
      %get3A_614 = arith.constant 48 : index
      %get3A_615 = tpu.vector_load %arg13[%get3A_613, %get3A_614] {strides = array<i32>} : memref<2x80xi32, #tpu.memory_space<vmem>>, vector<16xi32>,
      %gather3A_616 = tpu.vector_load_idx %arg9[%get3A_611] : memref<10000xf32, #tpu.memory_space<vmem>>[vector<16xi32>], vector<16xf32>,
      %gather3A_617 = tpu.vector_load_idx %arg10[%get3A_615] : memref<10000xf32, #tpu.memory_space<vmem>>[vector<16xi32>], vector<16xf32>,
      %add3A_618 = arith.addf %gather3A_616, %gather3A_617 : vector<16xf32>
      %ge3A_619 = arith.constant 0.000000e+00 : f32
      %ge3A_620 = vector.broadcast %ge3A_619 : f32 to vector<16xf32>
      %ge3A_621 = arith.cmpf oge, %add3A_618, %ge3A_620 : vector<16xf32>
      %mul3A_622 = arith.constant 2.000000e-01 : f32
      %mul3A_623 = vector.broadcast %mul3A_622 : f32 to vector<16xf32>
      %mul3A_624 = arith.mulf %mul3A_623, %add3A_618 : vector<16xf32>
      %select_n3A_625 = arith.select %ge3A_621, %add3A_618, %mul3A_624 : vector<16xi1>, vector<16xf32>
      %sub3A_626 = arith.subf %select_n3A_625, %get3A_1 : vector<16xf32>
      %exp3A_627 = math.exp %sub3A_626 : vector<16xf32>
      %swap3A_628 = arith.constant 48 : index
      %swap3A_629 = tpu.vector_load %arg23[%swap3A_628] {strides = array<i32>} : memref<96xf32, #tpu.memory_space<vmem>>, vector<16xf32>,
      tpu.vector_store %arg23[%swap3A_628], %exp3A_627 {strides = array<i32>} : memref<96xf32, #tpu.memory_space<vmem>>, vector<16xf32>,
      %get3A_630 = arith.constant 0 : i32
      %get3A_631 = arith.index_cast %get3A_630 : i32 to index
      %get3A_632 = arith.constant 64 : index
      %get3A_633 = tpu.vector_load %arg13[%get3A_631, %get3A_632] {strides = array<i32>} : memref<2x80xi32, #tpu.memory_space<vmem>>, vector<16xi32>,
      %get3A_634 = arith.constant 1 : i32
      %get3A_635 = arith.index_cast %get3A_634 : i32 to index
      %get3A_636 = arith.constant 64 : index
      %get3A_637 = tpu.vector_load %arg13[%get3A_635, %get3A_636] {strides = array<i32>} : memref<2x80xi32, #tpu.memory_space<vmem>>, vector<16xi32>,
      %gather3A_638 = tpu.vector_load_idx %arg9[%get3A_633] : memref<10000xf32, #tpu.memory_space<vmem>>[vector<16xi32>], vector<16xf32>,
      %gather3A_639 = tpu.vector_load_idx %arg10[%get3A_637] : memref<10000xf32, #tpu.memory_space<vmem>>[vector<16xi32>], vector<16xf32>,
      %add3A_640 = arith.addf %gather3A_638, %gather3A_639 : vector<16xf32>
      %ge3A_641 = arith.constant 0.000000e+00 : f32
      %ge3A_642 = vector.broadcast %ge3A_641 : f32 to vector<16xf32>
      %ge3A_643 = arith.cmpf oge, %add3A_640, %ge3A_642 : vector<16xf32>
      %mul3A_644 = arith.constant 2.000000e-01 : f32
      %mul3A_645 = vector.broadcast %mul3A_644 : f32 to vector<16xf32>
      %mul3A_646 = arith.mulf %mul3A_645, %add3A_640 : vector<16xf32>
      %select_n3A_647 = arith.select %ge3A_643, %add3A_640, %mul3A_646 : vector<16xi1>, vector<16xf32>
      %sub3A_648 = arith.subf %select_n3A_647, %get3A_1 : vector<16xf32>
      %exp3A_649 = math.exp %sub3A_648 : vector<16xf32>
      %swap3A_650 = arith.constant 64 : index
      %swap3A_651 = tpu.vector_load %arg23[%swap3A_650] {strides = array<i32>} : memref<96xf32, #tpu.memory_space<vmem>>, vector<16xf32>,
      tpu.vector_store %arg23[%swap3A_650], %exp3A_649 {strides = array<i32>} : memref<96xf32, #tpu.memory_space<vmem>>, vector<16xf32>,
      %dma_wait3A_652 = arith.constant 0 : i32
      %dma_wait3A_653 = arith.constant 0 : i32
      %dma_wait3A_654 = tpu.memref_slice %arg24[%dma_wait3A_652, %dma_wait3A_653] : memref<10000x128xf32, #tpu.memory_space<vmem_shared>> -> memref<10000x128xf32, #tpu.memory_space<vmem_shared>>
      tpu.wait_indirect_dma semaphore(%arg32 : memref<!tpu.dma_semaphore, #tpu.memory_space<semaphore_mem>>) src(%arg16 : memref<32x128xf32, #tpu.memory_space<vmem>>) dst(%dma_wait3A_654 : memref<10000x128xf32, #tpu.memory_space<vmem_shared>>)
      %dma_wait3A_655 = arith.constant 0 : i32
      %dma_wait3A_656 = arith.constant 0 : i32
      %dma_wait3A_657 = tpu.memref_slice %arg25[%dma_wait3A_655, %dma_wait3A_656] : memref<10000x16xf32, #tpu.memory_space<vmem_shared>> -> memref<10000x16xf32, #tpu.memory_space<vmem_shared>>
      tpu.wait_indirect_dma semaphore(%arg33 : memref<!tpu.dma_semaphore, #tpu.memory_space<semaphore_mem>>) src(%arg19 : memref<32x16xf32, #tpu.memory_space<vmem>>) dst(%dma_wait3A_657 : memref<10000x16xf32, #tpu.memory_space<vmem_shared>>)
      %get3A_658 = arith.constant 1 : i32
      %get3A_659 = arith.index_cast %get3A_658 : i32 to index
      %get3A_660 = arith.constant 0 : index
      %get3A_661 = tpu.vector_load %arg13[%get3A_659, %get3A_660] {strides = array<i32>} : memref<2x80xi32, #tpu.memory_space<vmem>>, vector<16xi32>,
      %swap3A_662 = arith.constant 0 : index
      %swap3A_663 = tpu.vector_load %arg21[%swap3A_662] {strides = array<i32>} : memref<48xi32, #tpu.memory_space<vmem>>, vector<16xi32>,
      tpu.vector_store %arg21[%swap3A_662], %get3A_661 {strides = array<i32>} : memref<48xi32, #tpu.memory_space<vmem>>, vector<16xi32>,
      %add3A_664 = arith.constant 0 : i32
      %add3A_665 = vector.broadcast %add3A_664 : i32 to vector<16xi32>
      %add3A_666 = arith.addi %iota3A, %add3A_665 : vector<16xi32>
      %get3A_667 = arith.constant 0 : index
      %get3A_668 = tpu.vector_load %arg23[%get3A_667] {strides = array<i32>} : memref<96xf32, #tpu.memory_space<vmem>>, vector<16xf32>,
      tpu.vector_store_idx %arg18[%add3A_666, %broadcast_in_dim3A_30], %get3A_668 : memref<48x16xf32, #tpu.memory_space<vmem>>[vector<16xi32>, vector<16xi32>], vector<16xf32>,
      %get3A_669 = arith.constant 1 : i32
      %get3A_670 = arith.index_cast %get3A_669 : i32 to index
      %get3A_671 = arith.constant 16 : index
      %get3A_672 = tpu.vector_load %arg13[%get3A_670, %get3A_671] {strides = array<i32>} : memref<2x80xi32, #tpu.memory_space<vmem>>, vector<16xi32>,
      %swap3A_673 = arith.constant 16 : index
      %swap3A_674 = tpu.vector_load %arg21[%swap3A_673] {strides = array<i32>} : memref<48xi32, #tpu.memory_space<vmem>>, vector<16xi32>,
      tpu.vector_store %arg21[%swap3A_673], %get3A_672 {strides = array<i32>} : memref<48xi32, #tpu.memory_space<vmem>>, vector<16xi32>,
      %add3A_675 = arith.constant 16 : i32
      %add3A_676 = vector.broadcast %add3A_675 : i32 to vector<16xi32>
      %add3A_677 = arith.addi %iota3A, %add3A_676 : vector<16xi32>
      %get3A_678 = arith.constant 16 : index
      %get3A_679 = tpu.vector_load %arg23[%get3A_678] {strides = array<i32>} : memref<96xf32, #tpu.memory_space<vmem>>, vector<16xf32>,
      tpu.vector_store_idx %arg18[%add3A_677, %broadcast_in_dim3A_30], %get3A_679 : memref<48x16xf32, #tpu.memory_space<vmem>>[vector<16xi32>, vector<16xi32>], vector<16xf32>,
      %get3A_680 = arith.constant 1 : i32
      %get3A_681 = arith.index_cast %get3A_680 : i32 to index
      %get3A_682 = arith.constant 32 : index
      %get3A_683 = tpu.vector_load %arg13[%get3A_681, %get3A_682] {strides = array<i32>} : memref<2x80xi32, #tpu.memory_space<vmem>>, vector<16xi32>,
      %swap3A_684 = arith.constant 32 : index
      %swap3A_685 = tpu.vector_load %arg21[%swap3A_684] {strides = array<i32>} : memref<48xi32, #tpu.memory_space<vmem>>, vector<16xi32>,
      tpu.vector_store %arg21[%swap3A_684], %get3A_683 {strides = array<i32>} : memref<48xi32, #tpu.memory_space<vmem>>, vector<16xi32>,
      %add3A_686 = arith.constant 32 : i32
      %add3A_687 = vector.broadcast %add3A_686 : i32 to vector<16xi32>
      %add3A_688 = arith.addi %iota3A, %add3A_687 : vector<16xi32>
      %get3A_689 = arith.constant 32 : index
      %get3A_690 = tpu.vector_load %arg23[%get3A_689] {strides = array<i32>} : memref<96xf32, #tpu.memory_space<vmem>>, vector<16xf32>,
      tpu.vector_store_idx %arg18[%add3A_688, %broadcast_in_dim3A_30], %get3A_690 : memref<48x16xf32, #tpu.memory_space<vmem>>[vector<16xi32>, vector<16xi32>], vector<16xf32>,
      %get3A_691 = arith.constant 1 : i32
      %get3A_692 = arith.index_cast %get3A_691 : i32 to index
      %get3A_693 = arith.constant 48 : index
      %get3A_694 = tpu.vector_load %arg13[%get3A_692, %get3A_693] {strides = array<i32>} : memref<2x80xi32, #tpu.memory_space<vmem>>, vector<16xi32>,
      %swap3A_695 = arith.constant 0 : index
      %swap3A_696 = tpu.vector_load %arg22[%swap3A_695] {strides = array<i32>} : memref<32xi32, #tpu.memory_space<vmem>>, vector<16xi32>,
      tpu.vector_store %arg22[%swap3A_695], %get3A_694 {strides = array<i32>} : memref<32xi32, #tpu.memory_space<vmem>>, vector<16xi32>,
      %add3A_697 = arith.constant 0 : i32
      %add3A_698 = vector.broadcast %add3A_697 : i32 to vector<16xi32>
      %add3A_699 = arith.addi %iota3A, %add3A_698 : vector<16xi32>
      %get3A_700 = arith.constant 48 : index
      %get3A_701 = tpu.vector_load %arg23[%get3A_700] {strides = array<i32>} : memref<96xf32, #tpu.memory_space<vmem>>, vector<16xf32>,
      tpu.vector_store_idx %arg19[%add3A_699, %broadcast_in_dim3A_30], %get3A_701 : memref<32x16xf32, #tpu.memory_space<vmem>>[vector<16xi32>, vector<16xi32>], vector<16xf32>,
      %get3A_702 = arith.constant 1 : i32
      %get3A_703 = arith.index_cast %get3A_702 : i32 to index
      %get3A_704 = arith.constant 64 : index
      %get3A_705 = tpu.vector_load %arg13[%get3A_703, %get3A_704] {strides = array<i32>} : memref<2x80xi32, #tpu.memory_space<vmem>>, vector<16xi32>,
      %swap3A_706 = arith.constant 16 : index
      %swap3A_707 = tpu.vector_load %arg22[%swap3A_706] {strides = array<i32>} : memref<32xi32, #tpu.memory_space<vmem>>, vector<16xi32>,
      tpu.vector_store %arg22[%swap3A_706], %get3A_705 {strides = array<i32>} : memref<32xi32, #tpu.memory_space<vmem>>, vector<16xi32>,
      %add3A_708 = arith.constant 16 : i32
      %add3A_709 = vector.broadcast %add3A_708 : i32 to vector<16xi32>
      %add3A_710 = arith.addi %iota3A, %add3A_709 : vector<16xi32>
      %get3A_711 = arith.constant 64 : index
      %get3A_712 = tpu.vector_load %arg23[%get3A_711] {strides = array<i32>} : memref<96xf32, #tpu.memory_space<vmem>>, vector<16xf32>,
      tpu.vector_store_idx %arg19[%add3A_710, %broadcast_in_dim3A_30], %get3A_712 : memref<32x16xf32, #tpu.memory_space<vmem>>[vector<16xi32>, vector<16xi32>], vector<16xf32>,
      %dma_start3A_713 = arith.constant 0 : i32
      %dma_start3A_714 = arith.constant 48 : i32
      %dma_start3A_715 = tpu.memref_slice %arg13[%dma_start3A_713, %dma_start3A_714] : memref<2x80xi32, #tpu.memory_space<vmem>> -> memref<1x32xi32, #tpu.memory_space<vmem>>
      %dma_start3A_716 = tpu.memref_squeeze %dma_start3A_715 : memref<1x32xi32, #tpu.memory_space<vmem>> -> memref<32xi32, #tpu.memory_space<vmem>>
      %dma_start3A_717 = arith.constant 0 : i32
      %dma_start3A_718 = arith.constant 0 : i32
      %dma_start3A_719 = tpu.memref_slice %arg2[%dma_start3A_717, %dma_start3A_718] : memref<10000x128xf32, #tpu.memory_space<hbm>> -> memref<10000x128xf32, #tpu.memory_space<hbm>>
      tpu.enqueue_indirect_dma source(%dma_start3A_719 : memref<10000x128xf32, #tpu.memory_space<hbm>>) target(%arg16 : memref<32x128xf32, #tpu.memory_space<vmem>>) offsets(%dma_start3A_716 : memref<32xi32, #tpu.memory_space<vmem>>) semaphore(%arg27 : memref<!tpu.dma_semaphore, #tpu.memory_space<semaphore_mem>>)
      %dma_wait3A_720 = arith.constant 0 : i32
      %dma_wait3A_721 = arith.constant 0 : i32
      %dma_wait3A_722 = tpu.memref_slice %arg13[%dma_wait3A_720, %dma_wait3A_721] : memref<2x80xi32, #tpu.memory_space<vmem>> -> memref<1x48xi32, #tpu.memory_space<vmem>>
      %dma_wait3A_723 = tpu.memref_squeeze %dma_wait3A_722 : memref<1x48xi32, #tpu.memory_space<vmem>> -> memref<48xi32, #tpu.memory_space<vmem>>
      %dma_wait3A_724 = arith.constant 0 : i32
      %dma_wait3A_725 = arith.constant 0 : i32
      %dma_wait3A_726 = tpu.memref_slice %arg2[%dma_wait3A_724, %dma_wait3A_725] : memref<10000x128xf32, #tpu.memory_space<hbm>> -> memref<10000x128xf32, #tpu.memory_space<hbm>>
      tpu.wait_indirect_dma semaphore(%arg26 : memref<!tpu.dma_semaphore, #tpu.memory_space<semaphore_mem>>) src(%dma_wait3A_726 : memref<10000x128xf32, #tpu.memory_space<hbm>>) dst(%arg15 : memref<48x128xf32, #tpu.memory_space<vmem>>)
      %parallel_loop3A_727 = arith.constant 0 : i32
      %parallel_loop3A_728 = arith.constant 48 : i32
      %parallel_loop3A_729 = arith.constant 1 : i32
      scf.for %parallel_loop3A_776 = %parallel_loop3A_727 to %parallel_loop3A_728 step %parallel_loop3A_729  : i32 {
        %parallel_loop3A_777 = arith.constant 0 : i32
        %parallel_loop3A_778 = arith.addi %parallel_loop3A_777, %parallel_loop3A_776 : i32
        %parallel_loop3A_779 = arith.index_cast %parallel_loop3A_778 : i32 to index
        %parallel_loop3A_780 = tpu.vector_load %arg23[%parallel_loop3A_779] {strides = array<i32>} : memref<96xf32, #tpu.memory_space<vmem>>, vector<16xf32>,
        %parallel_loop3A_781 = vector.extract_strided_slice %parallel_loop3A_780 {offsets = [0], sizes = [1], strides = [1]} : vector<16xf32> to vector<1xf32>
        %parallel_loop3A_782 = vector.extract %parallel_loop3A_781[0] : f32 from vector<1xf32>
        %parallel_loop3A_783 = vector.broadcast %parallel_loop3A_782 : f32 to vector<16xf32>
        %parallel_loop3A_784 = arith.index_cast %parallel_loop3A_776 : i32 to index
        %parallel_loop3A_785 = arith.constant 0 : index
        %parallel_loop3A_786 = tpu.vector_load %arg15[%parallel_loop3A_784, %parallel_loop3A_785] {strides = array<i32>} : memref<48x128xf32, #tpu.memory_space<vmem>>, vector<16xf32>,
        %parallel_loop3A_787 = arith.mulf %parallel_loop3A_786, %parallel_loop3A_783 : vector<16xf32>
        %parallel_loop3A_788 = arith.index_cast %parallel_loop3A_776 : i32 to index
        %parallel_loop3A_789 = arith.constant 0 : index
        %parallel_loop3A_790 = tpu.vector_load %arg15[%parallel_loop3A_788, %parallel_loop3A_789] {strides = array<i32>} : memref<48x128xf32, #tpu.memory_space<vmem>>, vector<16xf32>,
        tpu.vector_store %arg15[%parallel_loop3A_788, %parallel_loop3A_789], %parallel_loop3A_787 {strides = array<i32>} : memref<48x128xf32, #tpu.memory_space<vmem>>, vector<16xf32>,
        %parallel_loop3A_791 = arith.index_cast %parallel_loop3A_776 : i32 to index
        %parallel_loop3A_792 = arith.constant 16 : index
        %parallel_loop3A_793 = tpu.vector_load %arg15[%parallel_loop3A_791, %parallel_loop3A_792] {strides = array<i32>} : memref<48x128xf32, #tpu.memory_space<vmem>>, vector<16xf32>,
        %parallel_loop3A_794 = arith.mulf %parallel_loop3A_793, %parallel_loop3A_783 : vector<16xf32>
        %parallel_loop3A_795 = arith.index_cast %parallel_loop3A_776 : i32 to index
        %parallel_loop3A_796 = arith.constant 16 : index
        %parallel_loop3A_797 = tpu.vector_load %arg15[%parallel_loop3A_795, %parallel_loop3A_796] {strides = array<i32>} : memref<48x128xf32, #tpu.memory_space<vmem>>, vector<16xf32>,
        tpu.vector_store %arg15[%parallel_loop3A_795, %parallel_loop3A_796], %parallel_loop3A_794 {strides = array<i32>} : memref<48x128xf32, #tpu.memory_space<vmem>>, vector<16xf32>,
        %parallel_loop3A_798 = arith.index_cast %parallel_loop3A_776 : i32 to index
        %parallel_loop3A_799 = arith.constant 32 : index
        %parallel_loop3A_800 = tpu.vector_load %arg15[%parallel_loop3A_798, %parallel_loop3A_799] {strides = array<i32>} : memref<48x128xf32, #tpu.memory_space<vmem>>, vector<16xf32>,
        %parallel_loop3A_801 = arith.mulf %parallel_loop3A_800, %parallel_loop3A_783 : vector<16xf32>
        %parallel_loop3A_802 = arith.index_cast %parallel_loop3A_776 : i32 to index
        %parallel_loop3A_803 = arith.constant 32 : index
        %parallel_loop3A_804 = tpu.vector_load %arg15[%parallel_loop3A_802, %parallel_loop3A_803] {strides = array<i32>} : memref<48x128xf32, #tpu.memory_space<vmem>>, vector<16xf32>,
        tpu.vector_store %arg15[%parallel_loop3A_802, %parallel_loop3A_803], %parallel_loop3A_801 {strides = array<i32>} : memref<48x128xf32, #tpu.memory_space<vmem>>, vector<16xf32>,
        %parallel_loop3A_805 = arith.index_cast %parallel_loop3A_776 : i32 to index
        %parallel_loop3A_806 = arith.constant 48 : index
        %parallel_loop3A_807 = tpu.vector_load %arg15[%parallel_loop3A_805, %parallel_loop3A_806] {strides = array<i32>} : memref<48x128xf32, #tpu.memory_space<vmem>>, vector<16xf32>,
        %parallel_loop3A_808 = arith.mulf %parallel_loop3A_807, %parallel_loop3A_783 : vector<16xf32>
        %parallel_loop3A_809 = arith.index_cast %parallel_loop3A_776 : i32 to index
        %parallel_loop3A_810 = arith.constant 48 : index
        %parallel_loop3A_811 = tpu.vector_load %arg15[%parallel_loop3A_809, %parallel_loop3A_810] {strides = array<i32>} : memref<48x128xf32, #tpu.memory_space<vmem>>, vector<16xf32>,
        tpu.vector_store %arg15[%parallel_loop3A_809, %parallel_loop3A_810], %parallel_loop3A_808 {strides = array<i32>} : memref<48x128xf32, #tpu.memory_space<vmem>>, vector<16xf32>,
        %parallel_loop3A_812 = arith.index_cast %parallel_loop3A_776 : i32 to index
        %parallel_loop3A_813 = arith.constant 64 : index
        %parallel_loop3A_814 = tpu.vector_load %arg15[%parallel_loop3A_812, %parallel_loop3A_813] {strides = array<i32>} : memref<48x128xf32, #tpu.memory_space<vmem>>, vector<16xf32>,
        %parallel_loop3A_815 = arith.mulf %parallel_loop3A_814, %parallel_loop3A_783 : vector<16xf32>
        %parallel_loop3A_816 = arith.index_cast %parallel_loop3A_776 : i32 to index
        %parallel_loop3A_817 = arith.constant 64 : index
        %parallel_loop3A_818 = tpu.vector_load %arg15[%parallel_loop3A_816, %parallel_loop3A_817] {strides = array<i32>} : memref<48x128xf32, #tpu.memory_space<vmem>>, vector<16xf32>,
        tpu.vector_store %arg15[%parallel_loop3A_816, %parallel_loop3A_817], %parallel_loop3A_815 {strides = array<i32>} : memref<48x128xf32, #tpu.memory_space<vmem>>, vector<16xf32>,
        %parallel_loop3A_819 = arith.index_cast %parallel_loop3A_776 : i32 to index
        %parallel_loop3A_820 = arith.constant 80 : index
        %parallel_loop3A_821 = tpu.vector_load %arg15[%parallel_loop3A_819, %parallel_loop3A_820] {strides = array<i32>} : memref<48x128xf32, #tpu.memory_space<vmem>>, vector<16xf32>,
        %parallel_loop3A_822 = arith.mulf %parallel_loop3A_821, %parallel_loop3A_783 : vector<16xf32>
        %parallel_loop3A_823 = arith.index_cast %parallel_loop3A_776 : i32 to index
        %parallel_loop3A_824 = arith.constant 80 : index
        %parallel_loop3A_825 = tpu.vector_load %arg15[%parallel_loop3A_823, %parallel_loop3A_824] {strides = array<i32>} : memref<48x128xf32, #tpu.memory_space<vmem>>, vector<16xf32>,
        tpu.vector_store %arg15[%parallel_loop3A_823, %parallel_loop3A_824], %parallel_loop3A_822 {strides = array<i32>} : memref<48x128xf32, #tpu.memory_space<vmem>>, vector<16xf32>,
        %parallel_loop3A_826 = arith.index_cast %parallel_loop3A_776 : i32 to index
        %parallel_loop3A_827 = arith.constant 96 : index
        %parallel_loop3A_828 = tpu.vector_load %arg15[%parallel_loop3A_826, %parallel_loop3A_827] {strides = array<i32>} : memref<48x128xf32, #tpu.memory_space<vmem>>, vector<16xf32>,
        %parallel_loop3A_829 = arith.mulf %parallel_loop3A_828, %parallel_loop3A_783 : vector<16xf32>
        %parallel_loop3A_830 = arith.index_cast %parallel_loop3A_776 : i32 to index
        %parallel_loop3A_831 = arith.constant 96 : index
        %parallel_loop3A_832 = tpu.vector_load %arg15[%parallel_loop3A_830, %parallel_loop3A_831] {strides = array<i32>} : memref<48x128xf32, #tpu.memory_space<vmem>>, vector<16xf32>,
        tpu.vector_store %arg15[%parallel_loop3A_830, %parallel_loop3A_831], %parallel_loop3A_829 {strides = array<i32>} : memref<48x128xf32, #tpu.memory_space<vmem>>, vector<16xf32>,
        %parallel_loop3A_833 = arith.index_cast %parallel_loop3A_776 : i32 to index
        %parallel_loop3A_834 = arith.constant 112 : index
        %parallel_loop3A_835 = tpu.vector_load %arg15[%parallel_loop3A_833, %parallel_loop3A_834] {strides = array<i32>} : memref<48x128xf32, #tpu.memory_space<vmem>>, vector<16xf32>,
        %parallel_loop3A_836 = arith.mulf %parallel_loop3A_835, %parallel_loop3A_783 : vector<16xf32>
        %parallel_loop3A_837 = arith.index_cast %parallel_loop3A_776 : i32 to index
        %parallel_loop3A_838 = arith.constant 112 : index
        %parallel_loop3A_839 = tpu.vector_load %arg15[%parallel_loop3A_837, %parallel_loop3A_838] {strides = array<i32>} : memref<48x128xf32, #tpu.memory_space<vmem>>, vector<16xf32>,
        tpu.vector_store %arg15[%parallel_loop3A_837, %parallel_loop3A_838], %parallel_loop3A_836 {strides = array<i32>} : memref<48x128xf32, #tpu.memory_space<vmem>>, vector<16xf32>,
      } {sc.loop_unroll_factor = 2 : i64, sc.parallel_access}
      %dma_start3A_730 = arith.constant 0 : i32
      %dma_start3A_731 = arith.constant 0 : i32
      %dma_start3A_732 = tpu.memref_slice %arg24[%dma_start3A_730, %dma_start3A_731] : memref<10000x128xf32, #tpu.memory_space<vmem_shared>> -> memref<10000x128xf32, #tpu.memory_space<vmem_shared>>
      tpu.enqueue_indirect_dma source(%arg15 : memref<48x128xf32, #tpu.memory_space<vmem>>) target(%dma_start3A_732 : memref<10000x128xf32, #tpu.memory_space<vmem_shared>>) offsets(%arg21 : memref<48xi32, #tpu.memory_space<vmem>>) semaphore(%arg29 : memref<!tpu.dma_semaphore, #tpu.memory_space<semaphore_mem>>) {add = true}
      %dma_start3A_733 = arith.constant 0 : i32
      %dma_start3A_734 = arith.constant 0 : i32
      %dma_start3A_735 = tpu.memref_slice %arg25[%dma_start3A_733, %dma_start3A_734] : memref<10000x16xf32, #tpu.memory_space<vmem_shared>> -> memref<10000x16xf32, #tpu.memory_space<vmem_shared>>
      tpu.enqueue_indirect_dma source(%arg18 : memref<48x16xf32, #tpu.memory_space<vmem>>) target(%dma_start3A_735 : memref<10000x16xf32, #tpu.memory_space<vmem_shared>>) offsets(%arg21 : memref<48xi32, #tpu.memory_space<vmem>>) semaphore(%arg31 : memref<!tpu.dma_semaphore, #tpu.memory_space<semaphore_mem>>) {add = true}
      %dma_wait3A_736 = arith.constant 0 : i32
      %dma_wait3A_737 = arith.constant 48 : i32
      %dma_wait3A_738 = tpu.memref_slice %arg13[%dma_wait3A_736, %dma_wait3A_737] : memref<2x80xi32, #tpu.memory_space<vmem>> -> memref<1x32xi32, #tpu.memory_space<vmem>>
      %dma_wait3A_739 = tpu.memref_squeeze %dma_wait3A_738 : memref<1x32xi32, #tpu.memory_space<vmem>> -> memref<32xi32, #tpu.memory_space<vmem>>
      %dma_wait3A_740 = arith.constant 0 : i32
      %dma_wait3A_741 = arith.constant 0 : i32
      %dma_wait3A_742 = tpu.memref_slice %arg2[%dma_wait3A_740, %dma_wait3A_741] : memref<10000x128xf32, #tpu.memory_space<hbm>> -> memref<10000x128xf32, #tpu.memory_space<hbm>>
      tpu.wait_indirect_dma semaphore(%arg27 : memref<!tpu.dma_semaphore, #tpu.memory_space<semaphore_mem>>) src(%dma_wait3A_742 : memref<10000x128xf32, #tpu.memory_space<hbm>>) dst(%arg16 : memref<32x128xf32, #tpu.memory_space<vmem>>)
      %parallel_loop3A_743 = arith.constant 0 : i32
      %parallel_loop3A_744 = arith.constant 32 : i32
      %parallel_loop3A_745 = arith.constant 1 : i32
      scf.for %parallel_loop3A_776 = %parallel_loop3A_743 to %parallel_loop3A_744 step %parallel_loop3A_745  : i32 {
        %parallel_loop3A_777 = arith.constant 48 : i32
        %parallel_loop3A_778 = arith.addi %parallel_loop3A_777, %parallel_loop3A_776 : i32
        %parallel_loop3A_779 = arith.index_cast %parallel_loop3A_778 : i32 to index
        %parallel_loop3A_780 = tpu.vector_load %arg23[%parallel_loop3A_779] {strides = array<i32>} : memref<96xf32, #tpu.memory_space<vmem>>, vector<16xf32>,
        %parallel_loop3A_781 = vector.extract_strided_slice %parallel_loop3A_780 {offsets = [0], sizes = [1], strides = [1]} : vector<16xf32> to vector<1xf32>
        %parallel_loop3A_782 = vector.extract %parallel_loop3A_781[0] : f32 from vector<1xf32>
        %parallel_loop3A_783 = vector.broadcast %parallel_loop3A_782 : f32 to vector<16xf32>
        %parallel_loop3A_784 = arith.index_cast %parallel_loop3A_776 : i32 to index
        %parallel_loop3A_785 = arith.constant 0 : index
        %parallel_loop3A_786 = tpu.vector_load %arg16[%parallel_loop3A_784, %parallel_loop3A_785] {strides = array<i32>} : memref<32x128xf32, #tpu.memory_space<vmem>>, vector<16xf32>,
        %parallel_loop3A_787 = arith.mulf %parallel_loop3A_786, %parallel_loop3A_783 : vector<16xf32>
        %parallel_loop3A_788 = arith.index_cast %parallel_loop3A_776 : i32 to index
        %parallel_loop3A_789 = arith.constant 0 : index
        %parallel_loop3A_790 = tpu.vector_load %arg16[%parallel_loop3A_788, %parallel_loop3A_789] {strides = array<i32>} : memref<32x128xf32, #tpu.memory_space<vmem>>, vector<16xf32>,
        tpu.vector_store %arg16[%parallel_loop3A_788, %parallel_loop3A_789], %parallel_loop3A_787 {strides = array<i32>} : memref<32x128xf32, #tpu.memory_space<vmem>>, vector<16xf32>,
        %parallel_loop3A_791 = arith.index_cast %parallel_loop3A_776 : i32 to index
        %parallel_loop3A_792 = arith.constant 16 : index
        %parallel_loop3A_793 = tpu.vector_load %arg16[%parallel_loop3A_791, %parallel_loop3A_792] {strides = array<i32>} : memref<32x128xf32, #tpu.memory_space<vmem>>, vector<16xf32>,
        %parallel_loop3A_794 = arith.mulf %parallel_loop3A_793, %parallel_loop3A_783 : vector<16xf32>
        %parallel_loop3A_795 = arith.index_cast %parallel_loop3A_776 : i32 to index
        %parallel_loop3A_796 = arith.constant 16 : index
        %parallel_loop3A_797 = tpu.vector_load %arg16[%parallel_loop3A_795, %parallel_loop3A_796] {strides = array<i32>} : memref<32x128xf32, #tpu.memory_space<vmem>>, vector<16xf32>,
        tpu.vector_store %arg16[%parallel_loop3A_795, %parallel_loop3A_796], %parallel_loop3A_794 {strides = array<i32>} : memref<32x128xf32, #tpu.memory_space<vmem>>, vector<16xf32>,
        %parallel_loop3A_798 = arith.index_cast %parallel_loop3A_776 : i32 to index
        %parallel_loop3A_799 = arith.constant 32 : index
        %parallel_loop3A_800 = tpu.vector_load %arg16[%parallel_loop3A_798, %parallel_loop3A_799] {strides = array<i32>} : memref<32x128xf32, #tpu.memory_space<vmem>>, vector<16xf32>,
        %parallel_loop3A_801 = arith.mulf %parallel_loop3A_800, %parallel_loop3A_783 : vector<16xf32>
        %parallel_loop3A_802 = arith.index_cast %parallel_loop3A_776 : i32 to index
        %parallel_loop3A_803 = arith.constant 32 : index
        %parallel_loop3A_804 = tpu.vector_load %arg16[%parallel_loop3A_802, %parallel_loop3A_803] {strides = array<i32>} : memref<32x128xf32, #tpu.memory_space<vmem>>, vector<16xf32>,
        tpu.vector_store %arg16[%parallel_loop3A_802, %parallel_loop3A_803], %parallel_loop3A_801 {strides = array<i32>} : memref<32x128xf32, #tpu.memory_space<vmem>>, vector<16xf32>,
        %parallel_loop3A_805 = arith.index_cast %parallel_loop3A_776 : i32 to index
        %parallel_loop3A_806 = arith.constant 48 : index
        %parallel_loop3A_807 = tpu.vector_load %arg16[%parallel_loop3A_805, %parallel_loop3A_806] {strides = array<i32>} : memref<32x128xf32, #tpu.memory_space<vmem>>, vector<16xf32>,
        %parallel_loop3A_808 = arith.mulf %parallel_loop3A_807, %parallel_loop3A_783 : vector<16xf32>
        %parallel_loop3A_809 = arith.index_cast %parallel_loop3A_776 : i32 to index
        %parallel_loop3A_810 = arith.constant 48 : index
        %parallel_loop3A_811 = tpu.vector_load %arg16[%parallel_loop3A_809, %parallel_loop3A_810] {strides = array<i32>} : memref<32x128xf32, #tpu.memory_space<vmem>>, vector<16xf32>,
        tpu.vector_store %arg16[%parallel_loop3A_809, %parallel_loop3A_810], %parallel_loop3A_808 {strides = array<i32>} : memref<32x128xf32, #tpu.memory_space<vmem>>, vector<16xf32>,
        %parallel_loop3A_812 = arith.index_cast %parallel_loop3A_776 : i32 to index
        %parallel_loop3A_813 = arith.constant 64 : index
        %parallel_loop3A_814 = tpu.vector_load %arg16[%parallel_loop3A_812, %parallel_loop3A_813] {strides = array<i32>} : memref<32x128xf32, #tpu.memory_space<vmem>>, vector<16xf32>,
        %parallel_loop3A_815 = arith.mulf %parallel_loop3A_814, %parallel_loop3A_783 : vector<16xf32>
        %parallel_loop3A_816 = arith.index_cast %parallel_loop3A_776 : i32 to index
        %parallel_loop3A_817 = arith.constant 64 : index
        %parallel_loop3A_818 = tpu.vector_load %arg16[%parallel_loop3A_816, %parallel_loop3A_817] {strides = array<i32>} : memref<32x128xf32, #tpu.memory_space<vmem>>, vector<16xf32>,
        tpu.vector_store %arg16[%parallel_loop3A_816, %parallel_loop3A_817], %parallel_loop3A_815 {strides = array<i32>} : memref<32x128xf32, #tpu.memory_space<vmem>>, vector<16xf32>,
        %parallel_loop3A_819 = arith.index_cast %parallel_loop3A_776 : i32 to index
        %parallel_loop3A_820 = arith.constant 80 : index
        %parallel_loop3A_821 = tpu.vector_load %arg16[%parallel_loop3A_819, %parallel_loop3A_820] {strides = array<i32>} : memref<32x128xf32, #tpu.memory_space<vmem>>, vector<16xf32>,
        %parallel_loop3A_822 = arith.mulf %parallel_loop3A_821, %parallel_loop3A_783 : vector<16xf32>
        %parallel_loop3A_823 = arith.index_cast %parallel_loop3A_776 : i32 to index
        %parallel_loop3A_824 = arith.constant 80 : index
        %parallel_loop3A_825 = tpu.vector_load %arg16[%parallel_loop3A_823, %parallel_loop3A_824] {strides = array<i32>} : memref<32x128xf32, #tpu.memory_space<vmem>>, vector<16xf32>,
        tpu.vector_store %arg16[%parallel_loop3A_823, %parallel_loop3A_824], %parallel_loop3A_822 {strides = array<i32>} : memref<32x128xf32, #tpu.memory_space<vmem>>, vector<16xf32>,
        %parallel_loop3A_826 = arith.index_cast %parallel_loop3A_776 : i32 to index
        %parallel_loop3A_827 = arith.constant 96 : index
        %parallel_loop3A_828 = tpu.vector_load %arg16[%parallel_loop3A_826, %parallel_loop3A_827] {strides = array<i32>} : memref<32x128xf32, #tpu.memory_space<vmem>>, vector<16xf32>,
        %parallel_loop3A_829 = arith.mulf %parallel_loop3A_828, %parallel_loop3A_783 : vector<16xf32>
        %parallel_loop3A_830 = arith.index_cast %parallel_loop3A_776 : i32 to index
        %parallel_loop3A_831 = arith.constant 96 : index
        %parallel_loop3A_832 = tpu.vector_load %arg16[%parallel_loop3A_830, %parallel_loop3A_831] {strides = array<i32>} : memref<32x128xf32, #tpu.memory_space<vmem>>, vector<16xf32>,
        tpu.vector_store %arg16[%parallel_loop3A_830, %parallel_loop3A_831], %parallel_loop3A_829 {strides = array<i32>} : memref<32x128xf32, #tpu.memory_space<vmem>>, vector<16xf32>,
        %parallel_loop3A_833 = arith.index_cast %parallel_loop3A_776 : i32 to index
        %parallel_loop3A_834 = arith.constant 112 : index
        %parallel_loop3A_835 = tpu.vector_load %arg16[%parallel_loop3A_833, %parallel_loop3A_834] {strides = array<i32>} : memref<32x128xf32, #tpu.memory_space<vmem>>, vector<16xf32>,
        %parallel_loop3A_836 = arith.mulf %parallel_loop3A_835, %parallel_loop3A_783 : vector<16xf32>
        %parallel_loop3A_837 = arith.index_cast %parallel_loop3A_776 : i32 to index
        %parallel_loop3A_838 = arith.constant 112 : index
        %parallel_loop3A_839 = tpu.vector_load %arg16[%parallel_loop3A_837, %parallel_loop3A_838] {strides = array<i32>} : memref<32x128xf32, #tpu.memory_space<vmem>>, vector<16xf32>,
        tpu.vector_store %arg16[%parallel_loop3A_837, %parallel_loop3A_838], %parallel_loop3A_836 {strides = array<i32>} : memref<32x128xf32, #tpu.memory_space<vmem>>, vector<16xf32>,
      } {sc.loop_unroll_factor = 2 : i64, sc.parallel_access}
      %dma_wait3A_746 = arith.constant 0 : i32
      %dma_wait3A_747 = arith.constant 0 : i32
      %dma_wait3A_748 = tpu.memref_slice %arg24[%dma_wait3A_746, %dma_wait3A_747] : memref<10000x128xf32, #tpu.memory_space<vmem_shared>> -> memref<10000x128xf32, #tpu.memory_space<vmem_shared>>
      tpu.wait_indirect_dma semaphore(%arg28 : memref<!tpu.dma_semaphore, #tpu.memory_space<semaphore_mem>>) src(%arg14 : memref<48x128xf32, #tpu.memory_space<vmem>>) dst(%dma_wait3A_748 : memref<10000x128xf32, #tpu.memory_space<vmem_shared>>)
      %dma_wait3A_749 = arith.constant 0 : i32
      %dma_wait3A_750 = arith.constant 0 : i32
      %dma_wait3A_751 = tpu.memref_slice %arg25[%dma_wait3A_749, %dma_wait3A_750] : memref<10000x16xf32, #tpu.memory_space<vmem_shared>> -> memref<10000x16xf32, #tpu.memory_space<vmem_shared>>
      tpu.wait_indirect_dma semaphore(%arg30 : memref<!tpu.dma_semaphore, #tpu.memory_space<semaphore_mem>>) src(%arg17 : memref<48x16xf32, #tpu.memory_space<vmem>>) dst(%dma_wait3A_751 : memref<10000x16xf32, #tpu.memory_space<vmem_shared>>)
      %add3A_752 = arith.addi %mul3A_28, %add3A_530 : i32
      %add3A_753 = arith.constant 1 : i32
      %add3A_754 = arith.addi %add3A_752, %add3A_753 : i32
      %dma_wait3A_755 = arith.constant 0 : i32
      %dma_wait3A_756 = arith.constant 0 : i32
      %dma_wait3A_757 = tpu.memref_slice %arg5[%add3A_754, %dma_wait3A_755, %dma_wait3A_756] : memref<4000x2x80xi32, #tpu.memory_space<hbm>> -> memref<1x2x80xi32, #tpu.memory_space<hbm>>
      %dma_wait3A_758 = tpu.memref_squeeze %dma_wait3A_757 : memref<1x2x80xi32, #tpu.memory_space<hbm>> -> memref<2x80xi32, #tpu.memory_space<hbm>>
      %dma_wait3A_759 = arith.constant 0 : i32
      %dma_wait3A_760 = arith.constant 0 : i32
      %dma_wait3A_761 = tpu.memref_slice %arg5[%add3A_754, %dma_wait3A_759, %dma_wait3A_760] : memref<4000x2x80xi32, #tpu.memory_space<hbm>> -> memref<1x2x80xi32, #tpu.memory_space<hbm>>
      %dma_wait3A_762 = tpu.memref_squeeze %dma_wait3A_761 : memref<1x2x80xi32, #tpu.memory_space<hbm>> -> memref<2x80xi32, #tpu.memory_space<hbm>>
      tpu.wait_dma2 semaphore(%arg34 : memref<!tpu.dma_semaphore, #tpu.memory_space<semaphore_mem>>) src(%dma_wait3A_762 : memref<2x80xi32, #tpu.memory_space<hbm>>) dst(%arg12 : memref<2x80xi32, #tpu.memory_space<vmem>>)
      %dma_start3A_763 = arith.constant 0 : i32
      %dma_start3A_764 = arith.constant 0 : i32
      %dma_start3A_765 = tpu.memref_slice %arg12[%dma_start3A_763, %dma_start3A_764] : memref<2x80xi32, #tpu.memory_space<vmem>> -> memref<1x48xi32, #tpu.memory_space<vmem>>
      %dma_start3A_766 = tpu.memref_squeeze %dma_start3A_765 : memref<1x48xi32, #tpu.memory_space<vmem>> -> memref<48xi32, #tpu.memory_space<vmem>>
      %dma_start3A_767 = arith.constant 0 : i32
      %dma_start3A_768 = arith.constant 0 : i32
      %dma_start3A_769 = tpu.memref_slice %arg2[%dma_start3A_767, %dma_start3A_768] : memref<10000x128xf32, #tpu.memory_space<hbm>> -> memref<10000x128xf32, #tpu.memory_space<hbm>>
      tpu.enqueue_indirect_dma source(%dma_start3A_769 : memref<10000x128xf32, #tpu.memory_space<hbm>>) target(%arg14 : memref<48x128xf32, #tpu.memory_space<vmem>>) offsets(%dma_start3A_766 : memref<48xi32, #tpu.memory_space<vmem>>) semaphore(%arg26 : memref<!tpu.dma_semaphore, #tpu.memory_space<semaphore_mem>>)
      %dma_start3A_770 = arith.constant 0 : i32
      %dma_start3A_771 = arith.constant 0 : i32
      %dma_start3A_772 = tpu.memref_slice %arg24[%dma_start3A_770, %dma_start3A_771] : memref<10000x128xf32, #tpu.memory_space<vmem_shared>> -> memref<10000x128xf32, #tpu.memory_space<vmem_shared>>
      tpu.enqueue_indirect_dma source(%arg16 : memref<32x128xf32, #tpu.memory_space<vmem>>) target(%dma_start3A_772 : memref<10000x128xf32, #tpu.memory_space<vmem_shared>>) offsets(%arg22 : memref<32xi32, #tpu.memory_space<vmem>>) semaphore(%arg32 : memref<!tpu.dma_semaphore, #tpu.memory_space<semaphore_mem>>) {add = true}
      %dma_start3A_773 = arith.constant 0 : i32
      %dma_start3A_774 = arith.constant 0 : i32
      %dma_start3A_775 = tpu.memref_slice %arg25[%dma_start3A_773, %dma_start3A_774] : memref<10000x16xf32, #tpu.memory_space<vmem_shared>> -> memref<10000x16xf32, #tpu.memory_space<vmem_shared>>
      tpu.enqueue_indirect_dma source(%arg19 : memref<32x16xf32, #tpu.memory_space<vmem>>) target(%dma_start3A_775 : memref<10000x16xf32, #tpu.memory_space<vmem_shared>>) offsets(%arg22 : memref<32xi32, #tpu.memory_space<vmem>>) semaphore(%arg33 : memref<!tpu.dma_semaphore, #tpu.memory_space<semaphore_mem>>) {add = true}
    }
    %scan3A_41 = arith.constant 62 : i32
    %get3A_42 = arith.constant 0 : i32
    %get3A_43 = arith.index_cast %get3A_42 : i32 to index
    %get3A_44 = arith.constant 0 : index
    %get3A_45 = tpu.vector_load %arg12[%get3A_43, %get3A_44] {strides = array<i32>} : memref<2x80xi32, #tpu.memory_space<vmem>>, vector<16xi32>,
    %get3A_46 = arith.constant 1 : i32
    %get3A_47 = arith.index_cast %get3A_46 : i32 to index
    %get3A_48 = arith.constant 0 : index
    %get3A_49 = tpu.vector_load %arg12[%get3A_47, %get3A_48] {strides = array<i32>} : memref<2x80xi32, #tpu.memory_space<vmem>>, vector<16xi32>,
    %gather3A = tpu.vector_load_idx %arg9[%get3A_45] : memref<10000xf32, #tpu.memory_space<vmem>>[vector<16xi32>], vector<16xf32>,
    %gather3A_50 = tpu.vector_load_idx %arg10[%get3A_49] : memref<10000xf32, #tpu.memory_space<vmem>>[vector<16xi32>], vector<16xf32>,
    %add3A_51 = arith.addf %gather3A, %gather3A_50 : vector<16xf32>
    %ge3A = arith.constant 0.000000e+00 : f32
    %ge3A_52 = vector.broadcast %ge3A : f32 to vector<16xf32>
    %ge3A_53 = arith.cmpf oge, %add3A_51, %ge3A_52 : vector<16xf32>
    %mul3A_54 = arith.constant 2.000000e-01 : f32
    %mul3A_55 = vector.broadcast %mul3A_54 : f32 to vector<16xf32>
    %mul3A_56 = arith.mulf %mul3A_55, %add3A_51 : vector<16xf32>
    %select_n3A = arith.select %ge3A_53, %add3A_51, %mul3A_56 : vector<16xi1>, vector<16xf32>
    %sub3A_57 = arith.subf %select_n3A, %get3A_1 : vector<16xf32>
    %exp3A = math.exp %sub3A_57 : vector<16xf32>
    %swap3A = arith.constant 0 : index
    %swap3A_58 = tpu.vector_load %arg23[%swap3A] {strides = array<i32>} : memref<96xf32, #tpu.memory_space<vmem>>, vector<16xf32>,
    tpu.vector_store %arg23[%swap3A], %exp3A {strides = array<i32>} : memref<96xf32, #tpu.memory_space<vmem>>, vector<16xf32>,
    %get3A_59 = arith.constant 0 : i32
    %get3A_60 = arith.index_cast %get3A_59 : i32 to index
    %get3A_61 = arith.constant 16 : index
    %get3A_62 = tpu.vector_load %arg12[%get3A_60, %get3A_61] {strides = array<i32>} : memref<2x80xi32, #tpu.memory_space<vmem>>, vector<16xi32>,
    %get3A_63 = arith.constant 1 : i32
    %get3A_64 = arith.index_cast %get3A_63 : i32 to index
    %get3A_65 = arith.constant 16 : index
    %get3A_66 = tpu.vector_load %arg12[%get3A_64, %get3A_65] {strides = array<i32>} : memref<2x80xi32, #tpu.memory_space<vmem>>, vector<16xi32>,
    %gather3A_67 = tpu.vector_load_idx %arg9[%get3A_62] : memref<10000xf32, #tpu.memory_space<vmem>>[vector<16xi32>], vector<16xf32>,
    %gather3A_68 = tpu.vector_load_idx %arg10[%get3A_66] : memref<10000xf32, #tpu.memory_space<vmem>>[vector<16xi32>], vector<16xf32>,
    %add3A_69 = arith.addf %gather3A_67, %gather3A_68 : vector<16xf32>
    %ge3A_70 = arith.constant 0.000000e+00 : f32
    %ge3A_71 = vector.broadcast %ge3A_70 : f32 to vector<16xf32>
    %ge3A_72 = arith.cmpf oge, %add3A_69, %ge3A_71 : vector<16xf32>
    %mul3A_73 = arith.constant 2.000000e-01 : f32
    %mul3A_74 = vector.broadcast %mul3A_73 : f32 to vector<16xf32>
    %mul3A_75 = arith.mulf %mul3A_74, %add3A_69 : vector<16xf32>
    %select_n3A_76 = arith.select %ge3A_72, %add3A_69, %mul3A_75 : vector<16xi1>, vector<16xf32>
    %sub3A_77 = arith.subf %select_n3A_76, %get3A_1 : vector<16xf32>
    %exp3A_78 = math.exp %sub3A_77 : vector<16xf32>
    %swap3A_79 = arith.constant 16 : index
    %swap3A_80 = tpu.vector_load %arg23[%swap3A_79] {strides = array<i32>} : memref<96xf32, #tpu.memory_space<vmem>>, vector<16xf32>,
    tpu.vector_store %arg23[%swap3A_79], %exp3A_78 {strides = array<i32>} : memref<96xf32, #tpu.memory_space<vmem>>, vector<16xf32>,
    %get3A_81 = arith.constant 0 : i32
    %get3A_82 = arith.index_cast %get3A_81 : i32 to index
    %get3A_83 = arith.constant 32 : index
    %get3A_84 = tpu.vector_load %arg12[%get3A_82, %get3A_83] {strides = array<i32>} : memref<2x80xi32, #tpu.memory_space<vmem>>, vector<16xi32>,
    %get3A_85 = arith.constant 1 : i32
    %get3A_86 = arith.index_cast %get3A_85 : i32 to index
    %get3A_87 = arith.constant 32 : index
    %get3A_88 = tpu.vector_load %arg12[%get3A_86, %get3A_87] {strides = array<i32>} : memref<2x80xi32, #tpu.memory_space<vmem>>, vector<16xi32>,
    %gather3A_89 = tpu.vector_load_idx %arg9[%get3A_84] : memref<10000xf32, #tpu.memory_space<vmem>>[vector<16xi32>], vector<16xf32>,
    %gather3A_90 = tpu.vector_load_idx %arg10[%get3A_88] : memref<10000xf32, #tpu.memory_space<vmem>>[vector<16xi32>], vector<16xf32>,
    %add3A_91 = arith.addf %gather3A_89, %gather3A_90 : vector<16xf32>
    %ge3A_92 = arith.constant 0.000000e+00 : f32
    %ge3A_93 = vector.broadcast %ge3A_92 : f32 to vector<16xf32>
    %ge3A_94 = arith.cmpf oge, %add3A_91, %ge3A_93 : vector<16xf32>
    %mul3A_95 = arith.constant 2.000000e-01 : f32
    %mul3A_96 = vector.broadcast %mul3A_95 : f32 to vector<16xf32>
    %mul3A_97 = arith.mulf %mul3A_96, %add3A_91 : vector<16xf32>
    %select_n3A_98 = arith.select %ge3A_94, %add3A_91, %mul3A_97 : vector<16xi1>, vector<16xf32>
    %sub3A_99 = arith.subf %select_n3A_98, %get3A_1 : vector<16xf32>
    %exp3A_100 = math.exp %sub3A_99 : vector<16xf32>
    %swap3A_101 = arith.constant 32 : index
    %swap3A_102 = tpu.vector_load %arg23[%swap3A_101] {strides = array<i32>} : memref<96xf32, #tpu.memory_space<vmem>>, vector<16xf32>,
    tpu.vector_store %arg23[%swap3A_101], %exp3A_100 {strides = array<i32>} : memref<96xf32, #tpu.memory_space<vmem>>, vector<16xf32>,
    %get3A_103 = arith.constant 0 : i32
    %get3A_104 = arith.index_cast %get3A_103 : i32 to index
    %get3A_105 = arith.constant 48 : index
    %get3A_106 = tpu.vector_load %arg12[%get3A_104, %get3A_105] {strides = array<i32>} : memref<2x80xi32, #tpu.memory_space<vmem>>, vector<16xi32>,
    %get3A_107 = arith.constant 1 : i32
    %get3A_108 = arith.index_cast %get3A_107 : i32 to index
    %get3A_109 = arith.constant 48 : index
    %get3A_110 = tpu.vector_load %arg12[%get3A_108, %get3A_109] {strides = array<i32>} : memref<2x80xi32, #tpu.memory_space<vmem>>, vector<16xi32>,
    %gather3A_111 = tpu.vector_load_idx %arg9[%get3A_106] : memref<10000xf32, #tpu.memory_space<vmem>>[vector<16xi32>], vector<16xf32>,
    %gather3A_112 = tpu.vector_load_idx %arg10[%get3A_110] : memref<10000xf32, #tpu.memory_space<vmem>>[vector<16xi32>], vector<16xf32>,
    %add3A_113 = arith.addf %gather3A_111, %gather3A_112 : vector<16xf32>
    %ge3A_114 = arith.constant 0.000000e+00 : f32
    %ge3A_115 = vector.broadcast %ge3A_114 : f32 to vector<16xf32>
    %ge3A_116 = arith.cmpf oge, %add3A_113, %ge3A_115 : vector<16xf32>
    %mul3A_117 = arith.constant 2.000000e-01 : f32
    %mul3A_118 = vector.broadcast %mul3A_117 : f32 to vector<16xf32>
    %mul3A_119 = arith.mulf %mul3A_118, %add3A_113 : vector<16xf32>
    %select_n3A_120 = arith.select %ge3A_116, %add3A_113, %mul3A_119 : vector<16xi1>, vector<16xf32>
    %sub3A_121 = arith.subf %select_n3A_120, %get3A_1 : vector<16xf32>
    %exp3A_122 = math.exp %sub3A_121 : vector<16xf32>
    %swap3A_123 = arith.constant 48 : index
    %swap3A_124 = tpu.vector_load %arg23[%swap3A_123] {strides = array<i32>} : memref<96xf32, #tpu.memory_space<vmem>>, vector<16xf32>,
    tpu.vector_store %arg23[%swap3A_123], %exp3A_122 {strides = array<i32>} : memref<96xf32, #tpu.memory_space<vmem>>, vector<16xf32>,
    %get3A_125 = arith.constant 0 : i32
    %get3A_126 = arith.index_cast %get3A_125 : i32 to index
    %get3A_127 = arith.constant 64 : index
    %get3A_128 = tpu.vector_load %arg12[%get3A_126, %get3A_127] {strides = array<i32>} : memref<2x80xi32, #tpu.memory_space<vmem>>, vector<16xi32>,
    %get3A_129 = arith.constant 1 : i32
    %get3A_130 = arith.index_cast %get3A_129 : i32 to index
    %get3A_131 = arith.constant 64 : index
    %get3A_132 = tpu.vector_load %arg12[%get3A_130, %get3A_131] {strides = array<i32>} : memref<2x80xi32, #tpu.memory_space<vmem>>, vector<16xi32>,
    %gather3A_133 = tpu.vector_load_idx %arg9[%get3A_128] : memref<10000xf32, #tpu.memory_space<vmem>>[vector<16xi32>], vector<16xf32>,
    %gather3A_134 = tpu.vector_load_idx %arg10[%get3A_132] : memref<10000xf32, #tpu.memory_space<vmem>>[vector<16xi32>], vector<16xf32>,
    %add3A_135 = arith.addf %gather3A_133, %gather3A_134 : vector<16xf32>
    %ge3A_136 = arith.constant 0.000000e+00 : f32
    %ge3A_137 = vector.broadcast %ge3A_136 : f32 to vector<16xf32>
    %ge3A_138 = arith.cmpf oge, %add3A_135, %ge3A_137 : vector<16xf32>
    %mul3A_139 = arith.constant 2.000000e-01 : f32
    %mul3A_140 = vector.broadcast %mul3A_139 : f32 to vector<16xf32>
    %mul3A_141 = arith.mulf %mul3A_140, %add3A_135 : vector<16xf32>
    %select_n3A_142 = arith.select %ge3A_138, %add3A_135, %mul3A_141 : vector<16xi1>, vector<16xf32>
    %sub3A_143 = arith.subf %select_n3A_142, %get3A_1 : vector<16xf32>
    %exp3A_144 = math.exp %sub3A_143 : vector<16xf32>
    %swap3A_145 = arith.constant 64 : index
    %swap3A_146 = tpu.vector_load %arg23[%swap3A_145] {strides = array<i32>} : memref<96xf32, #tpu.memory_space<vmem>>, vector<16xf32>,
    tpu.vector_store %arg23[%swap3A_145], %exp3A_144 {strides = array<i32>} : memref<96xf32, #tpu.memory_space<vmem>>, vector<16xf32>,
    %dma_wait3A = arith.constant 0 : i32
    %dma_wait3A_147 = arith.constant 0 : i32
    %dma_wait3A_148 = tpu.memref_slice %arg24[%dma_wait3A, %dma_wait3A_147] : memref<10000x128xf32, #tpu.memory_space<vmem_shared>> -> memref<10000x128xf32, #tpu.memory_space<vmem_shared>>
    tpu.wait_indirect_dma semaphore(%arg32 : memref<!tpu.dma_semaphore, #tpu.memory_space<semaphore_mem>>) src(%arg16 : memref<32x128xf32, #tpu.memory_space<vmem>>) dst(%dma_wait3A_148 : memref<10000x128xf32, #tpu.memory_space<vmem_shared>>)
    %dma_wait3A_149 = arith.constant 0 : i32
    %dma_wait3A_150 = arith.constant 0 : i32
    %dma_wait3A_151 = tpu.memref_slice %arg25[%dma_wait3A_149, %dma_wait3A_150] : memref<10000x16xf32, #tpu.memory_space<vmem_shared>> -> memref<10000x16xf32, #tpu.memory_space<vmem_shared>>
    tpu.wait_indirect_dma semaphore(%arg33 : memref<!tpu.dma_semaphore, #tpu.memory_space<semaphore_mem>>) src(%arg19 : memref<32x16xf32, #tpu.memory_space<vmem>>) dst(%dma_wait3A_151 : memref<10000x16xf32, #tpu.memory_space<vmem_shared>>)
    %get3A_152 = arith.constant 1 : i32
    %get3A_153 = arith.index_cast %get3A_152 : i32 to index
    %get3A_154 = arith.constant 0 : index
    %get3A_155 = tpu.vector_load %arg12[%get3A_153, %get3A_154] {strides = array<i32>} : memref<2x80xi32, #tpu.memory_space<vmem>>, vector<16xi32>,
    %swap3A_156 = arith.constant 0 : index
    %swap3A_157 = tpu.vector_load %arg20[%swap3A_156] {strides = array<i32>} : memref<48xi32, #tpu.memory_space<vmem>>, vector<16xi32>,
    tpu.vector_store %arg20[%swap3A_156], %get3A_155 {strides = array<i32>} : memref<48xi32, #tpu.memory_space<vmem>>, vector<16xi32>,
    %add3A_158 = arith.constant 0 : i32
    %add3A_159 = vector.broadcast %add3A_158 : i32 to vector<16xi32>
    %add3A_160 = arith.addi %iota3A, %add3A_159 : vector<16xi32>
    %get3A_161 = arith.constant 0 : index
    %get3A_162 = tpu.vector_load %arg23[%get3A_161] {strides = array<i32>} : memref<96xf32, #tpu.memory_space<vmem>>, vector<16xf32>,
    tpu.vector_store_idx %arg17[%add3A_160, %broadcast_in_dim3A_30], %get3A_162 : memref<48x16xf32, #tpu.memory_space<vmem>>[vector<16xi32>, vector<16xi32>], vector<16xf32>,
    %get3A_163 = arith.constant 1 : i32
    %get3A_164 = arith.index_cast %get3A_163 : i32 to index
    %get3A_165 = arith.constant 16 : index
    %get3A_166 = tpu.vector_load %arg12[%get3A_164, %get3A_165] {strides = array<i32>} : memref<2x80xi32, #tpu.memory_space<vmem>>, vector<16xi32>,
    %swap3A_167 = arith.constant 16 : index
    %swap3A_168 = tpu.vector_load %arg20[%swap3A_167] {strides = array<i32>} : memref<48xi32, #tpu.memory_space<vmem>>, vector<16xi32>,
    tpu.vector_store %arg20[%swap3A_167], %get3A_166 {strides = array<i32>} : memref<48xi32, #tpu.memory_space<vmem>>, vector<16xi32>,
    %add3A_169 = arith.constant 16 : i32
    %add3A_170 = vector.broadcast %add3A_169 : i32 to vector<16xi32>
    %add3A_171 = arith.addi %iota3A, %add3A_170 : vector<16xi32>
    %get3A_172 = arith.constant 16 : index
    %get3A_173 = tpu.vector_load %arg23[%get3A_172] {strides = array<i32>} : memref<96xf32, #tpu.memory_space<vmem>>, vector<16xf32>,
    tpu.vector_store_idx %arg17[%add3A_171, %broadcast_in_dim3A_30], %get3A_173 : memref<48x16xf32, #tpu.memory_space<vmem>>[vector<16xi32>, vector<16xi32>], vector<16xf32>,
    %get3A_174 = arith.constant 1 : i32
    %get3A_175 = arith.index_cast %get3A_174 : i32 to index
    %get3A_176 = arith.constant 32 : index
    %get3A_177 = tpu.vector_load %arg12[%get3A_175, %get3A_176] {strides = array<i32>} : memref<2x80xi32, #tpu.memory_space<vmem>>, vector<16xi32>,
    %swap3A_178 = arith.constant 32 : index
    %swap3A_179 = tpu.vector_load %arg20[%swap3A_178] {strides = array<i32>} : memref<48xi32, #tpu.memory_space<vmem>>, vector<16xi32>,
    tpu.vector_store %arg20[%swap3A_178], %get3A_177 {strides = array<i32>} : memref<48xi32, #tpu.memory_space<vmem>>, vector<16xi32>,
    %add3A_180 = arith.constant 32 : i32
    %add3A_181 = vector.broadcast %add3A_180 : i32 to vector<16xi32>
    %add3A_182 = arith.addi %iota3A, %add3A_181 : vector<16xi32>
    %get3A_183 = arith.constant 32 : index
    %get3A_184 = tpu.vector_load %arg23[%get3A_183] {strides = array<i32>} : memref<96xf32, #tpu.memory_space<vmem>>, vector<16xf32>,
    tpu.vector_store_idx %arg17[%add3A_182, %broadcast_in_dim3A_30], %get3A_184 : memref<48x16xf32, #tpu.memory_space<vmem>>[vector<16xi32>, vector<16xi32>], vector<16xf32>,
    %get3A_185 = arith.constant 1 : i32
    %get3A_186 = arith.index_cast %get3A_185 : i32 to index
    %get3A_187 = arith.constant 48 : index
    %get3A_188 = tpu.vector_load %arg12[%get3A_186, %get3A_187] {strides = array<i32>} : memref<2x80xi32, #tpu.memory_space<vmem>>, vector<16xi32>,
    %swap3A_189 = arith.constant 0 : index
    %swap3A_190 = tpu.vector_load %arg22[%swap3A_189] {strides = array<i32>} : memref<32xi32, #tpu.memory_space<vmem>>, vector<16xi32>,
    tpu.vector_store %arg22[%swap3A_189], %get3A_188 {strides = array<i32>} : memref<32xi32, #tpu.memory_space<vmem>>, vector<16xi32>,
    %add3A_191 = arith.constant 0 : i32
    %add3A_192 = vector.broadcast %add3A_191 : i32 to vector<16xi32>
    %add3A_193 = arith.addi %iota3A, %add3A_192 : vector<16xi32>
    %get3A_194 = arith.constant 48 : index
    %get3A_195 = tpu.vector_load %arg23[%get3A_194] {strides = array<i32>} : memref<96xf32, #tpu.memory_space<vmem>>, vector<16xf32>,
    tpu.vector_store_idx %arg19[%add3A_193, %broadcast_in_dim3A_30], %get3A_195 : memref<32x16xf32, #tpu.memory_space<vmem>>[vector<16xi32>, vector<16xi32>], vector<16xf32>,
    %get3A_196 = arith.constant 1 : i32
    %get3A_197 = arith.index_cast %get3A_196 : i32 to index
    %get3A_198 = arith.constant 64 : index
    %get3A_199 = tpu.vector_load %arg12[%get3A_197, %get3A_198] {strides = array<i32>} : memref<2x80xi32, #tpu.memory_space<vmem>>, vector<16xi32>,
    %swap3A_200 = arith.constant 16 : index
    %swap3A_201 = tpu.vector_load %arg22[%swap3A_200] {strides = array<i32>} : memref<32xi32, #tpu.memory_space<vmem>>, vector<16xi32>,
    tpu.vector_store %arg22[%swap3A_200], %get3A_199 {strides = array<i32>} : memref<32xi32, #tpu.memory_space<vmem>>, vector<16xi32>,
    %add3A_202 = arith.constant 16 : i32
    %add3A_203 = vector.broadcast %add3A_202 : i32 to vector<16xi32>
    %add3A_204 = arith.addi %iota3A, %add3A_203 : vector<16xi32>
    %get3A_205 = arith.constant 64 : index
    %get3A_206 = tpu.vector_load %arg23[%get3A_205] {strides = array<i32>} : memref<96xf32, #tpu.memory_space<vmem>>, vector<16xf32>,
    tpu.vector_store_idx %arg19[%add3A_204, %broadcast_in_dim3A_30], %get3A_206 : memref<32x16xf32, #tpu.memory_space<vmem>>[vector<16xi32>, vector<16xi32>], vector<16xf32>,
    %dma_start3A_207 = arith.constant 0 : i32
    %dma_start3A_208 = arith.constant 48 : i32
    %dma_start3A_209 = tpu.memref_slice %arg12[%dma_start3A_207, %dma_start3A_208] : memref<2x80xi32, #tpu.memory_space<vmem>> -> memref<1x32xi32, #tpu.memory_space<vmem>>
    %dma_start3A_210 = tpu.memref_squeeze %dma_start3A_209 : memref<1x32xi32, #tpu.memory_space<vmem>> -> memref<32xi32, #tpu.memory_space<vmem>>
    %dma_start3A_211 = arith.constant 0 : i32
    %dma_start3A_212 = arith.constant 0 : i32
    %dma_start3A_213 = tpu.memref_slice %arg2[%dma_start3A_211, %dma_start3A_212] : memref<10000x128xf32, #tpu.memory_space<hbm>> -> memref<10000x128xf32, #tpu.memory_space<hbm>>
    tpu.enqueue_indirect_dma source(%dma_start3A_213 : memref<10000x128xf32, #tpu.memory_space<hbm>>) target(%arg16 : memref<32x128xf32, #tpu.memory_space<vmem>>) offsets(%dma_start3A_210 : memref<32xi32, #tpu.memory_space<vmem>>) semaphore(%arg27 : memref<!tpu.dma_semaphore, #tpu.memory_space<semaphore_mem>>)
    %dma_wait3A_214 = arith.constant 0 : i32
    %dma_wait3A_215 = arith.constant 0 : i32
    %dma_wait3A_216 = tpu.memref_slice %arg12[%dma_wait3A_214, %dma_wait3A_215] : memref<2x80xi32, #tpu.memory_space<vmem>> -> memref<1x48xi32, #tpu.memory_space<vmem>>
    %dma_wait3A_217 = tpu.memref_squeeze %dma_wait3A_216 : memref<1x48xi32, #tpu.memory_space<vmem>> -> memref<48xi32, #tpu.memory_space<vmem>>
    %dma_wait3A_218 = arith.constant 0 : i32
    %dma_wait3A_219 = arith.constant 0 : i32
    %dma_wait3A_220 = tpu.memref_slice %arg2[%dma_wait3A_218, %dma_wait3A_219] : memref<10000x128xf32, #tpu.memory_space<hbm>> -> memref<10000x128xf32, #tpu.memory_space<hbm>>
    tpu.wait_indirect_dma semaphore(%arg26 : memref<!tpu.dma_semaphore, #tpu.memory_space<semaphore_mem>>) src(%dma_wait3A_220 : memref<10000x128xf32, #tpu.memory_space<hbm>>) dst(%arg14 : memref<48x128xf32, #tpu.memory_space<vmem>>)
    %parallel_loop3A = arith.constant 0 : i32
    %parallel_loop3A_221 = arith.constant 48 : i32
    %parallel_loop3A_222 = arith.constant 1 : i32
    scf.for %parallel_loop3A_282 = %parallel_loop3A to %parallel_loop3A_221 step %parallel_loop3A_222  : i32 {
      %parallel_loop3A_283 = arith.constant 0 : i32
      %parallel_loop3A_284 = arith.addi %parallel_loop3A_283, %parallel_loop3A_282 : i32
      %parallel_loop3A_285 = arith.index_cast %parallel_loop3A_284 : i32 to index
      %parallel_loop3A_286 = tpu.vector_load %arg23[%parallel_loop3A_285] {strides = array<i32>} : memref<96xf32, #tpu.memory_space<vmem>>, vector<16xf32>,
      %parallel_loop3A_287 = vector.extract_strided_slice %parallel_loop3A_286 {offsets = [0], sizes = [1], strides = [1]} : vector<16xf32> to vector<1xf32>
      %parallel_loop3A_288 = vector.extract %parallel_loop3A_287[0] : f32 from vector<1xf32>
      %parallel_loop3A_289 = vector.broadcast %parallel_loop3A_288 : f32 to vector<16xf32>
      %parallel_loop3A_290 = arith.index_cast %parallel_loop3A_282 : i32 to index
      %parallel_loop3A_291 = arith.constant 0 : index
      %parallel_loop3A_292 = tpu.vector_load %arg14[%parallel_loop3A_290, %parallel_loop3A_291] {strides = array<i32>} : memref<48x128xf32, #tpu.memory_space<vmem>>, vector<16xf32>,
      %parallel_loop3A_293 = arith.mulf %parallel_loop3A_292, %parallel_loop3A_289 : vector<16xf32>
      %parallel_loop3A_294 = arith.index_cast %parallel_loop3A_282 : i32 to index
      %parallel_loop3A_295 = arith.constant 0 : index
      %parallel_loop3A_296 = tpu.vector_load %arg14[%parallel_loop3A_294, %parallel_loop3A_295] {strides = array<i32>} : memref<48x128xf32, #tpu.memory_space<vmem>>, vector<16xf32>,
      tpu.vector_store %arg14[%parallel_loop3A_294, %parallel_loop3A_295], %parallel_loop3A_293 {strides = array<i32>} : memref<48x128xf32, #tpu.memory_space<vmem>>, vector<16xf32>,
      %parallel_loop3A_297 = arith.index_cast %parallel_loop3A_282 : i32 to index
      %parallel_loop3A_298 = arith.constant 16 : index
      %parallel_loop3A_299 = tpu.vector_load %arg14[%parallel_loop3A_297, %parallel_loop3A_298] {strides = array<i32>} : memref<48x128xf32, #tpu.memory_space<vmem>>, vector<16xf32>,
      %parallel_loop3A_300 = arith.mulf %parallel_loop3A_299, %parallel_loop3A_289 : vector<16xf32>
      %parallel_loop3A_301 = arith.index_cast %parallel_loop3A_282 : i32 to index
      %parallel_loop3A_302 = arith.constant 16 : index
      %parallel_loop3A_303 = tpu.vector_load %arg14[%parallel_loop3A_301, %parallel_loop3A_302] {strides = array<i32>} : memref<48x128xf32, #tpu.memory_space<vmem>>, vector<16xf32>,
      tpu.vector_store %arg14[%parallel_loop3A_301, %parallel_loop3A_302], %parallel_loop3A_300 {strides = array<i32>} : memref<48x128xf32, #tpu.memory_space<vmem>>, vector<16xf32>,
      %parallel_loop3A_304 = arith.index_cast %parallel_loop3A_282 : i32 to index
      %parallel_loop3A_305 = arith.constant 32 : index
      %parallel_loop3A_306 = tpu.vector_load %arg14[%parallel_loop3A_304, %parallel_loop3A_305] {strides = array<i32>} : memref<48x128xf32, #tpu.memory_space<vmem>>, vector<16xf32>,
      %parallel_loop3A_307 = arith.mulf %parallel_loop3A_306, %parallel_loop3A_289 : vector<16xf32>
      %parallel_loop3A_308 = arith.index_cast %parallel_loop3A_282 : i32 to index
      %parallel_loop3A_309 = arith.constant 32 : index
      %parallel_loop3A_310 = tpu.vector_load %arg14[%parallel_loop3A_308, %parallel_loop3A_309] {strides = array<i32>} : memref<48x128xf32, #tpu.memory_space<vmem>>, vector<16xf32>,
      tpu.vector_store %arg14[%parallel_loop3A_308, %parallel_loop3A_309], %parallel_loop3A_307 {strides = array<i32>} : memref<48x128xf32, #tpu.memory_space<vmem>>, vector<16xf32>,
      %parallel_loop3A_311 = arith.index_cast %parallel_loop3A_282 : i32 to index
      %parallel_loop3A_312 = arith.constant 48 : index
      %parallel_loop3A_313 = tpu.vector_load %arg14[%parallel_loop3A_311, %parallel_loop3A_312] {strides = array<i32>} : memref<48x128xf32, #tpu.memory_space<vmem>>, vector<16xf32>,
      %parallel_loop3A_314 = arith.mulf %parallel_loop3A_313, %parallel_loop3A_289 : vector<16xf32>
      %parallel_loop3A_315 = arith.index_cast %parallel_loop3A_282 : i32 to index
      %parallel_loop3A_316 = arith.constant 48 : index
      %parallel_loop3A_317 = tpu.vector_load %arg14[%parallel_loop3A_315, %parallel_loop3A_316] {strides = array<i32>} : memref<48x128xf32, #tpu.memory_space<vmem>>, vector<16xf32>,
      tpu.vector_store %arg14[%parallel_loop3A_315, %parallel_loop3A_316], %parallel_loop3A_314 {strides = array<i32>} : memref<48x128xf32, #tpu.memory_space<vmem>>, vector<16xf32>,
      %parallel_loop3A_318 = arith.index_cast %parallel_loop3A_282 : i32 to index
      %parallel_loop3A_319 = arith.constant 64 : index
      %parallel_loop3A_320 = tpu.vector_load %arg14[%parallel_loop3A_318, %parallel_loop3A_319] {strides = array<i32>} : memref<48x128xf32, #tpu.memory_space<vmem>>, vector<16xf32>,
      %parallel_loop3A_321 = arith.mulf %parallel_loop3A_320, %parallel_loop3A_289 : vector<16xf32>
      %parallel_loop3A_322 = arith.index_cast %parallel_loop3A_282 : i32 to index
      %parallel_loop3A_323 = arith.constant 64 : index
      %parallel_loop3A_324 = tpu.vector_load %arg14[%parallel_loop3A_322, %parallel_loop3A_323] {strides = array<i32>} : memref<48x128xf32, #tpu.memory_space<vmem>>, vector<16xf32>,
      tpu.vector_store %arg14[%parallel_loop3A_322, %parallel_loop3A_323], %parallel_loop3A_321 {strides = array<i32>} : memref<48x128xf32, #tpu.memory_space<vmem>>, vector<16xf32>,
      %parallel_loop3A_325 = arith.index_cast %parallel_loop3A_282 : i32 to index
      %parallel_loop3A_326 = arith.constant 80 : index
      %parallel_loop3A_327 = tpu.vector_load %arg14[%parallel_loop3A_325, %parallel_loop3A_326] {strides = array<i32>} : memref<48x128xf32, #tpu.memory_space<vmem>>, vector<16xf32>,
      %parallel_loop3A_328 = arith.mulf %parallel_loop3A_327, %parallel_loop3A_289 : vector<16xf32>
      %parallel_loop3A_329 = arith.index_cast %parallel_loop3A_282 : i32 to index
      %parallel_loop3A_330 = arith.constant 80 : index
      %parallel_loop3A_331 = tpu.vector_load %arg14[%parallel_loop3A_329, %parallel_loop3A_330] {strides = array<i32>} : memref<48x128xf32, #tpu.memory_space<vmem>>, vector<16xf32>,
      tpu.vector_store %arg14[%parallel_loop3A_329, %parallel_loop3A_330], %parallel_loop3A_328 {strides = array<i32>} : memref<48x128xf32, #tpu.memory_space<vmem>>, vector<16xf32>,
      %parallel_loop3A_332 = arith.index_cast %parallel_loop3A_282 : i32 to index
      %parallel_loop3A_333 = arith.constant 96 : index
      %parallel_loop3A_334 = tpu.vector_load %arg14[%parallel_loop3A_332, %parallel_loop3A_333] {strides = array<i32>} : memref<48x128xf32, #tpu.memory_space<vmem>>, vector<16xf32>,
      %parallel_loop3A_335 = arith.mulf %parallel_loop3A_334, %parallel_loop3A_289 : vector<16xf32>
      %parallel_loop3A_336 = arith.index_cast %parallel_loop3A_282 : i32 to index
      %parallel_loop3A_337 = arith.constant 96 : index
      %parallel_loop3A_338 = tpu.vector_load %arg14[%parallel_loop3A_336, %parallel_loop3A_337] {strides = array<i32>} : memref<48x128xf32, #tpu.memory_space<vmem>>, vector<16xf32>,
      tpu.vector_store %arg14[%parallel_loop3A_336, %parallel_loop3A_337], %parallel_loop3A_335 {strides = array<i32>} : memref<48x128xf32, #tpu.memory_space<vmem>>, vector<16xf32>,
      %parallel_loop3A_339 = arith.index_cast %parallel_loop3A_282 : i32 to index
      %parallel_loop3A_340 = arith.constant 112 : index
      %parallel_loop3A_341 = tpu.vector_load %arg14[%parallel_loop3A_339, %parallel_loop3A_340] {strides = array<i32>} : memref<48x128xf32, #tpu.memory_space<vmem>>, vector<16xf32>,
      %parallel_loop3A_342 = arith.mulf %parallel_loop3A_341, %parallel_loop3A_289 : vector<16xf32>
      %parallel_loop3A_343 = arith.index_cast %parallel_loop3A_282 : i32 to index
      %parallel_loop3A_344 = arith.constant 112 : index
      %parallel_loop3A_345 = tpu.vector_load %arg14[%parallel_loop3A_343, %parallel_loop3A_344] {strides = array<i32>} : memref<48x128xf32, #tpu.memory_space<vmem>>, vector<16xf32>,
      tpu.vector_store %arg14[%parallel_loop3A_343, %parallel_loop3A_344], %parallel_loop3A_342 {strides = array<i32>} : memref<48x128xf32, #tpu.memory_space<vmem>>, vector<16xf32>,
    } {sc.loop_unroll_factor = 2 : i64, sc.parallel_access}
    %dma_start3A_223 = arith.constant 0 : i32
    %dma_start3A_224 = arith.constant 0 : i32
    %dma_start3A_225 = tpu.memref_slice %arg24[%dma_start3A_223, %dma_start3A_224] : memref<10000x128xf32, #tpu.memory_space<vmem_shared>> -> memref<10000x128xf32, #tpu.memory_space<vmem_shared>>
    tpu.enqueue_indirect_dma source(%arg14 : memref<48x128xf32, #tpu.memory_space<vmem>>) target(%dma_start3A_225 : memref<10000x128xf32, #tpu.memory_space<vmem_shared>>) offsets(%arg20 : memref<48xi32, #tpu.memory_space<vmem>>) semaphore(%arg28 : memref<!tpu.dma_semaphore, #tpu.memory_space<semaphore_mem>>) {add = true}
    %dma_start3A_226 = arith.constant 0 : i32
    %dma_start3A_227 = arith.constant 0 : i32
    %dma_start3A_228 = tpu.memref_slice %arg25[%dma_start3A_226, %dma_start3A_227] : memref<10000x16xf32, #tpu.memory_space<vmem_shared>> -> memref<10000x16xf32, #tpu.memory_space<vmem_shared>>
    tpu.enqueue_indirect_dma source(%arg17 : memref<48x16xf32, #tpu.memory_space<vmem>>) target(%dma_start3A_228 : memref<10000x16xf32, #tpu.memory_space<vmem_shared>>) offsets(%arg20 : memref<48xi32, #tpu.memory_space<vmem>>) semaphore(%arg30 : memref<!tpu.dma_semaphore, #tpu.memory_space<semaphore_mem>>) {add = true}
    %dma_wait3A_229 = arith.constant 0 : i32
    %dma_wait3A_230 = arith.constant 48 : i32
    %dma_wait3A_231 = tpu.memref_slice %arg12[%dma_wait3A_229, %dma_wait3A_230] : memref<2x80xi32, #tpu.memory_space<vmem>> -> memref<1x32xi32, #tpu.memory_space<vmem>>
    %dma_wait3A_232 = tpu.memref_squeeze %dma_wait3A_231 : memref<1x32xi32, #tpu.memory_space<vmem>> -> memref<32xi32, #tpu.memory_space<vmem>>
    %dma_wait3A_233 = arith.constant 0 : i32
    %dma_wait3A_234 = arith.constant 0 : i32
    %dma_wait3A_235 = tpu.memref_slice %arg2[%dma_wait3A_233, %dma_wait3A_234] : memref<10000x128xf32, #tpu.memory_space<hbm>> -> memref<10000x128xf32, #tpu.memory_space<hbm>>
    tpu.wait_indirect_dma semaphore(%arg27 : memref<!tpu.dma_semaphore, #tpu.memory_space<semaphore_mem>>) src(%dma_wait3A_235 : memref<10000x128xf32, #tpu.memory_space<hbm>>) dst(%arg16 : memref<32x128xf32, #tpu.memory_space<vmem>>)
    %parallel_loop3A_236 = arith.constant 0 : i32
    %parallel_loop3A_237 = arith.constant 32 : i32
    %parallel_loop3A_238 = arith.constant 1 : i32
    scf.for %parallel_loop3A_282 = %parallel_loop3A_236 to %parallel_loop3A_237 step %parallel_loop3A_238  : i32 {
      %parallel_loop3A_283 = arith.constant 48 : i32
      %parallel_loop3A_284 = arith.addi %parallel_loop3A_283, %parallel_loop3A_282 : i32
      %parallel_loop3A_285 = arith.index_cast %parallel_loop3A_284 : i32 to index
      %parallel_loop3A_286 = tpu.vector_load %arg23[%parallel_loop3A_285] {strides = array<i32>} : memref<96xf32, #tpu.memory_space<vmem>>, vector<16xf32>,
      %parallel_loop3A_287 = vector.extract_strided_slice %parallel_loop3A_286 {offsets = [0], sizes = [1], strides = [1]} : vector<16xf32> to vector<1xf32>
      %parallel_loop3A_288 = vector.extract %parallel_loop3A_287[0] : f32 from vector<1xf32>
      %parallel_loop3A_289 = vector.broadcast %parallel_loop3A_288 : f32 to vector<16xf32>
      %parallel_loop3A_290 = arith.index_cast %parallel_loop3A_282 : i32 to index
      %parallel_loop3A_291 = arith.constant 0 : index
      %parallel_loop3A_292 = tpu.vector_load %arg16[%parallel_loop3A_290, %parallel_loop3A_291] {strides = array<i32>} : memref<32x128xf32, #tpu.memory_space<vmem>>, vector<16xf32>,
      %parallel_loop3A_293 = arith.mulf %parallel_loop3A_292, %parallel_loop3A_289 : vector<16xf32>
      %parallel_loop3A_294 = arith.index_cast %parallel_loop3A_282 : i32 to index
      %parallel_loop3A_295 = arith.constant 0 : index
      %parallel_loop3A_296 = tpu.vector_load %arg16[%parallel_loop3A_294, %parallel_loop3A_295] {strides = array<i32>} : memref<32x128xf32, #tpu.memory_space<vmem>>, vector<16xf32>,
      tpu.vector_store %arg16[%parallel_loop3A_294, %parallel_loop3A_295], %parallel_loop3A_293 {strides = array<i32>} : memref<32x128xf32, #tpu.memory_space<vmem>>, vector<16xf32>,
      %parallel_loop3A_297 = arith.index_cast %parallel_loop3A_282 : i32 to index
      %parallel_loop3A_298 = arith.constant 16 : index
      %parallel_loop3A_299 = tpu.vector_load %arg16[%parallel_loop3A_297, %parallel_loop3A_298] {strides = array<i32>} : memref<32x128xf32, #tpu.memory_space<vmem>>, vector<16xf32>,
      %parallel_loop3A_300 = arith.mulf %parallel_loop3A_299, %parallel_loop3A_289 : vector<16xf32>
      %parallel_loop3A_301 = arith.index_cast %parallel_loop3A_282 : i32 to index
      %parallel_loop3A_302 = arith.constant 16 : index
      %parallel_loop3A_303 = tpu.vector_load %arg16[%parallel_loop3A_301, %parallel_loop3A_302] {strides = array<i32>} : memref<32x128xf32, #tpu.memory_space<vmem>>, vector<16xf32>,
      tpu.vector_store %arg16[%parallel_loop3A_301, %parallel_loop3A_302], %parallel_loop3A_300 {strides = array<i32>} : memref<32x128xf32, #tpu.memory_space<vmem>>, vector<16xf32>,
      %parallel_loop3A_304 = arith.index_cast %parallel_loop3A_282 : i32 to index
      %parallel_loop3A_305 = arith.constant 32 : index
      %parallel_loop3A_306 = tpu.vector_load %arg16[%parallel_loop3A_304, %parallel_loop3A_305] {strides = array<i32>} : memref<32x128xf32, #tpu.memory_space<vmem>>, vector<16xf32>,
      %parallel_loop3A_307 = arith.mulf %parallel_loop3A_306, %parallel_loop3A_289 : vector<16xf32>
      %parallel_loop3A_308 = arith.index_cast %parallel_loop3A_282 : i32 to index
      %parallel_loop3A_309 = arith.constant 32 : index
      %parallel_loop3A_310 = tpu.vector_load %arg16[%parallel_loop3A_308, %parallel_loop3A_309] {strides = array<i32>} : memref<32x128xf32, #tpu.memory_space<vmem>>, vector<16xf32>,
      tpu.vector_store %arg16[%parallel_loop3A_308, %parallel_loop3A_309], %parallel_loop3A_307 {strides = array<i32>} : memref<32x128xf32, #tpu.memory_space<vmem>>, vector<16xf32>,
      %parallel_loop3A_311 = arith.index_cast %parallel_loop3A_282 : i32 to index
      %parallel_loop3A_312 = arith.constant 48 : index
      %parallel_loop3A_313 = tpu.vector_load %arg16[%parallel_loop3A_311, %parallel_loop3A_312] {strides = array<i32>} : memref<32x128xf32, #tpu.memory_space<vmem>>, vector<16xf32>,
      %parallel_loop3A_314 = arith.mulf %parallel_loop3A_313, %parallel_loop3A_289 : vector<16xf32>
      %parallel_loop3A_315 = arith.index_cast %parallel_loop3A_282 : i32 to index
      %parallel_loop3A_316 = arith.constant 48 : index
      %parallel_loop3A_317 = tpu.vector_load %arg16[%parallel_loop3A_315, %parallel_loop3A_316] {strides = array<i32>} : memref<32x128xf32, #tpu.memory_space<vmem>>, vector<16xf32>,
      tpu.vector_store %arg16[%parallel_loop3A_315, %parallel_loop3A_316], %parallel_loop3A_314 {strides = array<i32>} : memref<32x128xf32, #tpu.memory_space<vmem>>, vector<16xf32>,
      %parallel_loop3A_318 = arith.index_cast %parallel_loop3A_282 : i32 to index
      %parallel_loop3A_319 = arith.constant 64 : index
      %parallel_loop3A_320 = tpu.vector_load %arg16[%parallel_loop3A_318, %parallel_loop3A_319] {strides = array<i32>} : memref<32x128xf32, #tpu.memory_space<vmem>>, vector<16xf32>,
      %parallel_loop3A_321 = arith.mulf %parallel_loop3A_320, %parallel_loop3A_289 : vector<16xf32>
      %parallel_loop3A_322 = arith.index_cast %parallel_loop3A_282 : i32 to index
      %parallel_loop3A_323 = arith.constant 64 : index
      %parallel_loop3A_324 = tpu.vector_load %arg16[%parallel_loop3A_322, %parallel_loop3A_323] {strides = array<i32>} : memref<32x128xf32, #tpu.memory_space<vmem>>, vector<16xf32>,
      tpu.vector_store %arg16[%parallel_loop3A_322, %parallel_loop3A_323], %parallel_loop3A_321 {strides = array<i32>} : memref<32x128xf32, #tpu.memory_space<vmem>>, vector<16xf32>,
      %parallel_loop3A_325 = arith.index_cast %parallel_loop3A_282 : i32 to index
      %parallel_loop3A_326 = arith.constant 80 : index
      %parallel_loop3A_327 = tpu.vector_load %arg16[%parallel_loop3A_325, %parallel_loop3A_326] {strides = array<i32>} : memref<32x128xf32, #tpu.memory_space<vmem>>, vector<16xf32>,
      %parallel_loop3A_328 = arith.mulf %parallel_loop3A_327, %parallel_loop3A_289 : vector<16xf32>
      %parallel_loop3A_329 = arith.index_cast %parallel_loop3A_282 : i32 to index
      %parallel_loop3A_330 = arith.constant 80 : index
      %parallel_loop3A_331 = tpu.vector_load %arg16[%parallel_loop3A_329, %parallel_loop3A_330] {strides = array<i32>} : memref<32x128xf32, #tpu.memory_space<vmem>>, vector<16xf32>,
      tpu.vector_store %arg16[%parallel_loop3A_329, %parallel_loop3A_330], %parallel_loop3A_328 {strides = array<i32>} : memref<32x128xf32, #tpu.memory_space<vmem>>, vector<16xf32>,
      %parallel_loop3A_332 = arith.index_cast %parallel_loop3A_282 : i32 to index
      %parallel_loop3A_333 = arith.constant 96 : index
      %parallel_loop3A_334 = tpu.vector_load %arg16[%parallel_loop3A_332, %parallel_loop3A_333] {strides = array<i32>} : memref<32x128xf32, #tpu.memory_space<vmem>>, vector<16xf32>,
      %parallel_loop3A_335 = arith.mulf %parallel_loop3A_334, %parallel_loop3A_289 : vector<16xf32>
      %parallel_loop3A_336 = arith.index_cast %parallel_loop3A_282 : i32 to index
      %parallel_loop3A_337 = arith.constant 96 : index
      %parallel_loop3A_338 = tpu.vector_load %arg16[%parallel_loop3A_336, %parallel_loop3A_337] {strides = array<i32>} : memref<32x128xf32, #tpu.memory_space<vmem>>, vector<16xf32>,
      tpu.vector_store %arg16[%parallel_loop3A_336, %parallel_loop3A_337], %parallel_loop3A_335 {strides = array<i32>} : memref<32x128xf32, #tpu.memory_space<vmem>>, vector<16xf32>,
      %parallel_loop3A_339 = arith.index_cast %parallel_loop3A_282 : i32 to index
      %parallel_loop3A_340 = arith.constant 112 : index
      %parallel_loop3A_341 = tpu.vector_load %arg16[%parallel_loop3A_339, %parallel_loop3A_340] {strides = array<i32>} : memref<32x128xf32, #tpu.memory_space<vmem>>, vector<16xf32>,
      %parallel_loop3A_342 = arith.mulf %parallel_loop3A_341, %parallel_loop3A_289 : vector<16xf32>
      %parallel_loop3A_343 = arith.index_cast %parallel_loop3A_282 : i32 to index
      %parallel_loop3A_344 = arith.constant 112 : index
      %parallel_loop3A_345 = tpu.vector_load %arg16[%parallel_loop3A_343, %parallel_loop3A_344] {strides = array<i32>} : memref<32x128xf32, #tpu.memory_space<vmem>>, vector<16xf32>,
      tpu.vector_store %arg16[%parallel_loop3A_343, %parallel_loop3A_344], %parallel_loop3A_342 {strides = array<i32>} : memref<32x128xf32, #tpu.memory_space<vmem>>, vector<16xf32>,
    } {sc.loop_unroll_factor = 2 : i64, sc.parallel_access}
    %dma_wait3A_239 = arith.constant 0 : i32
    %dma_wait3A_240 = arith.constant 0 : i32
    %dma_wait3A_241 = tpu.memref_slice %arg24[%dma_wait3A_239, %dma_wait3A_240] : memref<10000x128xf32, #tpu.memory_space<vmem_shared>> -> memref<10000x128xf32, #tpu.memory_space<vmem_shared>>
    tpu.wait_indirect_dma semaphore(%arg29 : memref<!tpu.dma_semaphore, #tpu.memory_space<semaphore_mem>>) src(%arg15 : memref<48x128xf32, #tpu.memory_space<vmem>>) dst(%dma_wait3A_241 : memref<10000x128xf32, #tpu.memory_space<vmem_shared>>)
    %dma_wait3A_242 = arith.constant 0 : i32
    %dma_wait3A_243 = arith.constant 0 : i32
    %dma_wait3A_244 = tpu.memref_slice %arg25[%dma_wait3A_242, %dma_wait3A_243] : memref<10000x16xf32, #tpu.memory_space<vmem_shared>> -> memref<10000x16xf32, #tpu.memory_space<vmem_shared>>
    tpu.wait_indirect_dma semaphore(%arg31 : memref<!tpu.dma_semaphore, #tpu.memory_space<semaphore_mem>>) src(%arg18 : memref<48x16xf32, #tpu.memory_space<vmem>>) dst(%dma_wait3A_244 : memref<10000x16xf32, #tpu.memory_space<vmem_shared>>)
    %dma_start3A_245 = arith.constant 0 : i32
    %dma_start3A_246 = arith.constant 0 : i32
    %dma_start3A_247 = tpu.memref_slice %arg24[%dma_start3A_245, %dma_start3A_246] : memref<10000x128xf32, #tpu.memory_space<vmem_shared>> -> memref<10000x128xf32, #tpu.memory_space<vmem_shared>>
    tpu.enqueue_indirect_dma source(%arg16 : memref<32x128xf32, #tpu.memory_space<vmem>>) target(%dma_start3A_247 : memref<10000x128xf32, #tpu.memory_space<vmem_shared>>) offsets(%arg22 : memref<32xi32, #tpu.memory_space<vmem>>) semaphore(%arg32 : memref<!tpu.dma_semaphore, #tpu.memory_space<semaphore_mem>>) {add = true}
    %dma_start3A_248 = arith.constant 0 : i32
    %dma_start3A_249 = arith.constant 0 : i32
    %dma_start3A_250 = tpu.memref_slice %arg25[%dma_start3A_248, %dma_start3A_249] : memref<10000x16xf32, #tpu.memory_space<vmem_shared>> -> memref<10000x16xf32, #tpu.memory_space<vmem_shared>>
    tpu.enqueue_indirect_dma source(%arg19 : memref<32x16xf32, #tpu.memory_space<vmem>>) target(%dma_start3A_250 : memref<10000x16xf32, #tpu.memory_space<vmem_shared>>) offsets(%arg22 : memref<32xi32, #tpu.memory_space<vmem>>) semaphore(%arg33 : memref<!tpu.dma_semaphore, #tpu.memory_space<semaphore_mem>>) {add = true}
    %dma_wait3A_251 = arith.constant 0 : i32
    %dma_wait3A_252 = arith.constant 0 : i32
    %dma_wait3A_253 = tpu.memref_slice %arg24[%dma_wait3A_251, %dma_wait3A_252] : memref<10000x128xf32, #tpu.memory_space<vmem_shared>> -> memref<10000x128xf32, #tpu.memory_space<vmem_shared>>
    tpu.wait_indirect_dma semaphore(%arg28 : memref<!tpu.dma_semaphore, #tpu.memory_space<semaphore_mem>>) src(%arg14 : memref<48x128xf32, #tpu.memory_space<vmem>>) dst(%dma_wait3A_253 : memref<10000x128xf32, #tpu.memory_space<vmem_shared>>)
    %dma_wait3A_254 = arith.constant 0 : i32
    %dma_wait3A_255 = arith.constant 0 : i32
    %dma_wait3A_256 = tpu.memref_slice %arg25[%dma_wait3A_254, %dma_wait3A_255] : memref<10000x16xf32, #tpu.memory_space<vmem_shared>> -> memref<10000x16xf32, #tpu.memory_space<vmem_shared>>
    tpu.wait_indirect_dma semaphore(%arg30 : memref<!tpu.dma_semaphore, #tpu.memory_space<semaphore_mem>>) src(%arg17 : memref<48x16xf32, #tpu.memory_space<vmem>>) dst(%dma_wait3A_256 : memref<10000x16xf32, #tpu.memory_space<vmem_shared>>)
    %dma_wait3A_257 = arith.constant 0 : i32
    %dma_wait3A_258 = arith.constant 0 : i32
    %dma_wait3A_259 = tpu.memref_slice %arg24[%dma_wait3A_257, %dma_wait3A_258] : memref<10000x128xf32, #tpu.memory_space<vmem_shared>> -> memref<10000x128xf32, #tpu.memory_space<vmem_shared>>
    tpu.wait_indirect_dma semaphore(%arg32 : memref<!tpu.dma_semaphore, #tpu.memory_space<semaphore_mem>>) src(%arg16 : memref<32x128xf32, #tpu.memory_space<vmem>>) dst(%dma_wait3A_259 : memref<10000x128xf32, #tpu.memory_space<vmem_shared>>)
    %dma_wait3A_260 = arith.constant 0 : i32
    %dma_wait3A_261 = arith.constant 0 : i32
    %dma_wait3A_262 = tpu.memref_slice %arg25[%dma_wait3A_260, %dma_wait3A_261] : memref<10000x16xf32, #tpu.memory_space<vmem_shared>> -> memref<10000x16xf32, #tpu.memory_space<vmem_shared>>
    tpu.wait_indirect_dma semaphore(%arg33 : memref<!tpu.dma_semaphore, #tpu.memory_space<semaphore_mem>>) src(%arg19 : memref<32x16xf32, #tpu.memory_space<vmem>>) dst(%dma_wait3A_262 : memref<10000x16xf32, #tpu.memory_space<vmem_shared>>)
    %barrier3A_263 = arith.constant 0 : index
    tpu.barrier barrier_id(%barrier3A_263)
    %sub3A_264 = arith.constant 125 : i32
    %sub3A_265 = arith.subi %sub3A_264, %arg1 : i32
    %sub3A_266 = arith.constant 16 : i32
    %sub3A_267 = arith.constant 1 : i32
    %sub3A_268 = arith.subi %sub3A_266, %sub3A_267 : i32
    %add3A_269 = arith.addi %sub3A_265, %sub3A_268 : i32
    %div3A_270 = arith.constant 16 : i32
    %div3A_271 = arith.divsi %add3A_269, %div3A_270 : i32
    %while3A_272 = arith.constant 16 : i32
    %while3A_273 = arith.constant 0 : i32
    %while3A_274 = arith.subi %div3A_271, %while3A_273 : i32
    %while3A_275 = arith.addi %while3A_273, %while3A_274 : i32
    %while3A_276 = arith.constant 1 : i32
    %while3A_277 = arith.divsi %while3A_274, %while3A_276 : i32
    %while3A_278 = arith.muli %while3A_277, %while3A_276 : i32
    %while3A_279 = arith.addi %while3A_273, %while3A_278 : i32
    %while3A_280 = arith.constant 1 : i32
    scf.for %while3A_282 = %while3A_273 to %while3A_279 step %while3A_280  : i32 {
      %mul3A_283 = arith.muli %while3A_282, %while3A_272 : i32
      %add3A_284 = arith.addi %arg1, %mul3A_283 : i32
      %mul3A_285 = arith.constant 80 : i32
      %mul3A_286 = arith.muli %add3A_284, %mul3A_285 : i32
      %mul3A_287 = arith.constant 80 : i32
      %mul3A_288 = arith.muli %add3A_284, %mul3A_287 : i32
      "tpu.region"() ({
        %run_scoped3A = tpu.sem_alloc : memref<!tpu.dma_semaphore, #tpu.memory_space<semaphore_mem>>
        %dma_start3A_293 = arith.constant 0 : i32
        %dma_start3A_294 = tpu.memref_slice %arg7[%arg0, %mul3A_288, %dma_start3A_293] : memref<2x10000x128xf32, #tpu.memory_space<hbm>> -> memref<1x80x128xf32, #tpu.memory_space<hbm>>
        %dma_start3A_295 = tpu.memref_squeeze %dma_start3A_294 : memref<1x80x128xf32, #tpu.memory_space<hbm>> -> memref<80x128xf32, #tpu.memory_space<hbm>>
        %dma_start3A_296 = arith.constant 0 : i32
        %dma_start3A_297 = tpu.memref_slice %arg24[%mul3A_286, %dma_start3A_296] : memref<10000x128xf32, #tpu.memory_space<vmem_shared>> -> memref<80x128xf32, #tpu.memory_space<vmem_shared>>
        tpu.enqueue_dma source(%dma_start3A_297 : memref<80x128xf32, #tpu.memory_space<vmem_shared>>) target(%dma_start3A_295 : memref<80x128xf32, #tpu.memory_space<hbm>>) target_semaphore(%run_scoped3A : memref<!tpu.dma_semaphore, #tpu.memory_space<semaphore_mem>>)
        %dma_wait3A_298 = arith.constant 0 : i32
        %dma_wait3A_299 = tpu.memref_slice %arg7[%arg0, %mul3A_288, %dma_wait3A_298] : memref<2x10000x128xf32, #tpu.memory_space<hbm>> -> memref<1x80x128xf32, #tpu.memory_space<hbm>>
        %dma_wait3A_300 = tpu.memref_squeeze %dma_wait3A_299 : memref<1x80x128xf32, #tpu.memory_space<hbm>> -> memref<80x128xf32, #tpu.memory_space<hbm>>
        %dma_wait3A_301 = arith.constant 0 : i32
        %dma_wait3A_302 = tpu.memref_slice %arg24[%mul3A_286, %dma_wait3A_301] : memref<10000x128xf32, #tpu.memory_space<vmem_shared>> -> memref<80x128xf32, #tpu.memory_space<vmem_shared>>
        tpu.wait_dma2 semaphore(%run_scoped3A : memref<!tpu.dma_semaphore, #tpu.memory_space<semaphore_mem>>) src(%dma_wait3A_302 : memref<80x128xf32, #tpu.memory_space<vmem_shared>>) dst(%dma_wait3A_300 : memref<80x128xf32, #tpu.memory_space<hbm>>)
        tpu.yield
      }) : () -> ()
      %mul3A_289 = arith.constant 80 : i32
      %mul3A_290 = arith.muli %add3A_284, %mul3A_289 : i32
      %mul3A_291 = arith.constant 80 : i32
      %mul3A_292 = arith.muli %add3A_284, %mul3A_291 : i32
      "tpu.region"() ({
        %run_scoped3A = tpu.sem_alloc : memref<!tpu.dma_semaphore, #tpu.memory_space<semaphore_mem>>
        %dma_start3A_293 = arith.constant 0 : i32
        %dma_start3A_294 = tpu.memref_slice %arg8[%arg0, %mul3A_292, %dma_start3A_293] : memref<2x10000x16xf32, #tpu.memory_space<hbm>> -> memref<1x80x16xf32, #tpu.memory_space<hbm>>
        %dma_start3A_295 = tpu.memref_squeeze %dma_start3A_294 : memref<1x80x16xf32, #tpu.memory_space<hbm>> -> memref<80x16xf32, #tpu.memory_space<hbm>>
        %dma_start3A_296 = arith.constant 0 : i32
        %dma_start3A_297 = tpu.memref_slice %arg25[%mul3A_290, %dma_start3A_296] : memref<10000x16xf32, #tpu.memory_space<vmem_shared>> -> memref<80x16xf32, #tpu.memory_space<vmem_shared>>
        tpu.enqueue_dma source(%dma_start3A_297 : memref<80x16xf32, #tpu.memory_space<vmem_shared>>) target(%dma_start3A_295 : memref<80x16xf32, #tpu.memory_space<hbm>>) target_semaphore(%run_scoped3A : memref<!tpu.dma_semaphore, #tpu.memory_space<semaphore_mem>>)
        %dma_wait3A_298 = arith.constant 0 : i32
        %dma_wait3A_299 = tpu.memref_slice %arg8[%arg0, %mul3A_292, %dma_wait3A_298] : memref<2x10000x16xf32, #tpu.memory_space<hbm>> -> memref<1x80x16xf32, #tpu.memory_space<hbm>>
        %dma_wait3A_300 = tpu.memref_squeeze %dma_wait3A_299 : memref<1x80x16xf32, #tpu.memory_space<hbm>> -> memref<80x16xf32, #tpu.memory_space<hbm>>
        %dma_wait3A_301 = arith.constant 0 : i32
        %dma_wait3A_302 = tpu.memref_slice %arg25[%mul3A_290, %dma_wait3A_301] : memref<10000x16xf32, #tpu.memory_space<vmem_shared>> -> memref<80x16xf32, #tpu.memory_space<vmem_shared>>
        tpu.wait_dma2 semaphore(%run_scoped3A : memref<!tpu.dma_semaphore, #tpu.memory_space<semaphore_mem>>) src(%dma_wait3A_302 : memref<80x16xf32, #tpu.memory_space<vmem_shared>>) dst(%dma_wait3A_300 : memref<80x16xf32, #tpu.memory_space<hbm>>)
        tpu.yield
      }) : () -> ()
    }
    %while3A_281 = arith.constant 1 : i32
    scf.for %while3A_282 = %while3A_279 to %while3A_275 step %while3A_281  : i32 {
      %mul3A_283 = arith.muli %while3A_282, %while3A_272 : i32
      %add3A_284 = arith.addi %arg1, %mul3A_283 : i32
      %mul3A_285 = arith.constant 80 : i32
      %mul3A_286 = arith.muli %add3A_284, %mul3A_285 : i32
      %mul3A_287 = arith.constant 80 : i32
      %mul3A_288 = arith.muli %add3A_284, %mul3A_287 : i32
      "tpu.region"() ({
        %run_scoped3A = tpu.sem_alloc : memref<!tpu.dma_semaphore, #tpu.memory_space<semaphore_mem>>
        %dma_start3A_293 = arith.constant 0 : i32
        %dma_start3A_294 = tpu.memref_slice %arg7[%arg0, %mul3A_288, %dma_start3A_293] : memref<2x10000x128xf32, #tpu.memory_space<hbm>> -> memref<1x80x128xf32, #tpu.memory_space<hbm>>
        %dma_start3A_295 = tpu.memref_squeeze %dma_start3A_294 : memref<1x80x128xf32, #tpu.memory_space<hbm>> -> memref<80x128xf32, #tpu.memory_space<hbm>>
        %dma_start3A_296 = arith.constant 0 : i32
        %dma_start3A_297 = tpu.memref_slice %arg24[%mul3A_286, %dma_start3A_296] : memref<10000x128xf32, #tpu.memory_space<vmem_shared>> -> memref<80x128xf32, #tpu.memory_space<vmem_shared>>
        tpu.enqueue_dma source(%dma_start3A_297 : memref<80x128xf32, #tpu.memory_space<vmem_shared>>) target(%dma_start3A_295 : memref<80x128xf32, #tpu.memory_space<hbm>>) target_semaphore(%run_scoped3A : memref<!tpu.dma_semaphore, #tpu.memory_space<semaphore_mem>>)
        %dma_wait3A_298 = arith.constant 0 : i32
        %dma_wait3A_299 = tpu.memref_slice %arg7[%arg0, %mul3A_288, %dma_wait3A_298] : memref<2x10000x128xf32, #tpu.memory_space<hbm>> -> memref<1x80x128xf32, #tpu.memory_space<hbm>>
        %dma_wait3A_300 = tpu.memref_squeeze %dma_wait3A_299 : memref<1x80x128xf32, #tpu.memory_space<hbm>> -> memref<80x128xf32, #tpu.memory_space<hbm>>
        %dma_wait3A_301 = arith.constant 0 : i32
        %dma_wait3A_302 = tpu.memref_slice %arg24[%mul3A_286, %dma_wait3A_301] : memref<10000x128xf32, #tpu.memory_space<vmem_shared>> -> memref<80x128xf32, #tpu.memory_space<vmem_shared>>
        tpu.wait_dma2 semaphore(%run_scoped3A : memref<!tpu.dma_semaphore, #tpu.memory_space<semaphore_mem>>) src(%dma_wait3A_302 : memref<80x128xf32, #tpu.memory_space<vmem_shared>>) dst(%dma_wait3A_300 : memref<80x128xf32, #tpu.memory_space<hbm>>)
        tpu.yield
      }) : () -> ()
      %mul3A_289 = arith.constant 80 : i32
      %mul3A_290 = arith.muli %add3A_284, %mul3A_289 : i32
      %mul3A_291 = arith.constant 80 : i32
      %mul3A_292 = arith.muli %add3A_284, %mul3A_291 : i32
      "tpu.region"() ({
        %run_scoped3A = tpu.sem_alloc : memref<!tpu.dma_semaphore, #tpu.memory_space<semaphore_mem>>
        %dma_start3A_293 = arith.constant 0 : i32
        %dma_start3A_294 = tpu.memref_slice %arg8[%arg0, %mul3A_292, %dma_start3A_293] : memref<2x10000x16xf32, #tpu.memory_space<hbm>> -> memref<1x80x16xf32, #tpu.memory_space<hbm>>
        %dma_start3A_295 = tpu.memref_squeeze %dma_start3A_294 : memref<1x80x16xf32, #tpu.memory_space<hbm>> -> memref<80x16xf32, #tpu.memory_space<hbm>>
        %dma_start3A_296 = arith.constant 0 : i32
        %dma_start3A_297 = tpu.memref_slice %arg25[%mul3A_290, %dma_start3A_296] : memref<10000x16xf32, #tpu.memory_space<vmem_shared>> -> memref<80x16xf32, #tpu.memory_space<vmem_shared>>
        tpu.enqueue_dma source(%dma_start3A_297 : memref<80x16xf32, #tpu.memory_space<vmem_shared>>) target(%dma_start3A_295 : memref<80x16xf32, #tpu.memory_space<hbm>>) target_semaphore(%run_scoped3A : memref<!tpu.dma_semaphore, #tpu.memory_space<semaphore_mem>>)
        %dma_wait3A_298 = arith.constant 0 : i32
        %dma_wait3A_299 = tpu.memref_slice %arg8[%arg0, %mul3A_292, %dma_wait3A_298] : memref<2x10000x16xf32, #tpu.memory_space<hbm>> -> memref<1x80x16xf32, #tpu.memory_space<hbm>>
        %dma_wait3A_300 = tpu.memref_squeeze %dma_wait3A_299 : memref<1x80x16xf32, #tpu.memory_space<hbm>> -> memref<80x16xf32, #tpu.memory_space<hbm>>
        %dma_wait3A_301 = arith.constant 0 : i32
        %dma_wait3A_302 = tpu.memref_slice %arg25[%mul3A_290, %dma_wait3A_301] : memref<10000x16xf32, #tpu.memory_space<vmem_shared>> -> memref<80x16xf32, #tpu.memory_space<vmem_shared>>
        tpu.wait_dma2 semaphore(%run_scoped3A : memref<!tpu.dma_semaphore, #tpu.memory_space<semaphore_mem>>) src(%dma_wait3A_302 : memref<80x16xf32, #tpu.memory_space<vmem_shared>>) dst(%dma_wait3A_300 : memref<80x16xf32, #tpu.memory_space<hbm>>)
        tpu.yield
      }) : () -> ()
    }
    return
  }
}

module attributes {stable_mosaic.version = 14 : i64} {
  func.func @_pre_body(%arg0: memref<10000x128xf32, #tpu.memory_space<vmem>>, %arg1: memref<128x128xf32, #tpu.memory_space<vmem>>, %arg2: memref<128xf32, #tpu.memory_space<vmem>>, %arg3: memref<128xf32, #tpu.memory_space<vmem>>, %arg4: memref<10000x128xf32, #tpu.memory_space<vmem>>, %arg5: memref<10000xf32, #tpu.memory_space<vmem>>, %arg6: memref<10000xf32, #tpu.memory_space<vmem>>, %arg7: memref<16xf32, #tpu.memory_space<vmem>>) attributes {dimension_semantics = [], scalar_prefetch = 0 : i64, scratch_operands = 0 : i64, tpu.core_type = #tpu.core_type<tc>} {
    %get3A = arith.constant 0 : index
    %get3A_0 = arith.constant 0 : index
    %get3A_1 = vector.load %arg0[%get3A, %get3A_0] : memref<10000x128xf32, #tpu.memory_space<vmem>>, vector<10000x128xf32>
    %get3A_2 = arith.constant 0 : index
    %get3A_3 = arith.constant 0 : index
    %get3A_4 = vector.load %arg1[%get3A_2, %get3A_3] : memref<128x128xf32, #tpu.memory_space<vmem>>, vector<128x128xf32>
    %dot_general3A = arith.constant dense<0.000000e+00> : vector<10000x128xf32>
    %dot_general3A_5 = tpu.matmul %get3A_1, %get3A_4, %dot_general3A {dimension_numbers = #tpu.dot_dimension_numbers<[1], [1], [0], [0], [0, 0, 1, 0], [], []>, precision = #tpu.contract_precision<fp32>, transpose_lhs_hint = false} : vector<10000x128xf32>, vector<128x128xf32>, vector<10000x128xf32> -> vector<10000x128xf32>
    %swap3A = arith.constant 0 : index
    %swap3A_6 = arith.constant 0 : index
    %swap3A_7 = vector.load %arg4[%swap3A, %swap3A_6] : memref<10000x128xf32, #tpu.memory_space<vmem>>, vector<10000x128xf32>
    tpu.vector_store %arg4[%swap3A, %swap3A_6], %dot_general3A_5 {strides = array<i32>} : memref<10000x128xf32, #tpu.memory_space<vmem>>, vector<10000x128xf32>,
    %get3A_8 = arith.constant 0 : index
    %get3A_9 = vector.load %arg2[%get3A_8] : memref<128xf32, #tpu.memory_space<vmem>>, vector<128xf32>
    %broadcast_in_dim3A = vector.shape_cast %get3A_9 : vector<128xf32> to vector<1x128xf32>
    %mul3A = vector.broadcast %broadcast_in_dim3A : vector<1x128xf32> to vector<10000x128xf32>
    %mul3A_10 = arith.mulf %dot_general3A_5, %mul3A : vector<10000x128xf32>
    %reduce_sum3A = arith.constant dense<0.000000e+00> : vector<10000xf32>
    %reduce_sum3A_11 = vector.multi_reduction <add>, %mul3A_10, %reduce_sum3A [1] : vector<10000x128xf32> to vector<10000xf32>
    %get3A_12 = arith.constant 0 : index
    %get3A_13 = vector.load %arg3[%get3A_12] : memref<128xf32, #tpu.memory_space<vmem>>, vector<128xf32>
    %broadcast_in_dim3A_14 = vector.shape_cast %get3A_13 : vector<128xf32> to vector<1x128xf32>
    %mul3A_15 = vector.broadcast %broadcast_in_dim3A_14 : vector<1x128xf32> to vector<10000x128xf32>
    %mul3A_16 = arith.mulf %dot_general3A_5, %mul3A_15 : vector<10000x128xf32>
    %reduce_sum3A_17 = arith.constant dense<0.000000e+00> : vector<10000xf32>
    %reduce_sum3A_18 = vector.multi_reduction <add>, %mul3A_16, %reduce_sum3A_17 [1] : vector<10000x128xf32> to vector<10000xf32>
    %swap3A_19 = arith.constant 0 : index
    %swap3A_20 = vector.load %arg5[%swap3A_19] : memref<10000xf32, #tpu.memory_space<vmem>>, vector<10000xf32>
    tpu.vector_store %arg5[%swap3A_19], %reduce_sum3A_11 {strides = array<i32>} : memref<10000xf32, #tpu.memory_space<vmem>>, vector<10000xf32>,
    %swap3A_21 = arith.constant 0 : index
    %swap3A_22 = vector.load %arg6[%swap3A_21] : memref<10000xf32, #tpu.memory_space<vmem>>, vector<10000xf32>
    tpu.vector_store %arg6[%swap3A_21], %reduce_sum3A_18 {strides = array<i32>} : memref<10000xf32, #tpu.memory_space<vmem>>, vector<10000xf32>,
    %reduce_max3A = vector.shape_cast %reduce_sum3A_11 : vector<10000xf32> to vector<1x10000xf32>
    %reduce_max3A_23 = arith.constant dense<0xFF800000> : vector<1xf32>
    %reduce_max3A_24 = vector.multi_reduction <maximumf>, %reduce_max3A, %reduce_max3A_23 [1] : vector<1x10000xf32> to vector<1xf32>
    %reduce_max3A_25 = vector.shape_cast %reduce_max3A_24 : vector<1xf32> to vector<1x1xf32>
    %reduce_max3A_26 = vector.extract %reduce_max3A_25[0, 0] : f32 from vector<1x1xf32>
    %reduce_max3A_27 = vector.shape_cast %reduce_sum3A_18 : vector<10000xf32> to vector<1x10000xf32>
    %reduce_max3A_28 = arith.constant dense<0xFF800000> : vector<1xf32>
    %reduce_max3A_29 = vector.multi_reduction <maximumf>, %reduce_max3A_27, %reduce_max3A_28 [1] : vector<1x10000xf32> to vector<1xf32>
    %reduce_max3A_30 = vector.shape_cast %reduce_max3A_29 : vector<1xf32> to vector<1x1xf32>
    %reduce_max3A_31 = vector.extract %reduce_max3A_30[0, 0] : f32 from vector<1x1xf32>
    %add3A = arith.addf %reduce_max3A_26, %reduce_max3A_31 : f32
    %ge3A = arith.constant 0.000000e+00 : f32
    %ge3A_32 = arith.cmpf oge, %add3A, %ge3A : f32
    %mul3A_33 = arith.constant 2.000000e-01 : f32
    %mul3A_34 = arith.mulf %mul3A_33, %add3A : f32
    %select_n3A = arith.select %ge3A_32, %add3A, %mul3A_34 : f32
    %broadcast_in_dim3A_35 = vector.broadcast %select_n3A : f32 to vector<16xf32>
    %swap3A_36 = arith.constant 0 : index
    %swap3A_37 = vector.load %arg7[%swap3A_36] : memref<16xf32, #tpu.memory_space<vmem>>, vector<16xf32>
    tpu.vector_store %arg7[%swap3A_36], %broadcast_in_dim3A_35 {strides = array<i32>} : memref<16xf32, #tpu.memory_space<vmem>>, vector<16xf32>,
    return
  }
}

module attributes {stable_mosaic.version = 14 : i64} {
  func.func @_post_body(%arg0: memref<2x10000x128xf32, #tpu.memory_space<vmem>>, %arg1: memref<2x10000x16xf32, #tpu.memory_space<vmem>>, %arg2: memref<128xf32, #tpu.memory_space<vmem>>, %arg3: memref<128x128xf32, #tpu.memory_space<vmem>>, %arg4: memref<10000x128xf32, #tpu.memory_space<vmem>>) attributes {dimension_semantics = [], scalar_prefetch = 0 : i64, scratch_operands = 0 : i64, tpu.core_type = #tpu.core_type<tc>} {
    %get3A = arith.constant 0 : index
    %get3A_0 = arith.constant 0 : index
    %get3A_1 = arith.constant 0 : index
    %get3A_2 = vector.load %arg0[%get3A, %get3A_0, %get3A_1] : memref<2x10000x128xf32, #tpu.memory_space<vmem>>, vector<1x10000x128xf32>
    %get3A_3 = vector.shape_cast %get3A_2 : vector<1x10000x128xf32> to vector<10000x128xf32>
    %get3A_4 = arith.constant 1 : index
    %get3A_5 = arith.constant 0 : index
    %get3A_6 = arith.constant 0 : index
    %get3A_7 = vector.load %arg0[%get3A_4, %get3A_5, %get3A_6] : memref<2x10000x128xf32, #tpu.memory_space<vmem>>, vector<1x10000x128xf32>
    %get3A_8 = vector.shape_cast %get3A_7 : vector<1x10000x128xf32> to vector<10000x128xf32>
    %add3A = arith.addf %get3A_3, %get3A_8 : vector<10000x128xf32>
    %get3A_9 = arith.constant 0 : index
    %get3A_10 = arith.constant 0 : index
    %get3A_11 = arith.constant 0 : index
    %get3A_12 = vector.load %arg1[%get3A_9, %get3A_10, %get3A_11] : memref<2x10000x16xf32, #tpu.memory_space<vmem>>, vector<1x10000x1xf32>
    %get3A_13 = vector.shape_cast %get3A_12 : vector<1x10000x1xf32> to vector<10000x1xf32>
    %get3A_14 = arith.constant 1 : index
    %get3A_15 = arith.constant 0 : index
    %get3A_16 = arith.constant 0 : index
    %get3A_17 = vector.load %arg1[%get3A_14, %get3A_15, %get3A_16] : memref<2x10000x16xf32, #tpu.memory_space<vmem>>, vector<1x10000x1xf32>
    %get3A_18 = vector.shape_cast %get3A_17 : vector<1x10000x1xf32> to vector<10000x1xf32>
    %add3A_19 = arith.addf %get3A_13, %get3A_18 : vector<10000x1xf32>
    %add3A_20 = arith.constant 9.99999971E-10 : f32
    %add3A_21 = vector.broadcast %add3A_20 : f32 to vector<10000x1xf32>
    %add3A_22 = arith.addf %add3A_19, %add3A_21 : vector<10000x1xf32>
    %div3A = vector.broadcast %add3A_22 : vector<10000x1xf32> to vector<10000x128xf32>
    %div3A_23 = arith.divf %add3A, %div3A : vector<10000x128xf32>
    %get3A_24 = arith.constant 0 : index
    %get3A_25 = vector.load %arg2[%get3A_24] : memref<128xf32, #tpu.memory_space<vmem>>, vector<128xf32>
    %broadcast_in_dim3A = vector.shape_cast %get3A_25 : vector<128xf32> to vector<1x128xf32>
    %add3A_26 = vector.broadcast %broadcast_in_dim3A : vector<1x128xf32> to vector<10000x128xf32>
    %add3A_27 = arith.addf %div3A_23, %add3A_26 : vector<10000x128xf32>
    %ge3A = arith.constant 0.000000e+00 : f32
    %ge3A_28 = vector.broadcast %ge3A : f32 to vector<10000x128xf32>
    %ge3A_29 = arith.cmpf oge, %add3A_27, %ge3A_28 : vector<10000x128xf32>
    %mul3A = arith.constant 0.00999999977 : f32
    %mul3A_30 = vector.broadcast %mul3A : f32 to vector<10000x128xf32>
    %mul3A_31 = arith.mulf %mul3A_30, %add3A_27 : vector<10000x128xf32>
    %select_n3A = arith.select %ge3A_29, %add3A_27, %mul3A_31 : vector<10000x128xi1>, vector<10000x128xf32>
    %get3A_32 = arith.constant 0 : index
    %get3A_33 = arith.constant 0 : index
    %get3A_34 = vector.load %arg3[%get3A_32, %get3A_33] : memref<128x128xf32, #tpu.memory_space<vmem>>, vector<128x128xf32>
    %dot_general3A = arith.constant dense<0.000000e+00> : vector<10000x128xf32>
    %dot_general3A_35 = tpu.matmul %select_n3A, %get3A_34, %dot_general3A {dimension_numbers = #tpu.dot_dimension_numbers<[1], [1], [0], [0], [0, 0, 1, 0], [], []>, precision = #tpu.contract_precision<fp32>, transpose_lhs_hint = false} : vector<10000x128xf32>, vector<128x128xf32>, vector<10000x128xf32> -> vector<10000x128xf32>
    %swap3A = arith.constant 0 : index
    %swap3A_36 = arith.constant 0 : index
    %swap3A_37 = vector.load %arg4[%swap3A, %swap3A_36] : memref<10000x128xf32, #tpu.memory_space<vmem>>, vector<10000x128xf32>
    tpu.vector_store %arg4[%swap3A, %swap3A_36], %dot_general3A_35 {strides = array<i32>} : memref<10000x128xf32, #tpu.memory_space<vmem>>, vector<10000x128xf32>,
    return
  }
}

</mosaic_0001>

<sc_bundles>
// kernel: kernel.5.cloned.1.call-start
scs
__scs_entry_jumppad:
0x0: {  	(pc) =	sbr.rel $0x88, $3  }
0x1: {  	(tag) =	ssettag $0x0;
	lr =	simm.s32 $0x1  }
0x2: {  	[smem:$0x3F9A] =	sst lr;
	_ =	strace $0xD0000000  }
0x3: {  	_ = 	snop  }
0x4: {  	_ = 	snop  }
0x5: {  	_ = 	snop  }
0x6: {  	_ = 	snop  }
0x7: {  	_ = 	snop  }
__scs_overlays_trampoline_lowered:
0x8: {  	[smem:$0x3FA9] =	sst s0  }
0x9: {  	[smem:$0x3FAA] =	sst s1  }
0xa: {  	[smem:$0x3FAB] =	sst s2  }
0xb: {  	[smem:$0x3FAC] =	sst s3  }
0xc: {  	[smem:$0x3FAD] =	sst s4  }
0xd: {  	[smem:$0x3FAE] =	sst s5  }
0xe: {  	[smem:$0x3FAF] =	sst s6  }
0xf: {  	[smem:$0x3FB0] =	sst s7  }
0x10: {  	[smem:$0x3FB1] =	sst s8  }
0x11: {  	[smem:$0x3FB2] =	sst s9;
	s0 =	simm.s32 @!p0 $0x0  }
0x12: {  	s1 =	sld [smem:$0x3F98];
	s0 =	simm.s32 @p0 $0x1  }
0x13: {  	[smem:$0x3FB3] =	sst s0;
	s0 =	simm.s32 @!p1 $0x0  }
0x14: {  	s2 =	sld [smem:$0x3F97];
	s0 =	simm.s32 @p1 $0x1  }
0x15: {  	[smem:$0x3FB4] =	sst s0;
	s0 =	simm.s32 @!p2 $0x0  }
0x16: {  	s3 =	sld [smem:$0x3FDB];
	s0 =	simm.s32 @p2 $0x1  }
0x17: {  	s4 =	simm.s32 $0x1BF5;
	[smem:$0x3FB6] =	sst s0  }
0x18: {  	s0 =	sld [smem:$0x3F99];
	_ =	swait.ge [sflag:s4], $0x0  }
0x19: {  	s7 =	sld [smem:$0x3F9A]  }
0x1a: {  	s8 =	sadd.s32 $0xFFFFE003, lr  }
0x1b: {  	s9 =	sadd.s32 $0xFFFFFEF7, lr;
	s5 =	simm.s32 $0xFFFFFFFF;
	p2 =	slt.u32 s8, $0xFFFFF086  }
0x1c: {  	p1 =	slt.u32 s9, $0xF7A;
	s5 =	simm.s32 @!p2 $0x0  }
0x1d: {  	s5 =	simm.s32 @p1 $0x1;
	p0 =	seq.s32 s7, s2  }
0x1e: {  	s7 =	smul.u32 @!p0 $0xF7A, s2;
	p2 =	seq.s32 @!p0 s5, $0x0  }
0x1f: {  	s9 =	smul.u32 $0xF7A, s1;
	s8 =	simm.s32 @!p0 $0x1BF5;
	p2 =	por !p2, p0  }
0x20: {  	[sflag:s8] =	ssyncset.s32 @!p0 $0xFFFFF086;
	s6 =	sadd.s32 @!p0 s3, s7;
	s7 =	simm.s32 @!p0 $0x108  }
0x21: {  	s3 =	sadd.s32 s3, s9;
	s6 =	sadd.s32 @!p0 $0x88, s6;
	s7 =	simm.s32 @p2 $0x1082  }
0x22: {  	[simem:s7], [sflag:s8] =	dma.local @!p0 [hbm:s6], $0xF7A  }
0x23: {  	s9 =	sor.u32 $0xD0000000, s2;
	s6 =	simm.s32 $0x108;
	_ =	swait.ge @!p0 [sflag:s8], $0x0  }
0x24: {  	s3 =	sadd.s32 $0x88, s3;
	s6 =	simm.s32 @!p1 $0x1082;
	[sflag:s4] =	ssyncset.s32 $0xFFFFF086  }
0x25: {  	[simem:s6], [sflag:s4] =	dma.local [hbm:s3], $0xF7A  }
0x26: {  	[smem:$0x3F9A] =	sst s1;
	(tag) =	ssettag s2;
	_ =	strace s9  }
0x27: {  	s1 =	sld [smem:$0x3FAA]  }
0x28: {  	s2 =	sld [smem:$0x3FAB]  }
0x29: {  	s4 =	sld [smem:$0x3FAD]  }
0x2a: {  	p0 =	seq.s32 s5, $0x0;
	s5 =	sld [smem:$0x3FAE]  }
0x2b: {  	s6 =	sld [smem:$0x3FAF]  }
0x2c: {  	s7 =	sld [smem:$0x3FB0]  }
0x2d: {  	s3 =	simm.s32 $0x108;
	s8 =	sld [smem:$0x3FB1]  }
0x2e: {  	s3 =	simm.s32 @!p0 $0x1082;
	s9 =	sld [smem:$0x3FB2]  }
0x2f: {  	lr =	sadd.s32 s0, s3;
	s0 =	sld [smem:$0x3FA9]  }
0x30: {  	s3 =	sld [smem:$0x3FAC]  }
0x31: {  	[smem:$0x3FB5] =	sst s10  }
0x32: {  	s10 =	sld [smem:$0x3FB3];
	_ =	sdelay $0x3  }
0x33: {  	p0 =	seq.s32 s10, $0x1;
	s10 =	sld [smem:$0x3FB5];
	_ =	sdelay $0x3  }
0x34: {  	[smem:$0x3FB5] =	sst s10  }
0x35: {  	s10 =	sld [smem:$0x3FB4];
	_ =	sdelay $0x3  }
0x36: {  	p1 =	seq.s32 s10, $0x1;
	s10 =	sld [smem:$0x3FB5];
	_ =	sdelay $0x3  }
0x37: {  	[smem:$0x3FB5] =	sst s10  }
0x38: {  	s10 =	sld [smem:$0x3FB6]  }
0x39: {  	_ = 	snop;
	(pc) =	sbr.ind lr, $3  }
0x3a: {  	_ = 	snop  }
0x3b: {  	_ = 	snop  }
0x3c: {  	p2 =	seq.s32 s10, $0x1;
	s10 =	sld [smem:$0x3FB5]  }
0x3d: {  	_ =	shalt  }
0x3e: {  	_ =	shalt  }
0x3f: {  	_ =	shalt  }
0x40: {  	_ =	shalt  }
0x41: {  	_ =	shalt  }
0x42: {  	_ =	shalt  }
0x43: {  	_ =	shalt  }
0x44: {  	_ =	shalt  }
0x45: {  	_ =	shalt  }
0x46: {  	_ =	shalt  }
0x47: {  	_ =	shalt  }
0x48: {  	_ =	shalt  }
0x49: {  	_ =	shalt  }
0x4a: {  	_ =	shalt  }
0x4b: {  	_ =	shalt  }
0x4c: {  	_ =	shalt  }
0x4d: {  	_ =	shalt  }
0x4e: {  	_ =	shalt  }
0x4f: {  	_ =	shalt  }
0x50: {  	_ =	shalt  }
0x51: {  	_ =	shalt  }
0x52: {  	_ =	shalt  }
0x53: {  	_ =	shalt  }
0x54: {  	_ =	shalt  }
0x55: {  	_ =	shalt  }
0x56: {  	_ =	shalt  }
0x57: {  	_ =	shalt  }
0x58: {  	_ =	shalt  }
0x59: {  	_ =	shalt  }
0x5a: {  	_ =	shalt  }
0x5b: {  	_ =	shalt  }
0x5c: {  	_ =	shalt  }
0x5d: {  	_ =	shalt  }
0x5e: {  	_ =	shalt  }
0x5f: {  	_ =	shalt  }
0x60: {  	_ =	shalt  }
0x61: {  	_ =	shalt  }
0x62: {  	_ =	shalt  }
0x63: {  	_ =	shalt  }
0x64: {  	_ =	shalt  }
0x65: {  	_ =	shalt  }
0x66: {  	_ =	shalt  }
0x67: {  	_ =	shalt  }
0x68: {  	_ =	shalt  }
0x69: {  	_ =	shalt  }
0x6a: {  	_ =	shalt  }
0x6b: {  	_ =	shalt  }
0x6c: {  	_ =	shalt  }
0x6d: {  	_ =	shalt  }
0x6e: {  	_ =	shalt  }
0x6f: {  	_ =	shalt  }
0x70: {  	_ =	shalt  }
0x71: {  	_ =	shalt  }
0x72: {  	_ =	shalt  }
0x73: {  	_ =	shalt  }
0x74: {  	_ =	shalt  }
0x75: {  	_ =	shalt  }
0x76: {  	_ =	shalt  }
0x77: {  	_ =	shalt  }
0x78: {  	_ =	shalt  }
0x79: {  	_ =	shalt  }
0x7a: {  	_ =	shalt  }
0x7b: {  	_ =	shalt  }
0x7c: {  	_ =	shalt  }
0x7d: {  	_ =	shalt  }
0x7e: {  	_ =	shalt  }
0x7f: {  	_ =	shalt  }
0x80: {  	_ =	shalt  }
0x81: {  	_ =	shalt  }
0x82: {  	_ =	shalt  }
0x83: {  	_ =	shalt  }
0x84: {  	_ =	shalt  }
0x85: {  	_ =	shalt  }
0x86: {  	_ =	shalt  }
0x87: {  	_ =	shalt  }
.Lfunc_end0:
.L_simem_size_0:
called_computation_lowered:
.L_overlay_start_0:
0x88: {  	s2 =	sld [smem:$0x3FD9]  }
0x89: {  	s3 =	sld [smem:$0x3FFE];
	_ =	sdelay $0x1  }
0x8a: {  	s1 =	srdreg.scid  }
0x8b: {  	s0 =	sand.u32 $0x1, s1  }
0x8c: {  	s17 =	sshll.u32 s0, $0xA;
	s2 =	sadd.s32 s3, s2  }
0x8d: {  	s2 =	sadd.s32 s2, s17  }
0x8e: {  	[smem:$0x3FC1] =	sst s2  }
0x8f: {  	_ = 	snop  }
0x90: {  	s2 =	sld [smem:$0x3FD0];
	(tm) =	ssettm $0x1  }
0x91: {  	s18 =	sld [smem:$0x3FFB];
	_ =	sdelay $0x3  }
0x92: {  	_ =	strace s18  }
0x93: {  	s3 =	sld [smem:$0x3FFC];
	_ =	sdelay $0x3  }
0x94: {  	_ =	strace s3  }
0x95: {  	s3 =	sld [smem:$0x3FFD];
	_ =	sdelay $0x3  }
0x96: {  	_ =	strace s3  }
0x97: {  	_ =	strace $0x8FFFFFFF  }
0x98: {  	s19 =	sld [smem:$0x3FDB];
	_ =	sdelay $0x1  }
0x99: {  	s4 =	simm.s32 $_scs_section_size  }
0x9a: {  	s5 =	simm.s32 $_size__tile_overlayer_lowered;
	s6 =	simm.s32 $_tile_overlayer_lowered  }
0x9b: {  	s22 =	simm.s32 $0x1BFF;
	s21 =	sshll.u32 s6, $0x1;
	s3 =	sadd.s32 s4, s19  }
0x9c: {  	s7 =	simm.s32 $0x0;
	s20 =	sshll.u32 s5, $0x1;
	s5 =	sadd.s32 s21, s3  }
0x9d: {  	[timem:s7], [sflag:s22] =	dma.local [hbm:s5], s20  }
0x9e: {  	_ =	swait.ge [sflag:s22], s20  }
0x9f: {  	s4 =	ssub.s32 $0x0, s20;
	[sflag:s22] =	ssyncset.done $0x0  }
0xa0: {  	[sflag:s22] =	ssyncadd.s32 s4;
	_ =	sdelay $0x1  }
0xa1: {  	s23 =	simm.s32 $0x1B8B  }
0xa2: {  	_ =	swait.ge [sflag:s23], $0x1  }
0xa3: {  	[sflag:s23] =	ssyncset.done $0x0  }
0xa4: {  	s25 =	simm.s32 $0x1B8E;
	s24 =	sld [smem:$0x3FFE];
	[sflag:s23] =	ssyncadd.s32 $0xFFFFFFFF  }
0xa5: {  	s26 =	simm.s32 $execute0_lowered;
	[smem:$0x3FD2] =	sst s25  }
0xa6: {  	s5 =	sshll.u32 s26, $0x1;
	_ =	strace $0x80000046;
	[dreg:$0x1] =	wrdreg $0xFFFFFFFF  }
0xa7: {  	s28 =	simm.s32 $_size_execute0_lowered;
	s3 =	sadd.s32 s3, s5;
	[dreg:$0x0] =	wrdreg $0x0  }
0xa8: {  	s5 =	sshll.u32 s28, $0x1;
	[dreg:$0x2] =	wrdreg s3  }
0xa9: {  	[dreg:$0x3] =	wrdreg s5  }
0xaa: {  	[dreg:$0x4] =	wrdreg $0xC0  }
0xab: {  	_ =	task [dreg:s7], $0x5FFFF  }
0xac: {  	[dreg:$0x1] =	wrdreg $0xFFFFFFFF  }
0xad: {  	[dreg:$0x0] =	wrdreg $0x60  }
0xae: {  	[dreg:$0x2] =	wrdreg s2  }
0xaf: {  	[dreg:$0x3] =	wrdreg s24  }
0xb0: {  	[dreg:$0x4] =	wrdreg $0x98500  }
0xb1: {  	[dreg:$0x5] =	wrdreg $0x1D0D00  }
0xb2: {  	[dreg:$0x6] =	wrdreg $0x9  }
0xb3: {  	_ =	task.clear_ibuf [dreg:s7], $0x7FFFF;
	_ =	strace $0x90000046  }
0xb4: {  	s29 =	simm.s32 $0x9;
	_ =	strace $0x80000048  }
0xb5: {  	_ =	swait.ge [sflag:s29], $0x1  }
0xb6: {  	[sflag:s29] =	ssyncadd.s32 $0xFFFFFFFF  }
0xb7: {  	_ =	strace $0x90000048  }
0xb8: {  	_ =	sfence  }
0xb9: {  	s30 =	sld [smem:$0x0];
	_ =	sdelay $0x2  }
0xba: {  	s31 =	sshll.u32 s1, $0xD;
	s1 =	sshrl.u32 s1, $0x2  }
0xbb: {  	s3 =	sand.u32 $0x4000, s31;
	s1 =	sadd.s32 s1, s30  }
0xbc: {  	s0 =	sor.u32 s3, s0;
	s1 =	sshll.u32 s1, $0x11  }
0xbd: {  	s0 =	sor.u32 s1, s0  }
0xbe: {  	s0 =	sadd.s32 $0x8F2B, s0  }
0xbf: {  	[sflag:s0] =	ssyncadd.remote.s32 $0x1  }
0xc0: {  	_ =	sfence.sel $0xFFFF  }
0xc1: {  	[dreg:$0x0] =	wrdreg $0xFFFFFFFF;
	(pc) =	sbr.abs _section_cstart, $3  }
0xc2: {  	[dreg:$0x1] =	wrdreg $0xFFFFFFFF  }
0xc3: {  	_ =	task.clear_ibuf [dreg:s7], $0x2FFFF;
	_ =	strace $0x9FFFFFFF  }
0xc4: {  	(tm) =	ssettm $0x7FFFFFFF  }
0xc5: {  	_ =	shalt  }
tec
execute0_lowered:
.L_overlay_start_1:
0x0: {  	(tag) =	ssettag $0x1  }
0x1: {  	s1 =	rddreg [dreg:$0x0]  }
0x2: {  	s0 =	rddreg [dreg:$0x1]  }
0x3: {  	s2 =	rddreg [dreg:$0x2]  }
0x4: {  	s3 =	rddreg [dreg:$0x3];
	s4 =	srdreg.scid  }
0x5: {  	s5 =	simm.s32 $0x0;
	s13 =	stileid.u32;
	s28 =	simm.s32 $0x9570  }
0x6: {  	s30 =	simm.s32 $0x30;
	s16 =	simm.s32 $0x97D0;
	s17 =	simm.s32 $0x5  }
0x7: {  	s14 =	simm.s32 $0x0;
	s4 =	sand.u32 $0x1, s4;
	s7 =	smul.u32 $0x2800, s13  }
0x8: {  	[smem:$0x7FF] =	sst s5;
	s8 =	sadd.s32 $0x16000, s0;
	s10 =	smul.u32 $0x500, s13  }
0x9: {  	s18 =	sadd.s32 $0x16600, s0;
	s11 =	sadd.s32 $0x16C00, s0;
	s21 =	smul.u32 $0x1400, s13  }
0xa: {  	s6 =	smul.u32 $0x138800, s4;
	_ =	strace $0x80000047;
	[dreg:$0x5] =	wrdreg s8  }
0xb: {  	s12 =	ssub.s32 $0x8C, s13;
	s9 =	smul.u32 $0x27100, s4;
	[dreg:$0x6] =	wrdreg s18  }
0xc: {  	s8 =	sadd.s32 $0x2600, s0;
	s19 =	sshll.u32 s4, $0x4;
	s4 =	ssub.s32 $0x2, s4  }
0xd: {  	[dreg:$0x7] =	wrdreg s11;
	s23 =	sshrl.u32 s12, $0x4;
	s22 =	sshrl.u32 s4, $0x1  }
0xe: {  	[dreg:$0x8] =	wrdreg s23;
	s25 =	sshrl.u32 s21, $0x2;
	s21 =	simm.s32 $0xA  }
0xf: {  	s6 =	sadd.s32 s7, s6;
	s9 =	sadd.s32 s10, s9;
	s7 =	sor.u32 s13, s19  }
0x10: {  	s13 =	smul.u32 $0xA000, s13;
	s4 =	ssub.s32 s4, s22;
	s22 =	simm.s32 $0x2710  }
0x11: {  	s10 =	simm.s32 $0x7;
	s19 =	simm.s32 $0x8;
	s6 =	sshrl.u32 s6, $0x3  }
0x12: {  	s9 =	sshrl.u32 s9, $0x3;
	s20 =	smul.u32 $0x9C4, s7;
	s4 =	smax.u32 s4, $0x1  }
0x13: {  	s18 =	smul.u32 $0x7D, s7;
	s7 =	sadd.s32 s25, s3;
	[dreg:$0xe] =	wrdreg s4  }
0x14: {  	s25 =	simm.s32 $0x7F70;
	s6 =	sadd.s32 s6, s0;
	[dreg:$0xc] =	wrdreg s7  }
0x15: {  	s0 =	sadd.s32 s9, s0;
	s15 =	sadd.s32 $0x300, s7;
	[dreg:$0x9] =	wrdreg s18  }
0x16: {  	s26 =	sshrl.u32 s13, $0x2;
	s24 =	sadd.s32 s8, s20;
	[dreg:$0xf] =	wrdreg s15  }
0x17: {  	s4 =	simm.s32 $0x1;
	s9 =	sadd.s32 s26, s2;
	[dreg:$0xa] =	wrdreg s24  }
0x18: {  	s7 =	simm.s32 $0x2;
	s31 =	sadd.s32 $0x20C00, s6;
	[dreg:$0xd] =	wrdreg s9  }
0x19: {  	v0 =	vlaneseq.u32;
	s29 =	sadd.s32 $0x1, s18;
	s0 =	sadd.s32 $0x16E00, s0;
	[dreg:$0x11] =	wrdreg s31  }
0x1a: {  	v0 =	vmul.u32 $0x10, v0;
	s26 =	simm.s32 $0x8F70;
	s20 =	simm.s32 $0x9270;
	[dreg:$0x12] =	wrdreg s0  }
0x1b: {  	s23 =	sadd.s32 $0x1800, s9;
	s24 =	simm.s32 $0x4F70;
	[dreg:$0xb] =	wrdreg s29  }
0x1c: {  	v1 =	vimm.f32 $0.0e+00;
	v2 =	vor.u32 $0x100, v0;
	v3 =	vor.u32 $0x200, v0;
	s0 =	simm.s32 $0x20;
	s9 =	simm.s32 $0x9;
	[dreg:$0x10] =	wrdreg s23  }
.LBB2_1:
0x1d: {  	[dreg:$0x13] =	wrdreg s14  }
0x1e: {  	s6 =	rddreg [dreg:$0x5]  }
0x1f: {  	[tilespmem:s5], [sflag:$0xA] =	stream.linear.gather [hbm4b:s6+s5], $0x2710, $0x38;
	[tilespmem:$0x1F7E0] =	vst v63  }
0x20: {  	_ =	swait.ge [sflag:s21], $0x2710  }
0x21: {  	[sflag:s21] =	ssyncset.done $0x0  }
0x22: {  	s14 =	rddreg [dreg:$0x6];
	[sflag:s21] =	ssyncadd.s32 $0xFFFFD8F0  }
0x23: {  	[tilespmem:s22], [sflag:$0xA] =	stream.linear.gather [hbm4b:s14+s5], $0x2710, $0x38;
	[tilespmem:$0x1F7E0] =	vst v63  }
0x24: {  	_ =	swait.ge [sflag:s21], $0x2710  }
0x25: {  	[sflag:s21] =	ssyncset.done $0x0  }
0x26: {  	s11 =	simm.s32 $0x4E20;
	s31 =	rddreg [dreg:$0x7];
	[sflag:s21] =	ssyncadd.s32 $0xFFFFD8F0  }
0x27: {  	[tilespmem:s11], [sflag:$0xA] =	stream.linear.gather [hbm4b:s31+s5], $0x10, $0x38;
	[tilespmem:$0x1F7E0] =	vst v63  }
0x28: {  	_ =	swait.ge [sflag:s21], $0x10  }
0x29: {  	[sflag:s21] =	ssyncset.done $0x0  }
0x2a: {  	s11 =	simm.s32 $0x4FB0;
	[sflag:s21] =	ssyncadd.s32 $0xFFFFFFF0  }
0x2b: {  	v4 =	vld [tilespmem:$0x4E20];
	[tilespmem:s11+$0x20] =	vst v1  }
0x2c: {  	[tilespmem:s11+$0x10] =	vst v1  }
0x2d: {  	[tilespmem:s11+$0x0] =	vst v1  }
0x2e: {  	[tilespmem:s11+$0xFFFFFFF0] =	vst v1  }
0x2f: {  	[tilespmem:s11+$0xFFFFFFE0] =	vst v1  }
0x30: {  	[tilespmem:s11+$0xFFFFFFD0] =	vst v1  }
0x31: {  	[tilespmem:s11+$0xFFFFFFC0] =	vst v1  }
0x32: {  	s13 =	simm.s32 $0x0;
	s12 =	simm.s32 $0x40;
	[tilespmem:s11+$0x30] =	vst v1  }
.LBB2_2:
0x33: {  	p0 =	sne.s32 s12, $0xBC0;
	[tilespmem:s13+$0x9270] =	vst v1  }
0x34: {  	s11 =	sadd.s32 $0x80, s11;
	[tilespmem:s13+$0x8F70] =	vst v1  }
0x35: {  	[tilespmem:s11+$0x20] =	vst v1  }
0x36: {  	[tilespmem:s11+$0x10] =	vst v1  }
0x37: {  	[tilespmem:s11+$0x0] =	vst v1  }
.Ltmp0:
0x38: {  	[tilespmem:s11+$0xFFFFFFF0] =	vst v1;
	(pc) =	sbr.rel @p0 .LBB2_2-.Ltmp0, $4  }
0x39: {  	[tilespmem:s11+$0xFFFFFFE0] =	vst v1  }
0x3a: {  	[tilespmem:s11+$0xFFFFFFD0] =	vst v1  }
0x3b: {  	[tilespmem:s11+$0xFFFFFFC0] =	vst v1  }
0x3c: {  	s13 =	sshra.s32 s12, $0x2;
	s12 =	sadd.s32 $0x40, s12;
	[tilespmem:s11+$0x30] =	vst v1  }
0x3d: {  	[tilespmem:s13+$0x9270] =	vst v1  }
0x3e: {  	[tilespmem:s13+$0x8F70] =	vst v1;
	s11 =	simm.s32 $0x7FB0  }
0x3f: {  	[tilespmem:s11+$0xFFFFFFD0] =	vst v1  }
0x40: {  	[tilespmem:s11+$0xFFFFFFE0] =	vst v1  }
0x41: {  	[tilespmem:s11+$0xFFFFFFF0] =	vst v1  }
0x42: {  	[tilespmem:s11+$0x0] =	vst v1  }
0x43: {  	[tilespmem:s11+$0x10] =	vst v1  }
0x44: {  	[tilespmem:s11+$0x20] =	vst v1  }
0x45: {  	[tilespmem:s11+$0x30] =	vst v1  }
0x46: {  	s13 =	simm.s32 $0x0;
	s12 =	simm.s32 $0x40;
	[tilespmem:s11+$0xFFFFFFC0] =	vst v1  }
.LBB2_4:
0x47: {  	p0 =	sne.s32 s12, $0x7C0;
	[tilespmem:s13+$0x9570] =	vst v1;
	s11 =	sadd.s32 $0x80, s11  }
0x48: {  	[tilespmem:s11+$0xFFFFFFD0] =	vst v1  }
0x49: {  	[tilespmem:s11+$0xFFFFFFE0] =	vst v1  }
0x4a: {  	[tilespmem:s11+$0xFFFFFFF0] =	vst v1  }
.Ltmp1:
0x4b: {  	[tilespmem:s11+$0x0] =	vst v1;
	(pc) =	sbr.rel @p0 .LBB2_4-.Ltmp1, $4  }
0x4c: {  	[tilespmem:s11+$0x10] =	vst v1  }
0x4d: {  	[tilespmem:s11+$0x20] =	vst v1  }
0x4e: {  	[tilespmem:s11+$0x30] =	vst v1  }
0x4f: {  	s13 =	sshra.s32 s12, $0x2;
	s12 =	sadd.s32 $0x40, s12;
	[tilespmem:s11+$0xFFFFFFC0] =	vst v1  }
0x50: {  	s6 =	rddreg [dreg:$0x8]  }
0x51: {  	p0 =	sne.s32 s6, $0x1  }
.Ltmp2:
0x52: {  	_ = 	snop;
	(pc) =	sbr.rel @!p0 .LBB2_9-.Ltmp2, $3  }
0x53: {  	_ =	sdelay $0x1  }
0x54: {  	p1 =	por $0x0, $0x0  }
0x55: {  	[tilespmem:s13+$0x9570] =	vst v1;
	s11 =	smov.u32 s23;
	s12 =	smov.u32 s15;
	s6 =	sadd.s32 $0xFFFFFFFF, s6  }
0x56: {  	s11 =	sadd.s32 $0xFFFFE800, s23  }
0x57: {  	[spmem:s11] =	stream.linear.scatter [tilespmem:s24], [sflag:$0xA], $0x1800, $0x38;
	[tilespmem:$0x1F7E0] =	vst v63  }
0x58: {  	_ =	swait.ge [sflag:s21], $0x1800  }
0x59: {  	[sflag:s21] =	ssyncset.done $0x0  }
0x5a: {  	[sflag:s21] =	ssyncadd.s32 $0xFFFFE800  }
0x5b: {  	[spmem:s23] =	stream.linear.scatter [tilespmem:s25], [sflag:$0xA], $0x1000, $0x38;
	[tilespmem:$0x1F7E0] =	vst v63  }
0x5c: {  	_ =	swait.ge [sflag:s21], $0x1000  }
0x5d: {  	[sflag:s21] =	ssyncset.done $0x0  }
0x5e: {  	s31 =	sadd.s32 $0xFFFFFD00, s15;
	[sflag:s21] =	ssyncadd.s32 $0xFFFFF000  }
0x5f: {  	[spmem:s31] =	stream.linear.scatter [tilespmem:s26], [sflag:$0xA], $0x300, $0x38;
	[tilespmem:$0x1F7E0] =	vst v63  }
0x60: {  	p2 =	sne.s32 s6, $0x1;
	_ =	swait.ge [sflag:s21], $0x300  }
.Ltmp3:
0x61: {  	[sflag:s21] =	ssyncset.done $0x0;
	(pc) =	sbr.rel @!p2 .LBB2_7-.Ltmp3, $4  }
0x62: {  	[sflag:s21] =	ssyncadd.s32 $0xFFFFFD00  }
0x63: {  	[spmem:s15] =	stream.linear.scatter [tilespmem:s28], [sflag:$0xA], $0x200, $0x38;
	[tilespmem:$0x1F7E0] =	vst v63  }
0x64: {  	s13 =	sadd.s32 $0xFFFFFFFF, s6;
	p1 =	por $0x1, $0x1;
	_ =	swait.ge [sflag:s21], $0x200  }
0x65: {  	s12 =	smov.u32 s15;
	s11 =	sadd.s32 $0x28000, s23;
	[sflag:s21] =	ssyncset.done $0x0  }
.LBB2_8:
0x66: {  	s14 =	sadd.s32 $0xFFFFE800, s11;
	[sflag:s21] =	ssyncadd.s32 $0xFFFFFE00;
	s12 =	sadd.s32 $0x5000, s12  }
0x67: {  	[spmem:s14] =	stream.linear.scatter [tilespmem:s24], [sflag:$0xA], $0x1800, $0x38;
	[tilespmem:$0x1F7E0] =	vst v63  }
0x68: {  	p2 =	sne.s32 s13, $0x1;
	s13 =	sadd.s32 $0xFFFFFFFF, s13;
	_ =	swait.ge [sflag:s21], $0x1800  }
0x69: {  	[sflag:s21] =	ssyncset.done $0x0  }
0x6a: {  	[sflag:s21] =	ssyncadd.s32 $0xFFFFE800  }
0x6b: {  	[spmem:s11] =	stream.linear.scatter [tilespmem:s25], [sflag:$0xA], $0x1000, $0x38;
	[tilespmem:$0x1F7E0] =	vst v63  }
0x6c: {  	_ =	swait.ge [sflag:s21], $0x1000  }
0x6d: {  	[sflag:s21] =	ssyncset.done $0x0  }
0x6e: {  	s14 =	sadd.s32 $0xFFFFFD00, s12;
	[sflag:s21] =	ssyncadd.s32 $0xFFFFF000  }
0x6f: {  	[spmem:s14] =	stream.linear.scatter [tilespmem:s26], [sflag:$0xA], $0x300, $0x38;
	[tilespmem:$0x1F7E0] =	vst v63  }
0x70: {  	_ =	swait.ge [sflag:s21], $0x300  }
.Ltmp4:
0x71: {  	[sflag:s21] =	ssyncset.done $0x0;
	(pc) =	sbr.rel @p2 .LBB2_8-.Ltmp4, $4  }
0x72: {  	[sflag:s21] =	ssyncadd.s32 $0xFFFFFD00  }
0x73: {  	[spmem:s12] =	stream.linear.scatter [tilespmem:s28], [sflag:$0xA], $0x200, $0x38;
	[tilespmem:$0x1F7E0] =	vst v63  }
0x74: {  	_ =	swait.ge [sflag:s21], $0x200  }
0x75: {  	s11 =	sadd.s32 $0x28000, s11;
	[sflag:s21] =	ssyncset.done $0x0  }
.LBB2_9:
0x76: {  	[dreg:$0x14] =	wrdreg s6;
	s13 =	sadd.s32 $0xFFFFE800, s11;
	[sflag:s21] =	ssyncadd.s32 @p1 $0xFFFFFE00  }
0x77: {  	[spmem:s13] =	stream.linear.scatter [tilespmem:s24], [sflag:$0xA], $0x1800, $0x38;
	[tilespmem:$0x1F7E0] =	vst v63  }
0x78: {  	_ =	swait.ge [sflag:s21], $0x1800  }
0x79: {  	[sflag:s21] =	ssyncset.done $0x0  }
0x7a: {  	[sflag:s21] =	ssyncadd.s32 $0xFFFFE800  }
0x7b: {  	[spmem:s11] =	stream.linear.scatter [tilespmem:s25], [sflag:$0xA], $0x1000, $0x38;
	[tilespmem:$0x1F7E0] =	vst v63  }
0x7c: {  	s11 =	sadd.s32 @p1 $0x5000, s12;
	s12 =	smov.u32 s15;
	_ =	swait.ge [sflag:s21], $0x1000  }
0x7d: {  	s12 =	smov.u32 @p1 s11;
	[sflag:s21] =	ssyncset.done $0x0  }
0x7e: {  	s11 =	sadd.s32 $0xFFFFFD00, s12;
	[sflag:s21] =	ssyncadd.s32 $0xFFFFF000  }
0x7f: {  	[spmem:s11] =	stream.linear.scatter [tilespmem:s26], [sflag:$0xA], $0x300, $0x38;
	[tilespmem:$0x1F7E0] =	vst v63  }
0x80: {  	_ =	swait.ge [sflag:s21], $0x300  }
0x81: {  	[sflag:s21] =	ssyncset.done $0x0  }
0x82: {  	[sflag:s21] =	ssyncadd.s32 $0xFFFFFD00  }
0x83: {  	[spmem:s12] =	stream.linear.scatter [tilespmem:s28], [sflag:$0xA], $0x200, $0x38;
	[tilespmem:$0x1F7E0] =	vst v63  }
0x84: {  	_ =	swait.ge [sflag:s21], $0x200  }
0x85: {  	[sflag:s21] =	ssyncset.done $0x0  }
0x86: {  	[sflag:s21] =	ssyncadd.s32 $0xFFFFFE00  }
0x87: {  	[bflag:$0x0] =	sbarrier.arrive $0xFFFF  }
0x88: {  	s31 =	simm.s32 $0x4E30;
	s15 =	simm.s32 $0x0;
	s23 =	rddreg [dreg:$0xa]  }
0x89: {  	[tilespmem:s31], [sflag:$0xA] =	stream.linear.gather [hbm4b:s23+s15], $0xA0, $0x38;
	[tilespmem:$0x1F7E0] =	vst v63  }
0x8a: {  	_ =	swait.ge [sflag:s21], $0xA0  }
0x8b: {  	[sflag:s21] =	ssyncset.done $0x0  }
0x8c: {  	s6 =	simm.s32 $0x4E30;
	[sflag:s21] =	ssyncadd.s32 $0xFFFFFF60  }
0x8d: {  	[tilespmem:s24], [sflag:$0x1] =	stream.indirect.gather [hbm4b:s1+s30], $0x80, s6, s30, $0xb8;
	[tilespmem:$0x1F7E0] =	vst v63  }
.LBB2_10:
0x8e: {  	s23 =	sshll.u32 s15, $0x1  }
0x8f: {  	s11 =	sadd.s32 s18, s23  }
0x90: {  	s11 =	smul.u32 $0xA0, s11;
	_ =	sdelay $0x1  }
0x91: {  	s11 =	sshrl.u32 s11, $0x3  }
0x92: {  	s11 =	sadd.s32 s8, s11  }
0x93: {  	s12 =	simm.s32 $0x4ED0;
	s11 =	sadd.s32 $0x14, s11  }
0x94: {  	[tilespmem:s12], [sflag:$0x9] =	stream.linear.gather [hbm4b:s11+s5], $0xA0, $0x38;
	[tilespmem:$0x1F7E0] =	vst v63  }
0x95: {  	v5 =	vld [tilespmem:$0x4E30]  }
0x96: {  	v6 =	vld [tilespmem:$0x4E80];
	_ =	sdelay $0x6  }
0x97: {  	v5 =	vld.idx.msk [tilespmem:v5+s5+$0x0], $0xffff  }
0x98: {  	v6 =	vld.idx.msk [tilespmem:v6+s22+$0x0], $0xffff;
	_ =	sdelay $0x4  }
0x99: {  	v5 =	vadd.f32 v6, v5;
	_ =	sdelay $0x1  }
0x9a: {  	v6 =	vmul.f32 $2.000000030e-01, v5  }
0x9b: {  	vm0 =	vge.f32 v5, $0.0e+00  }
0x9c: {  	v5 =	vsel vm0, v5, v6  }
0x9d: {  	v5 =	vsub.f32 v5, v4;
	_ =	sdelay $0x1  }
0x9e: {  	v5 =	vmul.f32 $1.442695020e+00, v5;
	_ =	sdelay $0x1  }
0x9f: {  	(erf) = vpow2.f32 v5;
	_ =	sdelay $0x2  }
0xa0: {  	v5 =	vld [tilespmem:$0x4E40]  }
0xa1: {  	v6 =	vld [tilespmem:$0x4E90];
	_ =	sdelay $0x4  }
0xa2: {  	v7 =	vpop (erf)  }
0xa3: {  	[tilespmem:$0x97F0] =	vst v7  }
0xa4: {  	v5 =	vld.idx.msk [tilespmem:v5+s5+$0x0], $0xffff  }
0xa5: {  	v6 =	vld.idx.msk [tilespmem:v6+s22+$0x0], $0xffff;
	_ =	sdelay $0x4  }
0xa6: {  	v5 =	vadd.f32 v6, v5;
	_ =	sdelay $0x1  }
0xa7: {  	v6 =	vmul.f32 $2.000000030e-01, v5  }
0xa8: {  	vm12 =	vge.f32 v5, $0.0e+00  }
0xa9: {  	v5 =	vsel vm12, v5, v6  }
0xaa: {  	v5 =	vsub.f32 v5, v4;
	_ =	sdelay $0x1  }
0xab: {  	v5 =	vmul.f32 $1.442695020e+00, v5;
	_ =	sdelay $0x1  }
0xac: {  	(erf) = vpow2.f32 v5;
	_ =	sdelay $0x2  }
0xad: {  	v5 =	vld [tilespmem:$0x4E50]  }
0xae: {  	v6 =	vld [tilespmem:$0x4EA0];
	_ =	sdelay $0x4  }
0xaf: {  	v7 =	vpop (erf)  }
0xb0: {  	[tilespmem:$0x9800] =	vst v7  }
0xb1: {  	v5 =	vld.idx.msk [tilespmem:v5+s5+$0x0], $0xffff  }
0xb2: {  	v6 =	vld.idx.msk [tilespmem:v6+s22+$0x0], $0xffff;
	_ =	sdelay $0x4  }
0xb3: {  	v5 =	vadd.f32 v6, v5;
	_ =	sdelay $0x1  }
0xb4: {  	v6 =	vmul.f32 $2.000000030e-01, v5  }
0xb5: {  	vm13 =	vge.f32 v5, $0.0e+00  }
0xb6: {  	v5 =	vsel vm13, v5, v6  }
0xb7: {  	v5 =	vsub.f32 v5, v4;
	_ =	sdelay $0x1  }
0xb8: {  	v5 =	vmul.f32 $1.442695020e+00, v5;
	_ =	sdelay $0x1  }
0xb9: {  	(erf) = vpow2.f32 v5;
	_ =	sdelay $0x2  }
0xba: {  	v5 =	vld [tilespmem:$0x4E60]  }
0xbb: {  	v6 =	vld [tilespmem:$0x4EB0];
	_ =	sdelay $0x4  }
0xbc: {  	v7 =	vpop (erf)  }
0xbd: {  	[tilespmem:$0x9810] =	vst v7  }
0xbe: {  	v5 =	vld.idx.msk [tilespmem:v5+s5+$0x0], $0xffff  }
0xbf: {  	v6 =	vld.idx.msk [tilespmem:v6+s22+$0x0], $0xffff;
	_ =	sdelay $0x4  }
0xc0: {  	v5 =	vadd.f32 v6, v5;
	_ =	sdelay $0x1  }
0xc1: {  	v6 =	vmul.f32 $2.000000030e-01, v5  }
0xc2: {  	vm14 =	vge.f32 v5, $0.0e+00  }
0xc3: {  	v5 =	vsel vm14, v5, v6  }
0xc4: {  	v5 =	vsub.f32 v5, v4;
	_ =	sdelay $0x1  }
0xc5: {  	v5 =	vmul.f32 $1.442695020e+00, v5;
	_ =	sdelay $0x1  }
0xc6: {  	(erf) = vpow2.f32 v5;
	_ =	sdelay $0x2  }
0xc7: {  	v5 =	vld [tilespmem:$0x4E70]  }
0xc8: {  	v6 =	vld [tilespmem:$0x4EC0];
	_ =	sdelay $0x4  }
0xc9: {  	v7 =	vpop (erf)  }
0xca: {  	[tilespmem:$0x9820] =	vst v7  }
0xcb: {  	v5 =	vld.idx.msk [tilespmem:v5+s5+$0x0], $0xffff  }
0xcc: {  	v6 =	vld.idx.msk [tilespmem:v6+s22+$0x0], $0xffff;
	_ =	sdelay $0x4  }
0xcd: {  	v5 =	vadd.f32 v6, v5;
	_ =	sdelay $0x1  }
0xce: {  	v6 =	vmul.f32 $2.000000030e-01, v5  }
0xcf: {  	vm15 =	vge.f32 v5, $0.0e+00  }
0xd0: {  	v5 =	vsel vm15, v5, v6  }
0xd1: {  	v5 =	vsub.f32 v5, v4;
	_ =	sdelay $0x1  }
0xd2: {  	v5 =	vmul.f32 $1.442695020e+00, v5;
	_ =	sdelay $0x1  }
0xd3: {  	(erf) = vpow2.f32 v5;
	_ =	sdelay $0x8  }
0xd4: {  	p1 =	seq.s32 s15, $0x0;
	v5 =	vpop (erf)  }
0xd5: {  	s11 =	simm.s32 @!p1 $0x7;
	[tilespmem:$0x9830] =	vst v5  }
0xd6: {  	_ =	swait.ge @!p1 [sflag:s11], $0x1000  }
0xd7: {  	[sflag:s11] =	ssyncset.done @!p1 $0x0  }
0xd8: {  	[sflag:s11] =	ssyncadd.s32 @!p1 $0xFFFFF000;
	s11 =	simm.s32 @!p1 $0x8  }
0xd9: {  	_ =	swait.ge @!p1 [sflag:s11], $0x200  }
0xda: {  	[sflag:s11] =	ssyncset.done @!p1 $0x0  }
0xdb: {  	[sflag:s11] =	ssyncadd.s32 @!p1 $0xFFFFFE00  }
0xdc: {  	v5 =	vld [tilespmem:$0x4E80]  }
0xdd: {  	v6 =	vld [tilespmem:$0x97F0];
	_ =	sdelay $0x3  }
0xde: {  	[tilespmem:$0x9770] =	vst v5  }
0xdf: {  	[tilespmem:v0+s26+$0x0] =	vst.idx.msk $0xffff, v6  }
0xe0: {  	v5 =	vld [tilespmem:$0x4E90]  }
0xe1: {  	v6 =	vld [tilespmem:$0x9800];
	_ =	sdelay $0x3  }
0xe2: {  	[tilespmem:$0x9780] =	vst v5  }
0xe3: {  	[tilespmem:v2+s26+$0x0] =	vst.idx.msk $0xffff, v6  }
0xe4: {  	v5 =	vld [tilespmem:$0x4EA0]  }
0xe5: {  	v6 =	vld [tilespmem:$0x9810];
	_ =	sdelay $0x3  }
0xe6: {  	[tilespmem:$0x9790] =	vst v5  }
0xe7: {  	[tilespmem:v3+s26+$0x0] =	vst.idx.msk $0xffff, v6  }
0xe8: {  	v5 =	vld [tilespmem:$0x4EB0]  }
0xe9: {  	v6 =	vld [tilespmem:$0x9820];
	_ =	sdelay $0x3  }
0xea: {  	[tilespmem:$0x97D0] =	vst v5  }
0xeb: {  	[tilespmem:v0+s28+$0x0] =	vst.idx.msk $0xffff, v6  }
0xec: {  	v5 =	vld [tilespmem:$0x4EC0]  }
0xed: {  	v6 =	vld [tilespmem:$0x9830];
	_ =	sdelay $0x3  }
0xee: {  	[tilespmem:$0x97E0] =	vst v5  }
0xef: {  	s13 =	simm.s32 $0x4E60;
	[tilespmem:v2+s28+$0x0] =	vst.idx.msk $0xffff, v6  }
0xf0: {  	[tilespmem:s25], [sflag:$0x2] =	stream.indirect.gather [hbm4b:s1+s0], $0x80, s13, s0, $0xb8;
	[tilespmem:$0x1F7E0] =	vst v63  }
0xf1: {  	_ =	swait.ge [sflag:s4], $0x1800  }
0xf2: {  	[sflag:s4] =	ssyncset.done $0x0  }
0xf3: {  	s14 =	simm.s32 $0x97F1;
	[sflag:s4] =	ssyncadd.s32 $0xFFFFE800  }
0xf4: {  	v5 =	vld.msk [tilespmem:s14+$0x0 ss:$0x0], $0xffff  }
0xf5: {  	s11 =	simm.s32 $0x4FF0;
	v8 =	vld.msk [tilespmem:s14+$0xFFFFFFFF ss:$0x0], $0xffff  }
0xf6: {  	v7 =	vld [tilespmem:s11+$0xFFFFFF80]  }
0xf7: {  	v6 =	vld [tilespmem:s11+$0x70]  }
0xf8: {  	v9 =	vld [tilespmem:s11+$0xFFFFFF90]  }
0xf9: {  	v10 =	vld [tilespmem:s11+$0xFFFFFFA0]  }
0xfa: {  	v11 =	vld [tilespmem:s11+$0xFFFFFFB0]  }
0xfb: {  	v12 =	vld [tilespmem:s11+$0xFFFFFFC0];
	v7 =	vmul.f32 v8, v7  }
0xfc: {  	v13 =	vld [tilespmem:s11+$0xFFFFFFD0];
	v6 =	vmul.f32 v6, v5  }
0xfd: {  	v14 =	vld [tilespmem:s11+$0xFFFFFFE0];
	[tilespmem:s11+$0xFFFFFF80] =	vst v7;
	v7 =	vmul.f32 v9, v8  }
0xfe: {  	[tilespmem:s11+$0x70] =	vst v6;
	v6 =	vmul.f32 v10, v8;
	v9 =	vld [tilespmem:s11+$0xFFFFFFF0]  }
0xff: {  	v10 =	vld [tilespmem:s11+$0x0];
	[tilespmem:s11+$0xFFFFFF90] =	vst v7;
	v7 =	vmul.f32 v11, v8  }
0x100: {  	[tilespmem:s11+$0xFFFFFFA0] =	vst v6;
	v6 =	vmul.f32 v12, v8;
	v11 =	vld [tilespmem:s11+$0x10]  }
0x101: {  	v12 =	vmul.f32 v13, v8;
	[tilespmem:s11+$0xFFFFFFB0] =	vst v7;
	v7 =	vld [tilespmem:s11+$0x20]  }
0x102: {  	v13 =	vmul.f32 v14, v8;
	[tilespmem:s11+$0xFFFFFFC0] =	vst v6;
	v6 =	vld [tilespmem:s11+$0x30]  }
0x103: {  	[tilespmem:s11+$0xFFFFFFD0] =	vst v12;
	v14 =	vmul.f32 v9, v8;
	v8 =	vld [tilespmem:s11+$0x40]  }
0x104: {  	[tilespmem:s11+$0xFFFFFFE0] =	vst v13;
	v9 =	vld [tilespmem:s11+$0x50];
	v12 =	vmul.f32 v5, v10  }
0x105: {  	s31 =	simm.s32 $0x4FF0;
	s12 =	simm.s32 $0x0;
	s13 =	simm.s32 $0x97F3;
	v10 =	vld [tilespmem:s11+$0x60];
	[tilespmem:s11+$0xFFFFFFF0] =	vst v14;
	v11 =	vmul.f32 v11, v5  }
.LBB2_11:
0x106: {  	v13 =	vld.msk [tilespmem:s13+$0x0 ss:$0x0], $0xffff;
	s12 =	sadd.s32 $0x2, s12;
	[tilespmem:s11+$0x0] =	vst v12;
	v7 =	vmul.f32 v7, v5;
	s31 =	sadd.s32 $0x100, s31  }
0x107: {  	v12 =	vld [tilespmem:s31+$0x70];
	p2 =	slt.u32 s12, $0x2E;
	[tilespmem:s11+$0x10] =	vst v11;
	v6 =	vmul.f32 v6, v5  }
0x108: {  	v11 =	vld.msk [tilespmem:s13+$0xFFFFFFFF ss:$0x0], $0xffff;
	[tilespmem:s11+$0x20] =	vst v7;
	v7 =	vmul.f32 v8, v5  }
0x109: {  	v8 =	vld [tilespmem:s31+$0xFFFFFF80];
	[tilespmem:s11+$0x30] =	vst v6;
	v6 =	vmul.f32 v9, v5  }
0x10a: {  	v9 =	vld [tilespmem:s31+$0xFFFFFF90];
	[tilespmem:s11+$0x40] =	vst v7;
	v14 =	vmul.f32 v10, v5  }
0x10b: {  	v7 =	vld [tilespmem:s31+$0xFFFFFFA0];
	[tilespmem:s11+$0x50] =	vst v6  }
0x10c: {  	v5 =	vmov v13;
	v6 =	vld [tilespmem:s31+$0xFFFFFFB0];
	v10 =	vmul.f32 v12, v13;
	[tilespmem:s11+$0x60] =	vst v14;
	s11 =	smov.u32 s31  }
0x10d: {  	v12 =	vld [tilespmem:s31+$0xFFFFFFC0]  }
0x10e: {  	v8 =	vmul.f32 v11, v8;
	v13 =	vld [tilespmem:s31+$0xFFFFFFD0];
	[tilespmem:s31+$0x70] =	vst v10  }
0x10f: {  	v9 =	vmul.f32 v9, v11;
	v10 =	vld [tilespmem:s31+$0xFFFFFFE0]  }
0x110: {  	[tilespmem:s31+$0xFFFFFF80] =	vst v8;
	v7 =	vmul.f32 v7, v11;
	v8 =	vld [tilespmem:s31+$0xFFFFFFF0]  }
0x111: {  	[tilespmem:s31+$0xFFFFFF90] =	vst v9;
	v6 =	vmul.f32 v6, v11;
	v9 =	vld [tilespmem:s31+$0x0]  }
0x112: {  	[tilespmem:s31+$0xFFFFFFA0] =	vst v7;
	v12 =	vmul.f32 v12, v11;
	v14 =	vld [tilespmem:s31+$0x10]  }
.Ltmp5:
0x113: {  	[tilespmem:s31+$0xFFFFFFB0] =	vst v6;
	v13 =	vmul.f32 v13, v11;
	v7 =	vld [tilespmem:s31+$0x20];
	(pc) =	sbr.rel @p2 .LBB2_11-.Ltmp5, $4  }
0x114: {  	[tilespmem:s31+$0xFFFFFFC0] =	vst v12;
	v10 =	vmul.f32 v10, v11;
	v6 =	vld [tilespmem:s31+$0x30]  }
0x115: {  	[tilespmem:s31+$0xFFFFFFD0] =	vst v13;
	v11 =	vmul.f32 v8, v11;
	v8 =	vld [tilespmem:s31+$0x40]  }
0x116: {  	[tilespmem:s31+$0xFFFFFFE0] =	vst v10;
	v12 =	vmul.f32 v5, v9;
	v9 =	vld [tilespmem:s31+$0x50]  }
0x117: {  	s13 =	sadd.s32 $0x2, s13;
	[tilespmem:s31+$0xFFFFFFF0] =	vst v11;
	v11 =	vmul.f32 v14, v5;
	v10 =	vld [tilespmem:s31+$0x60]  }
0x118: {  	[tilespmem:s11+$0x0] =	vst v12;
	v7 =	vmul.f32 v7, v5  }
0x119: {  	[tilespmem:s11+$0x10] =	vst v11;
	v6 =	vmul.f32 v6, v5  }
0x11a: {  	[tilespmem:s11+$0x20] =	vst v7;
	v7 =	vmul.f32 v8, v5  }
0x11b: {  	[tilespmem:s11+$0x30] =	vst v6;
	v6 =	vmul.f32 v9, v5  }
0x11c: {  	[tilespmem:s11+$0x40] =	vst v7;
	v5 =	vmul.f32 v10, v5  }
0x11d: {  	[tilespmem:s11+$0x50] =	vst v6  }
0x11e: {  	s13 =	simm.s32 $0x9770;
	[tilespmem:s11+$0x60] =	vst v5  }
0x11f: {  	[spmem:s2] =	stream.indirect.scatter.add.f32 [tilespmem:s24], [sflag:$0x3], $0x80, s13, s30, $0xb8;
	[tilespmem:$0x1F7E0] =	vst v63  }
0x120: {  	_ = 	snop  }
0x121: {  	[spmem:s3] =	stream.indirect.scatter.add.f32 [tilespmem:s26], [sflag:$0x5], $0x10, s13, s30, $0xb8;
	[tilespmem:$0x1F7E0] =	vst v63  }
0x122: {  	s13 =	simm.s32 $0x0;
	_ =	swait.ge [sflag:s7], $0x1000  }
0x123: {  	s14 =	sand.u32 $0x1E, s13;
	[sflag:s7] =	ssyncset.done $0x0  }
0x124: {  	s12 =	sor.u32 $0x9820, s14;
	[sflag:s7] =	ssyncadd.s32 $0xFFFFF000  }
0x125: {  	s11 =	simm.s32 $0x7FF0;
	v8 =	vld.msk [tilespmem:s12+$0x0 ss:$0x0], $0xffff  }
0x126: {  	v5 =	vld [tilespmem:s11+$0xFFFFFFF0]  }
0x127: {  	v6 =	vld [tilespmem:s11+$0xFFFFFF80]  }
0x128: {  	v7 =	vld [tilespmem:s11+$0xFFFFFF90]  }
0x129: {  	v9 =	vld [tilespmem:s11+$0xFFFFFFA0]  }
0x12a: {  	v11 =	vld [tilespmem:s11+$0xFFFFFFC0]  }
0x12b: {  	v10 =	vld [tilespmem:s11+$0xFFFFFFB0]  }
0x12c: {  	v13 =	vld [tilespmem:s11+$0xFFFFFFD0];
	v12 =	vmul.f32 v5, v8  }
0x12d: {  	s31 =	simm.s32 $0x9821;
	v14 =	vld [tilespmem:s11+$0xFFFFFFE0];
	v6 =	vmul.f32 v8, v6  }
0x12e: {  	v5 =	vld.msk [tilespmem:s31+$0x0 ss:$0x0], $0xffff;
	v7 =	vmul.f32 v7, v8;
	[tilespmem:s11+$0xFFFFFFF0] =	vst v12  }
0x12f: {  	v11 =	vmul.f32 v11, v8;
	[tilespmem:s11+$0xFFFFFF80] =	vst v6;
	v12 =	vld [tilespmem:s11+$0x0]  }
0x130: {  	v6 =	vmul.f32 v9, v8;
	[tilespmem:s11+$0xFFFFFF90] =	vst v7;
	v7 =	vmul.f32 v10, v8;
	v10 =	vld [tilespmem:s11+$0x10]  }
0x131: {  	v9 =	vld [tilespmem:s11+$0x20];
	[tilespmem:s11+$0xFFFFFFC0] =	vst v11  }
0x132: {  	v13 =	vmul.f32 v13, v8;
	[tilespmem:s11+$0xFFFFFFA0] =	vst v6;
	v6 =	vld [tilespmem:s11+$0x30]  }
0x133: {  	v11 =	vmul.f32 v14, v8;
	[tilespmem:s11+$0xFFFFFFB0] =	vst v7;
	v7 =	vld [tilespmem:s11+$0x40]  }
0x134: {  	s12 =	simm.s32 $0x7FF0;
	[tilespmem:s11+$0xFFFFFFD0] =	vst v13;
	v8 =	vld [tilespmem:s11+$0x50];
	v12 =	vmul.f32 v5, v12  }
.LBB2_13:
0x135: {  	s13 =	sadd.s32 $0x2, s13;
	[tilespmem:s11+$0xFFFFFFE0] =	vst v11;
	v10 =	vmul.f32 v10, v5;
	v11 =	vld [tilespmem:s11+$0x60]  }
0x136: {  	s31 =	sadd.s32 $0x2, s31;
	s14 =	sand.u32 $0x1E, s13;
	p2 =	slt.u32 s13, $0x1E;
	[tilespmem:s11+$0x0] =	vst v12;
	v9 =	vmul.f32 v9, v5;
	v12 =	vld [tilespmem:s11+$0x70]  }
0x137: {  	s14 =	sor.u32 $0x9820, s14;
	v13 =	vld.msk [tilespmem:s31+$0x0 ss:$0x0], $0xffff;
	[tilespmem:s11+$0x10] =	vst v10;
	v6 =	vmul.f32 v6, v5  }
0x138: {  	s11 =	sadd.s32 $0x100, s11;
	v14 =	vld.msk [tilespmem:s14+$0x0 ss:$0x0], $0xffff;
	[tilespmem:s12+$0x20] =	vst v9;
	v7 =	vmul.f32 v7, v5  }
0x139: {  	v9 =	vld [tilespmem:s11+$0xFFFFFFF0];
	[tilespmem:s12+$0x30] =	vst v6;
	v6 =	vmul.f32 v8, v5  }
0x13a: {  	v8 =	vld [tilespmem:s11+$0xFFFFFF80];
	[tilespmem:s12+$0x40] =	vst v7;
	v7 =	vmul.f32 v11, v5  }
0x13b: {  	v10 =	vld [tilespmem:s11+$0xFFFFFF90];
	[tilespmem:s12+$0x50] =	vst v6;
	v11 =	vmul.f32 v12, v5  }
0x13c: {  	v6 =	vld [tilespmem:s11+$0xFFFFFFA0];
	[tilespmem:s12+$0x60] =	vst v7  }
0x13d: {  	v5 =	vmov v13;
	v7 =	vld [tilespmem:s11+$0xFFFFFFB0];
	[tilespmem:s12+$0x70] =	vst v11;
	s12 =	smov.u32 s11  }
0x13e: {  	v11 =	vld [tilespmem:s11+$0xFFFFFFC0];
	v9 =	vmul.f32 v9, v14  }
0x13f: {  	v8 =	vmul.f32 v14, v8;
	v12 =	vld [tilespmem:s11+$0xFFFFFFD0]  }
0x140: {  	v10 =	vmul.f32 v10, v14;
	v13 =	vld [tilespmem:s11+$0xFFFFFFE0];
	[tilespmem:s11+$0xFFFFFFF0] =	vst v9  }
0x141: {  	[tilespmem:s11+$0xFFFFFF80] =	vst v8;
	v6 =	vmul.f32 v6, v14;
	v8 =	vld [tilespmem:s11+$0x0]  }
.Ltmp6:
0x142: {  	[tilespmem:s11+$0xFFFFFF90] =	vst v10;
	v7 =	vmul.f32 v7, v14;
	v10 =	vld [tilespmem:s11+$0x10];
	(pc) =	sbr.rel @p2 .LBB2_13-.Ltmp6, $4  }
0x143: {  	[tilespmem:s11+$0xFFFFFFA0] =	vst v6;
	v11 =	vmul.f32 v11, v14;
	v9 =	vld [tilespmem:s11+$0x20]  }
0x144: {  	[tilespmem:s11+$0xFFFFFFB0] =	vst v7;
	v12 =	vmul.f32 v12, v14;
	v6 =	vld [tilespmem:s11+$0x30]  }
0x145: {  	[tilespmem:s11+$0xFFFFFFC0] =	vst v11;
	v11 =	vmul.f32 v13, v14;
	v7 =	vld [tilespmem:s11+$0x40]  }
0x146: {  	[tilespmem:s11+$0xFFFFFFD0] =	vst v12;
	v12 =	vmul.f32 v5, v8;
	v8 =	vld [tilespmem:s11+$0x50]  }
0x147: {  	v13 =	vld [tilespmem:s11+$0x60];
	v10 =	vmul.f32 v10, v5;
	[tilespmem:s11+$0xFFFFFFE0] =	vst v11  }
0x148: {  	v11 =	vld [tilespmem:s11+$0x70];
	[tilespmem:s11+$0x0] =	vst v12;
	v9 =	vmul.f32 v9, v5  }
0x149: {  	[tilespmem:s11+$0x10] =	vst v10;
	v6 =	vmul.f32 v6, v5  }
0x14a: {  	[tilespmem:s12+$0x20] =	vst v9;
	v7 =	vmul.f32 v7, v5  }
0x14b: {  	[tilespmem:s12+$0x30] =	vst v6;
	v6 =	vmul.f32 v8, v5  }
0x14c: {  	[tilespmem:s12+$0x40] =	vst v7;
	v7 =	vmul.f32 v13, v5  }
0x14d: {  	v5 =	vmul.f32 v11, v5;
	[tilespmem:s12+$0x50] =	vst v6  }
0x14e: {  	[tilespmem:s12+$0x60] =	vst v7  }
0x14f: {  	s11 =	simm.s32 @!p1 $0x4;
	[tilespmem:s12+$0x70] =	vst v5  }
0x150: {  	_ =	swait.ge @!p1 [sflag:s11], $0x1800  }
0x151: {  	[sflag:s11] =	ssyncset.done @!p1 $0x0  }
0x152: {  	[sflag:s11] =	ssyncadd.s32 @!p1 $0xFFFFE800;
	s11 =	simm.s32 @!p1 $0x6  }
0x153: {  	_ =	swait.ge @!p1 [sflag:s11], $0x300  }
0x154: {  	[sflag:s11] =	ssyncset.done @!p1 $0x0  }
0x155: {  	[sflag:s11] =	ssyncadd.s32 @!p1 $0xFFFFFD00  }
0x156: {  	_ =	swait.ge [sflag:s9], $0xA0  }
0x157: {  	s13 =	simm.s32 $0x6770;
	s14 =	sadd.s32 s23, s29;
	[sflag:s9] =	ssyncset.done $0x0  }
0x158: {  	s12 =	simm.s32 $0x4ED0;
	s11 =	smul.u32 $0xA0, s14;
	[sflag:s9] =	ssyncadd.s32 $0xFFFFFF60  }
0x159: {  	[tilespmem:s13], [sflag:$0x1] =	stream.indirect.gather [hbm4b:s1+s30], $0x80, s12, s30, $0xb8;
	[tilespmem:$0x1F7E0] =	vst v63  }
0x15a: {  	s11 =	sshrl.u32 s11, $0x3  }
0x15b: {  	[spmem:s2] =	stream.indirect.scatter.add.f32 [tilespmem:s25], [sflag:$0x7], $0x80, s16, s0, $0xb8;
	[tilespmem:$0x1F7E0] =	vst v63  }
0x15c: {  	s11 =	sadd.s32 s8, s11  }
0x15d: {  	[spmem:s3] =	stream.indirect.scatter.add.f32 [tilespmem:s28], [sflag:$0x8], $0x10, s16, s0, $0xb8;
	[tilespmem:$0x1F7E0] =	vst v63  }
0x15e: {  	s11 =	sadd.s32 $0x14, s11  }
0x15f: {  	[tilespmem:s6], [sflag:$0x9] =	stream.linear.gather [hbm4b:s11+s5], $0xA0, $0x38;
	[tilespmem:$0x1F7E0] =	vst v63  }
0x160: {  	v5 =	vld [tilespmem:$0x4ED0]  }
0x161: {  	v6 =	vld [tilespmem:$0x4F20];
	_ =	sdelay $0x6  }
0x162: {  	v5 =	vld.idx.msk [tilespmem:v5+s5+$0x0], $0xffff  }
0x163: {  	v6 =	vld.idx.msk [tilespmem:v6+s22+$0x0], $0xffff;
	_ =	sdelay $0x4  }
0x164: {  	v5 =	vadd.f32 v6, v5;
	_ =	sdelay $0x1  }
0x165: {  	v6 =	vmul.f32 $2.000000030e-01, v5  }
0x166: {  	vm0 =	vge.f32 v5, $0.0e+00  }
0x167: {  	v5 =	vsel vm0, v5, v6  }
0x168: {  	v5 =	vsub.f32 v5, v4;
	_ =	sdelay $0x1  }
0x169: {  	v5 =	vmul.f32 $1.442695020e+00, v5;
	_ =	sdelay $0x1  }
0x16a: {  	(erf) = vpow2.f32 v5;
	_ =	sdelay $0x2  }
0x16b: {  	v5 =	vld [tilespmem:$0x4EE0]  }
0x16c: {  	v6 =	vld [tilespmem:$0x4F30];
	_ =	sdelay $0x4  }
0x16d: {  	v7 =	vpop (erf)  }
0x16e: {  	[tilespmem:$0x97F0] =	vst v7  }
0x16f: {  	v5 =	vld.idx.msk [tilespmem:v5+s5+$0x0], $0xffff  }
0x170: {  	v6 =	vld.idx.msk [tilespmem:v6+s22+$0x0], $0xffff;
	_ =	sdelay $0x4  }
0x171: {  	v5 =	vadd.f32 v6, v5;
	_ =	sdelay $0x1  }
0x172: {  	v6 =	vmul.f32 $2.000000030e-01, v5  }
0x173: {  	vm12 =	vge.f32 v5, $0.0e+00  }
0x174: {  	v5 =	vsel vm12, v5, v6  }
0x175: {  	v5 =	vsub.f32 v5, v4;
	_ =	sdelay $0x1  }
0x176: {  	v5 =	vmul.f32 $1.442695020e+00, v5;
	_ =	sdelay $0x1  }
0x177: {  	(erf) = vpow2.f32 v5;
	_ =	sdelay $0x2  }
0x178: {  	v5 =	vld [tilespmem:$0x4EF0]  }
0x179: {  	v6 =	vld [tilespmem:$0x4F40];
	_ =	sdelay $0x4  }
0x17a: {  	v7 =	vpop (erf)  }
0x17b: {  	[tilespmem:$0x9800] =	vst v7  }
0x17c: {  	v5 =	vld.idx.msk [tilespmem:v5+s5+$0x0], $0xffff  }
0x17d: {  	v6 =	vld.idx.msk [tilespmem:v6+s22+$0x0], $0xffff;
	_ =	sdelay $0x4  }
0x17e: {  	v5 =	vadd.f32 v6, v5;
	_ =	sdelay $0x1  }
0x17f: {  	v6 =	vmul.f32 $2.000000030e-01, v5  }
0x180: {  	vm13 =	vge.f32 v5, $0.0e+00  }
0x181: {  	v5 =	vsel vm13, v5, v6  }
0x182: {  	v5 =	vsub.f32 v5, v4;
	_ =	sdelay $0x1  }
0x183: {  	v5 =	vmul.f32 $1.442695020e+00, v5;
	_ =	sdelay $0x1  }
0x184: {  	(erf) = vpow2.f32 v5;
	_ =	sdelay $0x2  }
0x185: {  	v5 =	vld [tilespmem:$0x4F00]  }
0x186: {  	v6 =	vld [tilespmem:$0x4F50];
	_ =	sdelay $0x4  }
0x187: {  	v7 =	vpop (erf)  }
0x188: {  	[tilespmem:$0x9810] =	vst v7  }
0x189: {  	v5 =	vld.idx.msk [tilespmem:v5+s5+$0x0], $0xffff  }
0x18a: {  	v6 =	vld.idx.msk [tilespmem:v6+s22+$0x0], $0xffff;
	_ =	sdelay $0x4  }
0x18b: {  	v5 =	vadd.f32 v6, v5;
	_ =	sdelay $0x1  }
0x18c: {  	v6 =	vmul.f32 $2.000000030e-01, v5  }
0x18d: {  	vm14 =	vge.f32 v5, $0.0e+00  }
0x18e: {  	v5 =	vsel vm14, v5, v6  }
0x18f: {  	v5 =	vsub.f32 v5, v4;
	_ =	sdelay $0x1  }
0x190: {  	v5 =	vmul.f32 $1.442695020e+00, v5;
	_ =	sdelay $0x1  }
0x191: {  	(erf) = vpow2.f32 v5;
	_ =	sdelay $0x2  }
0x192: {  	v5 =	vld [tilespmem:$0x4F10]  }
0x193: {  	v6 =	vld [tilespmem:$0x4F60];
	_ =	sdelay $0x4  }
0x194: {  	v7 =	vpop (erf)  }
0x195: {  	[tilespmem:$0x9820] =	vst v7  }
0x196: {  	v5 =	vld.idx.msk [tilespmem:v5+s5+$0x0], $0xffff  }
0x197: {  	v6 =	vld.idx.msk [tilespmem:v6+s22+$0x0], $0xffff;
	_ =	sdelay $0x4  }
0x198: {  	v5 =	vadd.f32 v6, v5;
	_ =	sdelay $0x1  }
0x199: {  	v6 =	vmul.f32 $2.000000030e-01, v5  }
0x19a: {  	vm15 =	vge.f32 v5, $0.0e+00  }
0x19b: {  	v5 =	vsel vm15, v5, v6  }
0x19c: {  	v5 =	vsub.f32 v5, v4;
	_ =	sdelay $0x1  }
0x19d: {  	v5 =	vmul.f32 $1.442695020e+00, v5;
	_ =	sdelay $0x1  }
0x19e: {  	(erf) = vpow2.f32 v5;
	_ =	sdelay $0x8  }
0x19f: {  	v5 =	vpop (erf)  }
0x1a0: {  	[tilespmem:$0x9830] =	vst v5  }
0x1a1: {  	_ =	swait.ge [sflag:s10], $0x1000  }
0x1a2: {  	[sflag:s10] =	ssyncset.done $0x0  }
0x1a3: {  	[sflag:s10] =	ssyncadd.s32 $0xFFFFF000  }
0x1a4: {  	_ =	swait.ge [sflag:s19], $0x200  }
0x1a5: {  	[sflag:s19] =	ssyncset.done $0x0  }
0x1a6: {  	[sflag:s19] =	ssyncadd.s32 $0xFFFFFE00  }
0x1a7: {  	v5 =	vld [tilespmem:$0x4F20]  }
0x1a8: {  	v6 =	vld [tilespmem:$0x97F0];
	_ =	sdelay $0x3  }
0x1a9: {  	[tilespmem:$0x97A0] =	vst v5  }
0x1aa: {  	[tilespmem:v0+s20+$0x0] =	vst.idx.msk $0xffff, v6  }
0x1ab: {  	v5 =	vld [tilespmem:$0x4F30]  }
0x1ac: {  	v6 =	vld [tilespmem:$0x9800];
	_ =	sdelay $0x3  }
0x1ad: {  	[tilespmem:$0x97B0] =	vst v5  }
0x1ae: {  	[tilespmem:v2+s20+$0x0] =	vst.idx.msk $0xffff, v6  }
0x1af: {  	v5 =	vld [tilespmem:$0x4F40]  }
0x1b0: {  	v6 =	vld [tilespmem:$0x9810];
	_ =	sdelay $0x3  }
0x1b1: {  	[tilespmem:$0x97C0] =	vst v5  }
0x1b2: {  	[tilespmem:v3+s20+$0x0] =	vst.idx.msk $0xffff, v6  }
0x1b3: {  	v5 =	vld [tilespmem:$0x4F50]  }
0x1b4: {  	v6 =	vld [tilespmem:$0x9820];
	_ =	sdelay $0x3  }
0x1b5: {  	[tilespmem:$0x97D0] =	vst v5  }
0x1b6: {  	[tilespmem:v0+s28+$0x0] =	vst.idx.msk $0xffff, v6  }
0x1b7: {  	v5 =	vld [tilespmem:$0x4F60]  }
0x1b8: {  	v6 =	vld [tilespmem:$0x9830];
	_ =	sdelay $0x3  }
0x1b9: {  	[tilespmem:$0x97E0] =	vst v5  }
0x1ba: {  	s23 =	simm.s32 $0x4F00;
	[tilespmem:v2+s28+$0x0] =	vst.idx.msk $0xffff, v6  }
0x1bb: {  	[tilespmem:s25], [sflag:$0x2] =	stream.indirect.gather [hbm4b:s1+s0], $0x80, s23, s0, $0xb8;
	[tilespmem:$0x1F7E0] =	vst v63  }
0x1bc: {  	_ =	swait.ge [sflag:s4], $0x1800  }
0x1bd: {  	[sflag:s4] =	ssyncset.done $0x0  }
0x1be: {  	s31 =	simm.s32 $0x97F1;
	[sflag:s4] =	ssyncadd.s32 $0xFFFFE800  }
0x1bf: {  	v5 =	vld.msk [tilespmem:s31+$0x0 ss:$0x0], $0xffff  }
0x1c0: {  	s11 =	simm.s32 $0x67F0;
	v8 =	vld.msk [tilespmem:s31+$0xFFFFFFFF ss:$0x0], $0xffff  }
0x1c1: {  	v7 =	vld [tilespmem:s11+$0xFFFFFF80]  }
0x1c2: {  	v6 =	vld [tilespmem:s11+$0x70]  }
0x1c3: {  	v9 =	vld [tilespmem:s11+$0xFFFFFF90]  }
0x1c4: {  	v10 =	vld [tilespmem:s11+$0xFFFFFFA0]  }
0x1c5: {  	v11 =	vld [tilespmem:s11+$0xFFFFFFB0]  }
0x1c6: {  	v12 =	vld [tilespmem:s11+$0xFFFFFFC0];
	v7 =	vmul.f32 v8, v7  }
0x1c7: {  	v13 =	vld [tilespmem:s11+$0xFFFFFFD0];
	v6 =	vmul.f32 v6, v5  }
0x1c8: {  	v14 =	vld [tilespmem:s11+$0xFFFFFFE0];
	[tilespmem:s11+$0xFFFFFF80] =	vst v7;
	v7 =	vmul.f32 v9, v8  }
0x1c9: {  	[tilespmem:s11+$0x70] =	vst v6;
	v6 =	vmul.f32 v10, v8;
	v9 =	vld [tilespmem:s11+$0xFFFFFFF0]  }
0x1ca: {  	v10 =	vld [tilespmem:s11+$0x0];
	[tilespmem:s11+$0xFFFFFF90] =	vst v7;
	v7 =	vmul.f32 v11, v8  }
0x1cb: {  	[tilespmem:s11+$0xFFFFFFA0] =	vst v6;
	v6 =	vmul.f32 v12, v8;
	v11 =	vld [tilespmem:s11+$0x10]  }
0x1cc: {  	v12 =	vmul.f32 v13, v8;
	[tilespmem:s11+$0xFFFFFFB0] =	vst v7;
	v7 =	vld [tilespmem:s11+$0x20]  }
0x1cd: {  	v13 =	vmul.f32 v14, v8;
	[tilespmem:s11+$0xFFFFFFC0] =	vst v6;
	v6 =	vld [tilespmem:s11+$0x30]  }
0x1ce: {  	[tilespmem:s11+$0xFFFFFFD0] =	vst v12;
	v14 =	vmul.f32 v9, v8;
	v8 =	vld [tilespmem:s11+$0x40]  }
0x1cf: {  	[tilespmem:s11+$0xFFFFFFE0] =	vst v13;
	v9 =	vld [tilespmem:s11+$0x50];
	v12 =	vmul.f32 v5, v10  }
0x1d0: {  	s12 =	simm.s32 $0x0;
	s13 =	simm.s32 $0x97F3;
	s23 =	simm.s32 $0x67F0;
	v10 =	vld [tilespmem:s11+$0x60];
	[tilespmem:s11+$0xFFFFFFF0] =	vst v14;
	v11 =	vmul.f32 v11, v5  }
.LBB2_15:
0x1d1: {  	v13 =	vld.msk [tilespmem:s13+$0x0 ss:$0x0], $0xffff;
	s12 =	sadd.s32 $0x2, s12;
	[tilespmem:s11+$0x0] =	vst v12;
	v7 =	vmul.f32 v7, v5;
	s23 =	sadd.s32 $0x100, s23  }
0x1d2: {  	v12 =	vld [tilespmem:s23+$0x70];
	p1 =	slt.u32 s12, $0x2E;
	[tilespmem:s11+$0x10] =	vst v11;
	v6 =	vmul.f32 v6, v5  }
0x1d3: {  	v11 =	vld.msk [tilespmem:s13+$0xFFFFFFFF ss:$0x0], $0xffff;
	[tilespmem:s11+$0x20] =	vst v7;
	v7 =	vmul.f32 v8, v5  }
0x1d4: {  	v8 =	vld [tilespmem:s23+$0xFFFFFF80];
	[tilespmem:s11+$0x30] =	vst v6;
	v6 =	vmul.f32 v9, v5  }
0x1d5: {  	v9 =	vld [tilespmem:s23+$0xFFFFFF90];
	[tilespmem:s11+$0x40] =	vst v7;
	v14 =	vmul.f32 v10, v5  }
0x1d6: {  	v7 =	vld [tilespmem:s23+$0xFFFFFFA0];
	[tilespmem:s11+$0x50] =	vst v6  }
0x1d7: {  	v5 =	vmov v13;
	v6 =	vld [tilespmem:s23+$0xFFFFFFB0];
	v10 =	vmul.f32 v12, v13;
	[tilespmem:s11+$0x60] =	vst v14;
	s11 =	smov.u32 s23  }
0x1d8: {  	v12 =	vld [tilespmem:s23+$0xFFFFFFC0]  }
0x1d9: {  	v8 =	vmul.f32 v11, v8;
	v13 =	vld [tilespmem:s23+$0xFFFFFFD0];
	[tilespmem:s23+$0x70] =	vst v10  }
0x1da: {  	v9 =	vmul.f32 v9, v11;
	v10 =	vld [tilespmem:s23+$0xFFFFFFE0]  }
0x1db: {  	[tilespmem:s23+$0xFFFFFF80] =	vst v8;
	v7 =	vmul.f32 v7, v11;
	v8 =	vld [tilespmem:s23+$0xFFFFFFF0]  }
0x1dc: {  	[tilespmem:s23+$0xFFFFFF90] =	vst v9;
	v6 =	vmul.f32 v6, v11;
	v9 =	vld [tilespmem:s23+$0x0]  }
0x1dd: {  	[tilespmem:s23+$0xFFFFFFA0] =	vst v7;
	v12 =	vmul.f32 v12, v11;
	v14 =	vld [tilespmem:s23+$0x10]  }
.Ltmp7:
0x1de: {  	[tilespmem:s23+$0xFFFFFFB0] =	vst v6;
	v13 =	vmul.f32 v13, v11;
	v7 =	vld [tilespmem:s23+$0x20];
	(pc) =	sbr.rel @p1 .LBB2_15-.Ltmp7, $4  }
0x1df: {  	[tilespmem:s23+$0xFFFFFFC0] =	vst v12;
	v10 =	vmul.f32 v10, v11;
	v6 =	vld [tilespmem:s23+$0x30]  }
0x1e0: {  	[tilespmem:s23+$0xFFFFFFD0] =	vst v13;
	v11 =	vmul.f32 v8, v11;
	v8 =	vld [tilespmem:s23+$0x40]  }
0x1e1: {  	[tilespmem:s23+$0xFFFFFFE0] =	vst v10;
	v12 =	vmul.f32 v5, v9;
	v9 =	vld [tilespmem:s23+$0x50]  }
0x1e2: {  	s13 =	sadd.s32 $0x2, s13;
	[tilespmem:s23+$0xFFFFFFF0] =	vst v11;
	v11 =	vmul.f32 v14, v5;
	v10 =	vld [tilespmem:s23+$0x60]  }
0x1e3: {  	[tilespmem:s11+$0x0] =	vst v12;
	v7 =	vmul.f32 v7, v5  }
0x1e4: {  	[tilespmem:s11+$0x10] =	vst v11;
	v6 =	vmul.f32 v6, v5  }
0x1e5: {  	[tilespmem:s11+$0x20] =	vst v7;
	v7 =	vmul.f32 v8, v5  }
0x1e6: {  	[tilespmem:s11+$0x30] =	vst v6;
	v6 =	vmul.f32 v9, v5  }
0x1e7: {  	[tilespmem:s11+$0x40] =	vst v7;
	v5 =	vmul.f32 v10, v5  }
0x1e8: {  	[tilespmem:s11+$0x50] =	vst v6  }
0x1e9: {  	s14 =	simm.s32 $0x6770;
	s12 =	simm.s32 $0x97A0;
	[tilespmem:s11+$0x60] =	vst v5  }
0x1ea: {  	[spmem:s2] =	stream.indirect.scatter.add.f32 [tilespmem:s14], [sflag:$0x4], $0x80, s12, s30, $0xb8;
	[tilespmem:$0x1F7E0] =	vst v63  }
0x1eb: {  	_ = 	snop  }
0x1ec: {  	[spmem:s3] =	stream.indirect.scatter.add.f32 [tilespmem:s20], [sflag:$0x6], $0x10, s12, s30, $0xb8;
	[tilespmem:$0x1F7E0] =	vst v63  }
0x1ed: {  	s13 =	simm.s32 $0x0;
	_ =	swait.ge [sflag:s7], $0x1000  }
0x1ee: {  	s23 =	sand.u32 $0x1E, s13;
	[sflag:s7] =	ssyncset.done $0x0  }
0x1ef: {  	s31 =	sor.u32 $0x9820, s23;
	[sflag:s7] =	ssyncadd.s32 $0xFFFFF000  }
0x1f0: {  	s11 =	simm.s32 $0x7FF0;
	v8 =	vld.msk [tilespmem:s31+$0x0 ss:$0x0], $0xffff  }
0x1f1: {  	v5 =	vld [tilespmem:s11+$0xFFFFFFF0]  }
0x1f2: {  	v6 =	vld [tilespmem:s11+$0xFFFFFF80]  }
0x1f3: {  	v7 =	vld [tilespmem:s11+$0xFFFFFF90]  }
0x1f4: {  	v9 =	vld [tilespmem:s11+$0xFFFFFFA0]  }
0x1f5: {  	v11 =	vld [tilespmem:s11+$0xFFFFFFC0]  }
0x1f6: {  	v10 =	vld [tilespmem:s11+$0xFFFFFFB0]  }
0x1f7: {  	v13 =	vld [tilespmem:s11+$0xFFFFFFD0];
	v12 =	vmul.f32 v5, v8  }
0x1f8: {  	s23 =	simm.s32 $0x9821;
	v14 =	vld [tilespmem:s11+$0xFFFFFFE0];
	v6 =	vmul.f32 v8, v6  }
0x1f9: {  	v5 =	vld.msk [tilespmem:s23+$0x0 ss:$0x0], $0xffff;
	v7 =	vmul.f32 v7, v8;
	[tilespmem:s11+$0xFFFFFFF0] =	vst v12  }
0x1fa: {  	v11 =	vmul.f32 v11, v8;
	[tilespmem:s11+$0xFFFFFF80] =	vst v6;
	v12 =	vld [tilespmem:s11+$0x0]  }
0x1fb: {  	v6 =	vmul.f32 v9, v8;
	[tilespmem:s11+$0xFFFFFF90] =	vst v7;
	v7 =	vmul.f32 v10, v8;
	v10 =	vld [tilespmem:s11+$0x10]  }
0x1fc: {  	v9 =	vld [tilespmem:s11+$0x20];
	[tilespmem:s11+$0xFFFFFFC0] =	vst v11  }
0x1fd: {  	v13 =	vmul.f32 v13, v8;
	[tilespmem:s11+$0xFFFFFFA0] =	vst v6;
	v6 =	vld [tilespmem:s11+$0x30]  }
0x1fe: {  	v11 =	vmul.f32 v14, v8;
	[tilespmem:s11+$0xFFFFFFB0] =	vst v7;
	v7 =	vld [tilespmem:s11+$0x40]  }
0x1ff: {  	s12 =	simm.s32 $0x7FF0;
	[tilespmem:s11+$0xFFFFFFD0] =	vst v13;
	v8 =	vld [tilespmem:s11+$0x50];
	v12 =	vmul.f32 v5, v12  }
.LBB2_17:
0x200: {  	s13 =	sadd.s32 $0x2, s13;
	[tilespmem:s11+$0xFFFFFFE0] =	vst v11;
	v10 =	vmul.f32 v10, v5;
	v11 =	vld [tilespmem:s11+$0x60]  }
0x201: {  	s23 =	sadd.s32 $0x2, s23;
	s14 =	sand.u32 $0x1E, s13;
	p1 =	slt.u32 s13, $0x1E;
	[tilespmem:s11+$0x0] =	vst v12;
	v9 =	vmul.f32 v9, v5;
	v12 =	vld [tilespmem:s11+$0x70]  }
0x202: {  	s14 =	sor.u32 $0x9820, s14;
	v13 =	vld.msk [tilespmem:s23+$0x0 ss:$0x0], $0xffff;
	[tilespmem:s11+$0x10] =	vst v10;
	v6 =	vmul.f32 v6, v5  }
0x203: {  	s11 =	sadd.s32 $0x100, s11;
	v14 =	vld.msk [tilespmem:s14+$0x0 ss:$0x0], $0xffff;
	[tilespmem:s12+$0x20] =	vst v9;
	v7 =	vmul.f32 v7, v5  }
0x204: {  	v9 =	vld [tilespmem:s11+$0xFFFFFFF0];
	[tilespmem:s12+$0x30] =	vst v6;
	v6 =	vmul.f32 v8, v5  }
0x205: {  	v8 =	vld [tilespmem:s11+$0xFFFFFF80];
	[tilespmem:s12+$0x40] =	vst v7;
	v7 =	vmul.f32 v11, v5  }
0x206: {  	v10 =	vld [tilespmem:s11+$0xFFFFFF90];
	[tilespmem:s12+$0x50] =	vst v6;
	v11 =	vmul.f32 v12, v5  }
0x207: {  	v6 =	vld [tilespmem:s11+$0xFFFFFFA0];
	[tilespmem:s12+$0x60] =	vst v7  }
0x208: {  	v5 =	vmov v13;
	v7 =	vld [tilespmem:s11+$0xFFFFFFB0];
	[tilespmem:s12+$0x70] =	vst v11;
	s12 =	smov.u32 s11  }
0x209: {  	v11 =	vld [tilespmem:s11+$0xFFFFFFC0];
	v9 =	vmul.f32 v9, v14  }
0x20a: {  	v8 =	vmul.f32 v14, v8;
	v12 =	vld [tilespmem:s11+$0xFFFFFFD0]  }
0x20b: {  	v10 =	vmul.f32 v10, v14;
	v13 =	vld [tilespmem:s11+$0xFFFFFFE0];
	[tilespmem:s11+$0xFFFFFFF0] =	vst v9  }
0x20c: {  	[tilespmem:s11+$0xFFFFFF80] =	vst v8;
	v6 =	vmul.f32 v6, v14;
	v8 =	vld [tilespmem:s11+$0x0]  }
.Ltmp8:
0x20d: {  	[tilespmem:s11+$0xFFFFFF90] =	vst v10;
	v7 =	vmul.f32 v7, v14;
	v10 =	vld [tilespmem:s11+$0x10];
	(pc) =	sbr.rel @p1 .LBB2_17-.Ltmp8, $4  }
0x20e: {  	[tilespmem:s11+$0xFFFFFFA0] =	vst v6;
	v11 =	vmul.f32 v11, v14;
	v9 =	vld [tilespmem:s11+$0x20]  }
0x20f: {  	[tilespmem:s11+$0xFFFFFFB0] =	vst v7;
	v12 =	vmul.f32 v12, v14;
	v6 =	vld [tilespmem:s11+$0x30]  }
0x210: {  	[tilespmem:s11+$0xFFFFFFC0] =	vst v11;
	v11 =	vmul.f32 v13, v14;
	v7 =	vld [tilespmem:s11+$0x40]  }
0x211: {  	[tilespmem:s11+$0xFFFFFFD0] =	vst v12;
	v12 =	vmul.f32 v5, v8;
	v8 =	vld [tilespmem:s11+$0x50]  }
0x212: {  	v13 =	vld [tilespmem:s11+$0x60];
	v10 =	vmul.f32 v10, v5;
	[tilespmem:s11+$0xFFFFFFE0] =	vst v11  }
0x213: {  	v63 =	vld [tilespmem:s11+$0x70];
	[tilespmem:s11+$0x0] =	vst v12;
	v9 =	vmul.f32 v9, v5  }
0x214: {  	[tilespmem:s11+$0x10] =	vst v10;
	v6 =	vmul.f32 v6, v5  }
0x215: {  	[tilespmem:s12+$0x20] =	vst v9;
	v7 =	vmul.f32 v7, v5  }
0x216: {  	[tilespmem:s12+$0x30] =	vst v6;
	v6 =	vmul.f32 v8, v5  }
0x217: {  	[tilespmem:s12+$0x40] =	vst v7;
	v7 =	vmul.f32 v13, v5  }
0x218: {  	v5 =	vmul.f32 v63, v5;
	[tilespmem:s12+$0x50] =	vst v6  }
0x219: {  	[tilespmem:s12+$0x60] =	vst v7  }
0x21a: {  	s31 =	simm.s32 $0x3;
	[tilespmem:s12+$0x70] =	vst v5  }
0x21b: {  	_ =	swait.ge [sflag:s31], $0x1800  }
0x21c: {  	[sflag:s31] =	ssyncset.done $0x0  }
0x21d: {  	[sflag:s31] =	ssyncadd.s32 $0xFFFFE800  }
0x21e: {  	_ =	swait.ge [sflag:s17], $0x300  }
0x21f: {  	[sflag:s17] =	ssyncset.done $0x0  }
0x220: {  	[sflag:s17] =	ssyncadd.s32 $0xFFFFFD00  }
0x221: {  	_ =	swait.ge [sflag:s9], $0xA0  }
0x222: {  	s15 =	sadd.s32 $0x1, s15;
	[sflag:s9] =	ssyncset.done $0x0  }
0x223: {  	p1 =	sne.s32 s15, $0x3E;
	[sflag:s9] =	ssyncadd.s32 $0xFFFFFF60  }
0x224: {  	[tilespmem:s24], [sflag:$0x1] =	stream.indirect.gather [hbm4b:s1+s30], $0x80, s6, s30, $0xb8;
	[tilespmem:$0x1F7E0] =	vst v63  }
.Ltmp9:
0x225: {  	_ = 	snop;
	(pc) =	sbr.rel @p1 .LBB2_10-.Ltmp9, $4  }
0x226: {  	_ = 	snop  }
0x227: {  	[spmem:s2] =	stream.indirect.scatter.add.f32 [tilespmem:s25], [sflag:$0x7], $0x80, s16, s0, $0xb8;
	[tilespmem:$0x1F7E0] =	vst v63  }
0x228: {  	_ = 	snop  }
0x229: {  	[spmem:s3] =	stream.indirect.scatter.add.f32 [tilespmem:s28], [sflag:$0x8], $0x10, s16, s0, $0xb8;
	[tilespmem:$0x1F7E0] =	vst v63  }
0x22a: {  	v5 =	vld [tilespmem:$0x4E30]  }
0x22b: {  	v6 =	vld [tilespmem:$0x4E80];
	_ =	sdelay $0x6  }
0x22c: {  	v5 =	vld.idx.msk [tilespmem:v5+s5+$0x0], $0xffff  }
0x22d: {  	v6 =	vld.idx.msk [tilespmem:v6+s22+$0x0], $0xffff;
	_ =	sdelay $0x4  }
0x22e: {  	v5 =	vadd.f32 v6, v5;
	_ =	sdelay $0x1  }
0x22f: {  	v6 =	vmul.f32 $2.000000030e-01, v5  }
0x230: {  	vm0 =	vge.f32 v5, $0.0e+00  }
0x231: {  	v5 =	vsel vm0, v5, v6  }
0x232: {  	v5 =	vsub.f32 v5, v4;
	_ =	sdelay $0x1  }
0x233: {  	v5 =	vmul.f32 $1.442695020e+00, v5;
	_ =	sdelay $0x1  }
0x234: {  	(erf) = vpow2.f32 v5;
	_ =	sdelay $0x2  }
0x235: {  	v5 =	vld [tilespmem:$0x4E40]  }
0x236: {  	v6 =	vld [tilespmem:$0x4E90];
	_ =	sdelay $0x4  }
0x237: {  	v7 =	vpop (erf)  }
0x238: {  	[tilespmem:$0x97F0] =	vst v7  }
0x239: {  	v5 =	vld.idx.msk [tilespmem:v5+s5+$0x0], $0xffff  }
0x23a: {  	v6 =	vld.idx.msk [tilespmem:v6+s22+$0x0], $0xffff;
	_ =	sdelay $0x4  }
0x23b: {  	v5 =	vadd.f32 v6, v5;
	_ =	sdelay $0x1  }
0x23c: {  	v6 =	vmul.f32 $2.000000030e-01, v5  }
0x23d: {  	vm12 =	vge.f32 v5, $0.0e+00  }
0x23e: {  	v5 =	vsel vm12, v5, v6  }
0x23f: {  	v5 =	vsub.f32 v5, v4;
	_ =	sdelay $0x1  }
0x240: {  	v5 =	vmul.f32 $1.442695020e+00, v5;
	_ =	sdelay $0x1  }
0x241: {  	(erf) = vpow2.f32 v5;
	_ =	sdelay $0x2  }
0x242: {  	v5 =	vld [tilespmem:$0x4E50]  }
0x243: {  	v6 =	vld [tilespmem:$0x4EA0];
	_ =	sdelay $0x4  }
0x244: {  	v7 =	vpop (erf)  }
0x245: {  	[tilespmem:$0x9800] =	vst v7  }
0x246: {  	v5 =	vld.idx.msk [tilespmem:v5+s5+$0x0], $0xffff  }
0x247: {  	v6 =	vld.idx.msk [tilespmem:v6+s22+$0x0], $0xffff;
	_ =	sdelay $0x4  }
0x248: {  	v5 =	vadd.f32 v6, v5;
	_ =	sdelay $0x1  }
0x249: {  	v6 =	vmul.f32 $2.000000030e-01, v5  }
0x24a: {  	vm13 =	vge.f32 v5, $0.0e+00  }
0x24b: {  	v5 =	vsel vm13, v5, v6  }
0x24c: {  	v5 =	vsub.f32 v5, v4;
	_ =	sdelay $0x1  }
0x24d: {  	v5 =	vmul.f32 $1.442695020e+00, v5;
	_ =	sdelay $0x1  }
0x24e: {  	(erf) = vpow2.f32 v5;
	_ =	sdelay $0x2  }
0x24f: {  	v5 =	vld [tilespmem:$0x4E60]  }
0x250: {  	v6 =	vld [tilespmem:$0x4EB0];
	_ =	sdelay $0x4  }
0x251: {  	v7 =	vpop (erf)  }
0x252: {  	[tilespmem:$0x9810] =	vst v7  }
0x253: {  	v5 =	vld.idx.msk [tilespmem:v5+s5+$0x0], $0xffff  }
0x254: {  	v6 =	vld.idx.msk [tilespmem:v6+s22+$0x0], $0xffff;
	_ =	sdelay $0x4  }
0x255: {  	v5 =	vadd.f32 v6, v5;
	_ =	sdelay $0x1  }
0x256: {  	v6 =	vmul.f32 $2.000000030e-01, v5  }
0x257: {  	vm14 =	vge.f32 v5, $0.0e+00  }
0x258: {  	v5 =	vsel vm14, v5, v6  }
0x259: {  	v5 =	vsub.f32 v5, v4;
	_ =	sdelay $0x1  }
0x25a: {  	v5 =	vmul.f32 $1.442695020e+00, v5;
	_ =	sdelay $0x1  }
0x25b: {  	(erf) = vpow2.f32 v5;
	_ =	sdelay $0x2  }
0x25c: {  	v5 =	vld [tilespmem:$0x4E70]  }
0x25d: {  	v6 =	vld [tilespmem:$0x4EC0];
	_ =	sdelay $0x4  }
0x25e: {  	v7 =	vpop (erf)  }
0x25f: {  	[tilespmem:$0x9820] =	vst v7  }
0x260: {  	v5 =	vld.idx.msk [tilespmem:v5+s5+$0x0], $0xffff  }
0x261: {  	v6 =	vld.idx.msk [tilespmem:v6+s22+$0x0], $0xffff;
	_ =	sdelay $0x4  }
0x262: {  	v5 =	vadd.f32 v6, v5;
	_ =	sdelay $0x1  }
0x263: {  	v6 =	vmul.f32 $2.000000030e-01, v5  }
0x264: {  	vm15 =	vge.f32 v5, $0.0e+00  }
0x265: {  	v5 =	vsel vm15, v5, v6  }
0x266: {  	v4 =	vsub.f32 v5, v4;
	_ =	sdelay $0x1  }
0x267: {  	v4 =	vmul.f32 $1.442695020e+00, v4;
	_ =	sdelay $0x1  }
0x268: {  	(erf) = vpow2.f32 v4;
	_ =	sdelay $0x8  }
0x269: {  	v4 =	vpop (erf)  }
0x26a: {  	[tilespmem:$0x9830] =	vst v4  }
0x26b: {  	_ =	swait.ge [sflag:s10], $0x1000  }
0x26c: {  	[sflag:s10] =	ssyncset.done $0x0  }
0x26d: {  	[sflag:s10] =	ssyncadd.s32 $0xFFFFF000  }
0x26e: {  	_ =	swait.ge [sflag:s19], $0x200  }
0x26f: {  	[sflag:s19] =	ssyncset.done $0x0  }
0x270: {  	[sflag:s19] =	ssyncadd.s32 $0xFFFFFE00  }
0x271: {  	v4 =	vld [tilespmem:$0x4E80]  }
0x272: {  	v5 =	vld [tilespmem:$0x97F0];
	_ =	sdelay $0x3  }
0x273: {  	[tilespmem:$0x9770] =	vst v4  }
0x274: {  	[tilespmem:v0+s26+$0x0] =	vst.idx.msk $0xffff, v5  }
0x275: {  	v4 =	vld [tilespmem:$0x4E90]  }
0x276: {  	v5 =	vld [tilespmem:$0x9800];
	_ =	sdelay $0x3  }
0x277: {  	[tilespmem:$0x9780] =	vst v4  }
0x278: {  	[tilespmem:v2+s26+$0x0] =	vst.idx.msk $0xffff, v5  }
0x279: {  	v4 =	vld [tilespmem:$0x4EA0]  }
0x27a: {  	v5 =	vld [tilespmem:$0x9810];
	_ =	sdelay $0x3  }
0x27b: {  	[tilespmem:$0x9790] =	vst v4  }
0x27c: {  	[tilespmem:v3+s26+$0x0] =	vst.idx.msk $0xffff, v5  }
0x27d: {  	v4 =	vld [tilespmem:$0x4EB0]  }
0x27e: {  	v5 =	vld [tilespmem:$0x9820];
	_ =	sdelay $0x3  }
0x27f: {  	[tilespmem:$0x97D0] =	vst v4  }
0x280: {  	[tilespmem:v0+s28+$0x0] =	vst.idx.msk $0xffff, v5  }
0x281: {  	v4 =	vld [tilespmem:$0x4EC0]  }
0x282: {  	v5 =	vld [tilespmem:$0x9830];
	_ =	sdelay $0x3  }
0x283: {  	[tilespmem:$0x97E0] =	vst v4  }
0x284: {  	s6 =	simm.s32 $0x4E60;
	[tilespmem:v2+s28+$0x0] =	vst.idx.msk $0xffff, v5  }
0x285: {  	[tilespmem:s25], [sflag:$0x2] =	stream.indirect.gather [hbm4b:s1+s0], $0x80, s6, s0, $0xb8;
	[tilespmem:$0x1F7E0] =	vst v63  }
0x286: {  	_ =	swait.ge [sflag:s4], $0x1800  }
0x287: {  	[sflag:s4] =	ssyncset.done $0x0  }
0x288: {  	s12 =	simm.s32 $0x97F1;
	[sflag:s4] =	ssyncadd.s32 $0xFFFFE800  }
0x289: {  	v4 =	vld.msk [tilespmem:s12+$0x0 ss:$0x0], $0xffff  }
0x28a: {  	s11 =	simm.s32 $0x4FF0;
	v7 =	vld.msk [tilespmem:s12+$0xFFFFFFFF ss:$0x0], $0xffff  }
0x28b: {  	v6 =	vld [tilespmem:s11+$0xFFFFFF80]  }
0x28c: {  	v5 =	vld [tilespmem:s11+$0x70]  }
0x28d: {  	v8 =	vld [tilespmem:s11+$0xFFFFFF90]  }
0x28e: {  	v9 =	vld [tilespmem:s11+$0xFFFFFFA0]  }
0x28f: {  	v10 =	vld [tilespmem:s11+$0xFFFFFFB0]  }
0x290: {  	v11 =	vld [tilespmem:s11+$0xFFFFFFC0];
	v6 =	vmul.f32 v7, v6  }
0x291: {  	v13 =	vld [tilespmem:s11+$0xFFFFFFE0];
	v5 =	vmul.f32 v5, v4  }
0x292: {  	v12 =	vld [tilespmem:s11+$0xFFFFFFD0];
	[tilespmem:s11+$0xFFFFFF80] =	vst v6;
	v6 =	vmul.f32 v8, v7  }
0x293: {  	[tilespmem:s11+$0x70] =	vst v5;
	v5 =	vmul.f32 v9, v7;
	v8 =	vld [tilespmem:s11+$0xFFFFFFF0]  }
0x294: {  	v9 =	vld [tilespmem:s11+$0x0];
	[tilespmem:s11+$0xFFFFFF90] =	vst v6;
	v6 =	vmul.f32 v10, v7  }
0x295: {  	[tilespmem:s11+$0xFFFFFFA0] =	vst v5;
	v5 =	vmul.f32 v11, v7;
	v10 =	vld [tilespmem:s11+$0x10]  }
0x296: {  	v62 =	vmul.f32 v13, v7;
	[tilespmem:s11+$0xFFFFFFB0] =	vst v6;
	v6 =	vld [tilespmem:s11+$0x20]  }
0x297: {  	v11 =	vmul.f32 v12, v7;
	[tilespmem:s11+$0xFFFFFFC0] =	vst v5;
	v5 =	vld [tilespmem:s11+$0x30]  }
0x298: {  	[tilespmem:s11+$0xFFFFFFE0] =	vst v62;
	v63 =	vmul.f32 v8, v7;
	v7 =	vld [tilespmem:s11+$0x40]  }
0x299: {  	[tilespmem:s11+$0xFFFFFFD0] =	vst v11;
	v8 =	vld [tilespmem:s11+$0x50];
	v11 =	vmul.f32 v4, v9  }
0x29a: {  	s13 =	simm.s32 $0x97F3;
	s15 =	simm.s32 $0x4FF0;
	s12 =	simm.s32 $0x0;
	v9 =	vld [tilespmem:s11+$0x60];
	[tilespmem:s11+$0xFFFFFFF0] =	vst v63;
	v10 =	vmul.f32 v10, v4  }
.LBB2_20:
0x29b: {  	v12 =	vld.msk [tilespmem:s13+$0x0 ss:$0x0], $0xffff;
	s12 =	sadd.s32 $0x2, s12;
	[tilespmem:s11+$0x0] =	vst v11;
	v6 =	vmul.f32 v6, v4;
	s15 =	sadd.s32 $0x100, s15  }
0x29c: {  	v11 =	vld [tilespmem:s15+$0x70];
	p1 =	slt.u32 s12, $0x2E;
	[tilespmem:s11+$0x10] =	vst v10;
	v5 =	vmul.f32 v5, v4  }
0x29d: {  	v10 =	vld.msk [tilespmem:s13+$0xFFFFFFFF ss:$0x0], $0xffff;
	[tilespmem:s11+$0x20] =	vst v6;
	v6 =	vmul.f32 v7, v4  }
0x29e: {  	v7 =	vld [tilespmem:s15+$0xFFFFFF80];
	[tilespmem:s11+$0x30] =	vst v5;
	v5 =	vmul.f32 v8, v4  }
0x29f: {  	v8 =	vld [tilespmem:s15+$0xFFFFFF90];
	[tilespmem:s11+$0x40] =	vst v6;
	v13 =	vmul.f32 v9, v4  }
0x2a0: {  	v6 =	vld [tilespmem:s15+$0xFFFFFFA0];
	[tilespmem:s11+$0x50] =	vst v5  }
0x2a1: {  	v4 =	vmov v12;
	v5 =	vld [tilespmem:s15+$0xFFFFFFB0];
	v9 =	vmul.f32 v11, v12;
	[tilespmem:s11+$0x60] =	vst v13;
	s11 =	smov.u32 s15  }
0x2a2: {  	v11 =	vld [tilespmem:s15+$0xFFFFFFC0]  }
0x2a3: {  	v7 =	vmul.f32 v10, v7;
	v12 =	vld [tilespmem:s15+$0xFFFFFFD0];
	[tilespmem:s15+$0x70] =	vst v9  }
0x2a4: {  	v8 =	vmul.f32 v8, v10;
	v9 =	vld [tilespmem:s15+$0xFFFFFFE0]  }
0x2a5: {  	[tilespmem:s15+$0xFFFFFF80] =	vst v7;
	v6 =	vmul.f32 v6, v10;
	v7 =	vld [tilespmem:s15+$0xFFFFFFF0]  }
0x2a6: {  	[tilespmem:s15+$0xFFFFFF90] =	vst v8;
	v5 =	vmul.f32 v5, v10;
	v8 =	vld [tilespmem:s15+$0x0]  }
0x2a7: {  	[tilespmem:s15+$0xFFFFFFA0] =	vst v6;
	v11 =	vmul.f32 v11, v10;
	v13 =	vld [tilespmem:s15+$0x10]  }
.Ltmp10:
0x2a8: {  	[tilespmem:s15+$0xFFFFFFB0] =	vst v5;
	v12 =	vmul.f32 v12, v10;
	v6 =	vld [tilespmem:s15+$0x20];
	(pc) =	sbr.rel @p1 .LBB2_20-.Ltmp10, $4  }
0x2a9: {  	[tilespmem:s15+$0xFFFFFFC0] =	vst v11;
	v9 =	vmul.f32 v9, v10;
	v5 =	vld [tilespmem:s15+$0x30]  }
0x2aa: {  	[tilespmem:s15+$0xFFFFFFD0] =	vst v12;
	v10 =	vmul.f32 v7, v10;
	v7 =	vld [tilespmem:s15+$0x40]  }
0x2ab: {  	[tilespmem:s15+$0xFFFFFFE0] =	vst v9;
	v11 =	vmul.f32 v4, v8;
	v8 =	vld [tilespmem:s15+$0x50]  }
0x2ac: {  	s13 =	sadd.s32 $0x2, s13;
	[tilespmem:s15+$0xFFFFFFF0] =	vst v10;
	v10 =	vmul.f32 v13, v4;
	v9 =	vld [tilespmem:s15+$0x60]  }
0x2ad: {  	[tilespmem:s11+$0x0] =	vst v11;
	v6 =	vmul.f32 v6, v4  }
0x2ae: {  	[tilespmem:s11+$0x10] =	vst v10;
	v5 =	vmul.f32 v5, v4  }
0x2af: {  	[tilespmem:s11+$0x20] =	vst v6;
	v6 =	vmul.f32 v7, v4  }
0x2b0: {  	[tilespmem:s11+$0x30] =	vst v5;
	v5 =	vmul.f32 v8, v4  }
0x2b1: {  	[tilespmem:s11+$0x40] =	vst v6;
	v4 =	vmul.f32 v9, v4  }
0x2b2: {  	[tilespmem:s11+$0x50] =	vst v5  }
0x2b3: {  	s6 =	simm.s32 $0x9770;
	[tilespmem:s11+$0x60] =	vst v4  }
0x2b4: {  	[spmem:s2] =	stream.indirect.scatter.add.f32 [tilespmem:s24], [sflag:$0x3], $0x80, s6, s30, $0xb8;
	[tilespmem:$0x1F7E0] =	vst v63  }
0x2b5: {  	_ = 	snop  }
0x2b6: {  	[spmem:s3] =	stream.indirect.scatter.add.f32 [tilespmem:s26], [sflag:$0x5], $0x10, s6, s30, $0xb8;
	[tilespmem:$0x1F7E0] =	vst v63  }
0x2b7: {  	s13 =	simm.s32 $0x0;
	_ =	swait.ge [sflag:s7], $0x1000  }
0x2b8: {  	s31 =	sand.u32 $0x1E, s13;
	[sflag:s7] =	ssyncset.done $0x0  }
0x2b9: {  	s12 =	sor.u32 $0x9820, s31;
	[sflag:s7] =	ssyncadd.s32 $0xFFFFF000  }
0x2ba: {  	s11 =	simm.s32 $0x7FF0;
	v7 =	vld.msk [tilespmem:s12+$0x0 ss:$0x0], $0xffff  }
0x2bb: {  	v4 =	vld [tilespmem:s11+$0xFFFFFFF0]  }
0x2bc: {  	v5 =	vld [tilespmem:s11+$0xFFFFFF80]  }
0x2bd: {  	v6 =	vld [tilespmem:s11+$0xFFFFFF90]  }
0x2be: {  	v8 =	vld [tilespmem:s11+$0xFFFFFFA0]  }
0x2bf: {  	v10 =	vld [tilespmem:s11+$0xFFFFFFC0]  }
0x2c0: {  	v9 =	vld [tilespmem:s11+$0xFFFFFFB0]  }
0x2c1: {  	v12 =	vld [tilespmem:s11+$0xFFFFFFD0];
	v11 =	vmul.f32 v4, v7  }
0x2c2: {  	s15 =	simm.s32 $0x9821;
	v13 =	vld [tilespmem:s11+$0xFFFFFFE0];
	v5 =	vmul.f32 v7, v5  }
0x2c3: {  	v4 =	vld.msk [tilespmem:s15+$0x0 ss:$0x0], $0xffff;
	v6 =	vmul.f32 v6, v7;
	[tilespmem:s11+$0xFFFFFFF0] =	vst v11  }
0x2c4: {  	v10 =	vmul.f32 v10, v7;
	[tilespmem:s11+$0xFFFFFF80] =	vst v5;
	v11 =	vld [tilespmem:s11+$0x0]  }
0x2c5: {  	v5 =	vmul.f32 v8, v7;
	[tilespmem:s11+$0xFFFFFF90] =	vst v6;
	v6 =	vmul.f32 v9, v7;
	v9 =	vld [tilespmem:s11+$0x10]  }
0x2c6: {  	v8 =	vld [tilespmem:s11+$0x20];
	[tilespmem:s11+$0xFFFFFFC0] =	vst v10  }
0x2c7: {  	v12 =	vmul.f32 v12, v7;
	[tilespmem:s11+$0xFFFFFFA0] =	vst v5;
	v5 =	vld [tilespmem:s11+$0x30]  }
0x2c8: {  	v10 =	vmul.f32 v13, v7;
	[tilespmem:s11+$0xFFFFFFB0] =	vst v6;
	v6 =	vld [tilespmem:s11+$0x40]  }
0x2c9: {  	s12 =	simm.s32 $0x7FF0;
	[tilespmem:s11+$0xFFFFFFD0] =	vst v12;
	v7 =	vld [tilespmem:s11+$0x50];
	v11 =	vmul.f32 v4, v11  }
.LBB2_22:
0x2ca: {  	s13 =	sadd.s32 $0x2, s13;
	[tilespmem:s11+$0xFFFFFFE0] =	vst v10;
	v9 =	vmul.f32 v9, v4;
	v10 =	vld [tilespmem:s11+$0x60]  }
0x2cb: {  	s15 =	sadd.s32 $0x2, s15;
	s14 =	sand.u32 $0x1E, s13;
	p1 =	slt.u32 s13, $0x1E;
	[tilespmem:s11+$0x0] =	vst v11;
	v8 =	vmul.f32 v8, v4;
	v11 =	vld [tilespmem:s11+$0x70]  }
0x2cc: {  	s14 =	sor.u32 $0x9820, s14;
	v12 =	vld.msk [tilespmem:s15+$0x0 ss:$0x0], $0xffff;
	[tilespmem:s11+$0x10] =	vst v9;
	v5 =	vmul.f32 v5, v4  }
0x2cd: {  	s11 =	sadd.s32 $0x100, s11;
	v13 =	vld.msk [tilespmem:s14+$0x0 ss:$0x0], $0xffff;
	[tilespmem:s12+$0x20] =	vst v8;
	v6 =	vmul.f32 v6, v4  }
0x2ce: {  	v8 =	vld [tilespmem:s11+$0xFFFFFFF0];
	[tilespmem:s12+$0x30] =	vst v5;
	v5 =	vmul.f32 v7, v4  }
0x2cf: {  	v7 =	vld [tilespmem:s11+$0xFFFFFF80];
	[tilespmem:s12+$0x40] =	vst v6;
	v6 =	vmul.f32 v10, v4  }
0x2d0: {  	v9 =	vld [tilespmem:s11+$0xFFFFFF90];
	[tilespmem:s12+$0x50] =	vst v5;
	v10 =	vmul.f32 v11, v4  }
0x2d1: {  	v5 =	vld [tilespmem:s11+$0xFFFFFFA0];
	[tilespmem:s12+$0x60] =	vst v6  }
0x2d2: {  	v4 =	vmov v12;
	v6 =	vld [tilespmem:s11+$0xFFFFFFB0];
	[tilespmem:s12+$0x70] =	vst v10;
	s12 =	smov.u32 s11  }
0x2d3: {  	v10 =	vld [tilespmem:s11+$0xFFFFFFC0];
	v8 =	vmul.f32 v8, v13  }
0x2d4: {  	v7 =	vmul.f32 v13, v7;
	v11 =	vld [tilespmem:s11+$0xFFFFFFD0]  }
0x2d5: {  	v9 =	vmul.f32 v9, v13;
	v12 =	vld [tilespmem:s11+$0xFFFFFFE0];
	[tilespmem:s11+$0xFFFFFFF0] =	vst v8  }
0x2d6: {  	[tilespmem:s11+$0xFFFFFF80] =	vst v7;
	v5 =	vmul.f32 v5, v13;
	v7 =	vld [tilespmem:s11+$0x0]  }
.Ltmp11:
0x2d7: {  	[tilespmem:s11+$0xFFFFFF90] =	vst v9;
	v6 =	vmul.f32 v6, v13;
	v9 =	vld [tilespmem:s11+$0x10];
	(pc) =	sbr.rel @p1 .LBB2_22-.Ltmp11, $4  }
0x2d8: {  	[tilespmem:s11+$0xFFFFFFA0] =	vst v5;
	v10 =	vmul.f32 v10, v13;
	v8 =	vld [tilespmem:s11+$0x20]  }
0x2d9: {  	[tilespmem:s11+$0xFFFFFFB0] =	vst v6;
	v11 =	vmul.f32 v11, v13;
	v5 =	vld [tilespmem:s11+$0x30]  }
0x2da: {  	[tilespmem:s11+$0xFFFFFFC0] =	vst v10;
	v10 =	vmul.f32 v12, v13;
	v6 =	vld [tilespmem:s11+$0x40]  }
0x2db: {  	[tilespmem:s11+$0xFFFFFFD0] =	vst v11;
	v11 =	vmul.f32 v4, v7;
	v7 =	vld [tilespmem:s11+$0x50]  }
0x2dc: {  	v12 =	vld [tilespmem:s11+$0x60];
	v9 =	vmul.f32 v9, v4;
	[tilespmem:s11+$0xFFFFFFE0] =	vst v10  }
0x2dd: {  	v62 =	vld [tilespmem:s11+$0x70];
	[tilespmem:s11+$0x0] =	vst v11;
	v8 =	vmul.f32 v8, v4  }
0x2de: {  	[tilespmem:s11+$0x10] =	vst v9;
	v5 =	vmul.f32 v5, v4  }
0x2df: {  	[tilespmem:s12+$0x20] =	vst v8;
	v6 =	vmul.f32 v6, v4  }
0x2e0: {  	[tilespmem:s12+$0x30] =	vst v5;
	v5 =	vmul.f32 v7, v4  }
0x2e1: {  	[tilespmem:s12+$0x40] =	vst v6;
	v63 =	vmul.f32 v12, v4  }
0x2e2: {  	v4 =	vmul.f32 v62, v4;
	[tilespmem:s12+$0x50] =	vst v5  }
0x2e3: {  	[tilespmem:s12+$0x60] =	vst v63  }
0x2e4: {  	s6 =	simm.s32 $0x4;
	[tilespmem:s12+$0x70] =	vst v4  }
0x2e5: {  	_ =	swait.ge [sflag:s6], $0x1800  }
0x2e6: {  	[sflag:s6] =	ssyncset.done $0x0  }
0x2e7: {  	s14 =	simm.s32 $0x6;
	[sflag:s6] =	ssyncadd.s32 $0xFFFFE800  }
0x2e8: {  	_ =	swait.ge [sflag:s14], $0x300  }
0x2e9: {  	[sflag:s14] =	ssyncset.done $0x0  }
0x2ea: {  	[sflag:s14] =	ssyncadd.s32 $0xFFFFFD00  }
0x2eb: {  	[spmem:s2] =	stream.indirect.scatter.add.f32 [tilespmem:s25], [sflag:$0x7], $0x80, s16, s0, $0xb8;
	[tilespmem:$0x1F7E0] =	vst v63  }
0x2ec: {  	s15 =	simm.s32 $0x3  }
0x2ed: {  	[spmem:s3] =	stream.indirect.scatter.add.f32 [tilespmem:s28], [sflag:$0x8], $0x10, s16, s0, $0xb8;
	[tilespmem:$0x1F7E0] =	vst v63  }
0x2ee: {  	_ =	swait.ge [sflag:s15], $0x1800  }
0x2ef: {  	[sflag:s15] =	ssyncset.done $0x0  }
0x2f0: {  	[sflag:s15] =	ssyncadd.s32 $0xFFFFE800  }
0x2f1: {  	_ =	swait.ge [sflag:s17], $0x300  }
0x2f2: {  	[sflag:s17] =	ssyncset.done $0x0  }
0x2f3: {  	[sflag:s17] =	ssyncadd.s32 $0xFFFFFD00  }
0x2f4: {  	_ =	swait.ge [sflag:s10], $0x1000  }
0x2f5: {  	[sflag:s10] =	ssyncset.done $0x0  }
0x2f6: {  	[sflag:s10] =	ssyncadd.s32 $0xFFFFF000  }
0x2f7: {  	_ =	swait.ge [sflag:s19], $0x200  }
.Ltmp12:
0x2f8: {  	[sflag:s19] =	ssyncset.done $0x0;
	(pc) =	sbr.rel @!p0 .LBB2_24-.Ltmp12, $4  }
0x2f9: {  	[sflag:s19] =	ssyncadd.s32 $0xFFFFFE00  }
0x2fa: {  	[bflag:$0x0] =	sbarrier.arrive $0xFFFF  }
0x2fb: {  	s31 =	stileid.u32;
	p1 =	por $0x0, $0x0;
	s23 =	rddreg [dreg:$0xd]  }
0x2fc: {  	s11 =	sshll.u32 s31, $0x6;
	s13 =	sshrl.u32 s23, $0x3;
	s14 =	sadd.s32 $0x28000, s23  }
0x2fd: {  	s15 =	sor.u32 $0x1C0A, s11;
	s18 =	rddreg [dreg:$0x11]  }
0x2fe: {  	[hbm:s18], [sflag:s15] =	dma.local [spmem:s13], $0x500  }
0x2ff: {  	_ =	swait.ge [sflag:s21], $0x500  }
0x300: {  	p1 =	por $0x1, $0x1;
	s6 =	rddreg [dreg:$0x14]  }
0x301: {  	s13 =	sshrl.u32 s14, $0x3;
	[sflag:s21] =	ssyncset.done $0x0;
	p0 =	sne.s32 s6, $0x1  }
.Ltmp13:
0x302: {  	s31 =	sadd.s32 $0xFFFFFFFF, s6;
	s6 =	rddreg [dreg:$0xc];
	(pc) =	sbr.rel @!p0 .LBB2_26-.Ltmp13, $4  }
0x303: {  	s29 =	rddreg [dreg:$0x12];
	[sflag:s21] =	ssyncadd.s32 $0xFFFFFB00;
	s23 =	sshrl.u32 s6, $0x3  }
0x304: {  	[hbm:s29], [sflag:s15] =	dma.local [spmem:s23], $0xA0  }
0x305: {  	s14 =	sadd.s32 $0x28000, s14;
	s12 =	sadd.s32 $0xA00, s29;
	_ =	swait.ge [sflag:s21], $0xA0  }
0x306: {  	s23 =	sadd.s32 $0x5000, s18;
	s15 =	sadd.s32 $0x5000, s6;
	[sflag:s21] =	ssyncset.done $0x0  }
.LBB2_27:
0x307: {  	s29 =	sshrl.u32 s14, $0x3  }
0x308: {  	s6 =	sor.u32 $0x1C0A, s11;
	[sflag:s21] =	ssyncadd.s32 $0xFFFFFF60;
	s18 =	smov.u32 s12  }
0x309: {  	[hbm:s23], [sflag:s6] =	dma.local [spmem:s13], $0x500  }
0x30a: {  	p0 =	sne.s32 s31, $0x1;
	s31 =	sadd.s32 $0xFFFFFFFF, s31;
	_ =	swait.ge [sflag:s21], $0x500  }
.Ltmp14:
0x30b: {  	s13 =	smov.u32 s29;
	[sflag:s21] =	ssyncset.done $0x0;
	(pc) =	sbr.rel @p0 .LBB2_27-.Ltmp14, $4  }
0x30c: {  	s12 =	sadd.s32 $0xA00, s12;
	s29 =	sshrl.u32 s15, $0x3;
	[sflag:s21] =	ssyncadd.s32 $0xFFFFFB00  }
0x30d: {  	[hbm:s18], [sflag:s6] =	dma.local [spmem:s29], $0xA0  }
0x30e: {  	s23 =	sadd.s32 $0x5000, s23;
	s15 =	sadd.s32 $0x5000, s15;
	_ =	swait.ge [sflag:s21], $0xA0  }
0x30f: {  	s14 =	sadd.s32 $0x28000, s14;
	[sflag:s21] =	ssyncset.done $0x0  }
0x310: {  	s18 =	rddreg [dreg:$0x9]  }
0x311: {  	s29 =	rddreg [dreg:$0xb]  }
0x312: {  	s14 =	rddreg [dreg:$0x13]  }
.LBB2_29:
0x313: {  	s6 =	sor.u32 $0x1C0A, s11;
	[sflag:s21] =	ssyncadd.s32 @p1 $0xFFFFFF60  }
0x314: {  	[hbm:s23], [sflag:s6] =	dma.local [spmem:s13], $0x500  }
0x315: {  	_ =	swait.ge [sflag:s21], $0x500  }
0x316: {  	[sflag:s21] =	ssyncset.done $0x0  }
0x317: {  	s23 =	sshrl.u32 s15, $0x3;
	[sflag:s21] =	ssyncadd.s32 $0xFFFFFB00  }
0x318: {  	[hbm:s12], [sflag:s6] =	dma.local [spmem:s23], $0xA0  }
0x319: {  	_ =	swait.ge [sflag:s21], $0xA0  }
0x31a: {  	s14 =	sadd.s32 $0x1, s14;
	s31 =	rddreg [dreg:$0xe]  }
0x31b: {  	p0 =	sne.s32 s14, s31  }
.Ltmp15:
0x31c: {  	_ = 	snop;
	(pc) =	sbr.rel @p0 .LBB2_1-.Ltmp15, $4  }
.Ltmp16:
0x31d: {  	_ = 	snop;
	(pc) =	sbr.rel @!p0 .LBB2_30-.Ltmp16, $4  }
0x31e: {  	_ = 	snop  }
0x31f: {  	[sflag:s21] =	ssyncset.done $0x0;
	s15 =	rddreg [dreg:$0xf]  }
0x320: {  	s23 =	rddreg [dreg:$0x10];
	[sflag:s21] =	ssyncadd.s32 $0xFFFFFF60  }
0x321: {  	_ = 	snop  }
.LBB2_24:
.Ltmp17:
0x322: {  	(pc) =	sbr.rel .LBB2_29-.Ltmp17, $4  }
0x323: {  	s12 =	rddreg [dreg:$0x12]  }
0x324: {  	s23 =	rddreg [dreg:$0x11]  }
0x325: {  	s15 =	rddreg [dreg:$0xc]  }
0x326: {  	s14 =	rddreg [dreg:$0x13]  }
.LBB2_7:
.Ltmp18:
0x327: {  	(pc) =	sbr.rel .LBB2_9-.Ltmp18, $2  }
0x328: {  	_ =	sdelay $0x2  }
0x329: {  	s12 =	smov.u32 s15  }
.LBB2_26:
.Ltmp19:
0x32a: {  	(pc) =	sbr.rel .LBB2_29-.Ltmp19, $4  }
0x32b: {  	_ = 	snop  }
0x32c: {  	s18 =	rddreg [dreg:$0x9]  }
0x32d: {  	s29 =	rddreg [dreg:$0xb]  }
0x32e: {  	s14 =	rddreg [dreg:$0x13]  }
.LBB2_30:
0x32f: {  	_ =	sfence.sel $0x180000  }
0x330: {  	[bflag:$0x0] =	sbarrier.arrive $0xFFFF  }
0x331: {  	_ =	strace $0x90000047  }
0x332: {  	s0 =	stileid.u32;
	[bflag:$0x2] =	sbarrier.arrive $0xFFFF  }
0x333: {  	p0 =	sne.s32 s0, $0x0;
	s0 =	rddreg [dreg:$0x4]  }
0x334: {  	s0 =	sadd.s32 @!p0 $0x100000, s0  }
0x335: {  	[sflag:s0] =	ssyncadd.tile.s32 @!p0 $0x1;
	_ =	shalt  }
.Lfunc_end2:
_tile_overlayer_lowered:
.L_overlay_start_2:
0x336: {  	(tag) =	ssettag $0x2  }
0x337: {  	s0 =	rddreg [dreg:$0x0];
	s2 =	stileid.u32  }
0x338: {  	s1 =	rddreg [dreg:$0x1];
	p0 =	sne.s32 s2, $0x0  }
0x339: {  	s3 =	rddreg [dreg:$0x2];
	[bflag:$0x3] =	sbarrier.arrive $0xFFFF;
	s2 =	simm.s32 @!p0 $0x1C0A  }
0x33a: {  	[timem:s3], [sflag:s2] =	dma.local @!p0 [hbm:s0], s1  }
0x33b: {  	s0 =	simm.s32 @!p0 $0xA  }
0x33c: {  	_ =	swait.ge @!p0 [sflag:s0], s1  }
0x33d: {  	s1 =	ssub.s32 @!p0 $0x0, s1;
	[sflag:s0] =	ssyncset.done @!p0 $0x0  }
0x33e: {  	[sflag:s0] =	ssyncadd.s32 @!p0 s1  }
0x33f: {  	[bflag:$0x3] =	sbarrier.arrive $0xFFFF  }
0x340: {  	_ =	shalt  }

</sc_bundles>
